<compile_context>
chip_gen: v7x
topology: tpu7x:2x2x1
jax: 0.10.2.dev20260603
libtpu: 0.0.44.dev20260713+nightly
codegen_flags: <defaults>
</compile_context>

<pallas_src>
import jax
import jax.numpy as jnp
from jax import lax
from jax.experimental import pallas as pl
from jax.experimental.pallas import tpu as pltpu
from jax.experimental.pallas import tpu_sc as plsc

N_NODES = 10000
N_EDGES = 320000
D = 128

NC = 2
NS = 16
LANES = 16
VPR = D // LANES

EDGES_PER_TILE = N_EDGES // (NC * NS)
CHUNK = 80
NCHUNKS = EDGES_PER_TILE // CHUNK

ACC_ROWS = 10240
ROWS_PER_TILE = ACC_ROWS // NS


def _mul_rows(xg, w):
    @plsc.parallel_loop(0, CHUNK, step=1, unroll=4)
    def _(e):
        for k in range(VPR):
            sl = pl.ds(k * LANES, LANES)
            xg[e, sl] = xg[e, sl] * w[e, sl]


def _sc_body(x_hbm, w_hbm, ii_hbm, ij_hbm, out_hbm,
             acc, ii0, ii1, ij0, ij1, w0, w1, xg0, xg1,
             sem_i0, sem_i1, sem_j0, sem_j1,
             sem_w0, sem_w1, sem_g0, sem_g1, sem_s0, sem_s1):
    cid = lax.axis_index("c")
    sid = lax.axis_index("s")
    ii = (ii0, ii1)
    ij = (ij0, ij1)
    w = (w0, w1)
    xg = (xg0, xg1)
    sem_i = (sem_i0, sem_i1)
    sem_j = (sem_j0, sem_j1)
    sem_w = (sem_w0, sem_w1)
    sem_g = (sem_g0, sem_g1)
    sem_s = (sem_s0, sem_s1)

    g0 = (cid * NS + sid) * EDGES_PER_TILE
    r0 = sid * ROWS_PER_TILE

    def ij_start(c, p):
        e0 = g0 + c * CHUNK
        pltpu.async_copy(ij_hbm.at[pl.ds(e0, CHUNK)], ij[p], sem_j[p])

    def ij_wait(p):
        pltpu.make_async_copy(ij_hbm.at[pl.ds(0, CHUNK)], ij[p], sem_j[p]).wait()

    def ii_start(c, p):
        e0 = g0 + c * CHUNK
        pltpu.async_copy(ii_hbm.at[pl.ds(e0, CHUNK)], ii[p], sem_i[p])

    def ii_wait(p):
        pltpu.make_async_copy(ii_hbm.at[pl.ds(0, CHUNK)], ii[p], sem_i[p]).wait()

    def w_start(c, p):
        e0 = g0 + c * CHUNK
        pltpu.async_copy(w_hbm.at[pl.ds(e0, CHUNK)], w[p], sem_w[p])

    def w_wait(p):
        pltpu.make_async_copy(w_hbm.at[pl.ds(0, CHUNK)], w[p], sem_w[p]).wait()

    def gather_start(p):
        pltpu.async_copy(x_hbm.at[ij[p]], xg[p], sem_g[p])

    def gather_wait(p):
        pltpu.make_async_copy(x_hbm.at[ij[p]], xg[p], sem_g[p]).wait()

    def scatter_start(p):
        pltpu.async_copy(xg[p], acc.at[ii[p]], sem_s[p], add=True)

    def scatter_wait(p):
        pltpu.make_async_copy(xg[p], acc.at[ii[p]], sem_s[p]).wait()

    def step(c, p, first=False, tail=0):
        if tail < 2:
            ij_wait(1 - p)
            if not first:
                scatter_wait(1 - p)
            gather_start(1 - p)
        gather_wait(p)
        if tail == 0:
            ij_start(c + 2, p)
        w_wait(p)
        _mul_rows(xg[p], w[p])
        ii_wait(p)
        scatter_start(p)
        if tail == 0:
            ii_start(c + 2, p)
            w_start(c + 2, p)

    ij_start(0, 0)
    ii_start(0, 0)
    w_start(0, 0)
    ij_start(1, 1)
    ii_start(1, 1)
    w_start(1, 1)

    def zbody(r, _):
        for k in range(VPR):
            xg0[r, pl.ds(k * LANES, LANES)] = jnp.zeros((LANES,), jnp.float32)
        return 0
    lax.fori_loop(0, CHUNK, zbody, 0)
    for b in range(ROWS_PER_TILE // CHUNK):
        pltpu.sync_copy(xg0, acc.at[pl.ds(r0 + b * CHUNK, CHUNK)])

    ij_wait(0)
    gather_start(0)
    plsc.subcore_barrier()
    step(0, 0, first=True)

    def pair(cc, _):
        c = 1 + 2 * cc
        step(c, 1)
        step(c + 1, 0)
        return 0
    lax.fori_loop(0, (NCHUNKS - 3) // 2, pair, 0)

    step(NCHUNKS - 2, 1, tail=1)
    step(NCHUNKS - 1, 0, tail=2)
    scatter_wait(1)
    scatter_wait(0)

    plsc.subcore_barrier()

    @pl.when(sid < NS - 1)
    def _():
        pltpu.sync_copy(acc.at[pl.ds(r0, ROWS_PER_TILE)],
                        out_hbm.at[cid, pl.ds(r0, ROWS_PER_TILE)])

    @pl.when(sid == NS - 1)
    def _():
        last = N_NODES - (NS - 1) * ROWS_PER_TILE
        pltpu.sync_copy(acc.at[pl.ds((NS - 1) * ROWS_PER_TILE, last)],
                        out_hbm.at[cid, pl.ds((NS - 1) * ROWS_PER_TILE, last)])


@jax.jit
def _cfconv_sc(x, w, ii, ij):
    mesh = plsc.VectorSubcoreMesh(core_axis_name="c", subcore_axis_name="s")
    f = pl.kernel(
        _sc_body,
        out_type=jax.ShapeDtypeStruct((NC, N_NODES, D), jnp.float32),
        mesh=mesh,
        scratch_types=[
            pltpu.VMEM_SHARED((ACC_ROWS, D), jnp.float32),
            pltpu.VMEM((CHUNK,), jnp.int32),
            pltpu.VMEM((CHUNK,), jnp.int32),
            pltpu.VMEM((CHUNK,), jnp.int32),
            pltpu.VMEM((CHUNK,), jnp.int32),
            pltpu.VMEM((CHUNK, D), jnp.float32),
            pltpu.VMEM((CHUNK, D), jnp.float32),
            pltpu.VMEM((CHUNK, D), jnp.float32),
            pltpu.VMEM((CHUNK, D), jnp.float32),
            pltpu.SemaphoreType.DMA,
            pltpu.SemaphoreType.DMA,
            pltpu.SemaphoreType.DMA,
            pltpu.SemaphoreType.DMA,
            pltpu.SemaphoreType.DMA,
            pltpu.SemaphoreType.DMA,
            pltpu.SemaphoreType.DMA,
            pltpu.SemaphoreType.DMA,
            pltpu.SemaphoreType.DMA,
            pltpu.SemaphoreType.DMA,
        ],
    )
    return f(x, w, ii, ij)


def _add_body(a_ref, b_ref, o_ref):
    o_ref[...] = a_ref[...] + b_ref[...]


@jax.jit
def _sum_partials(p):
    blk = 1000
    return pl.pallas_call(
        _add_body,
        out_shape=jax.ShapeDtypeStruct((N_NODES, D), jnp.float32),
        grid=(N_NODES // blk,),
        in_specs=[pl.BlockSpec((blk, D), lambda i: (i, 0))] * 2,
        out_specs=pl.BlockSpec((blk, D), lambda i: (i, 0)),
    )(p[0], p[1])


def kernel(x, Wij, idx_i, idx_j):
    ii = idx_i.astype(jnp.int32)
    ij = idx_j.astype(jnp.int32)
    partials = _cfconv_sc(x, Wij, ii, ij)
    return _sum_partials(partials)

# --- scband reference (transcript-rebuilt; emitter-appended) ---
"""Pipeline reference for scband-cfconv-1623497638322 (READ-ONLY COPY).

The authoritative reference and input builder live on the scoring server;
editing this copy changes nothing except your own understanding.
"""

import jax, jax.numpy as jnp
import numpy as np

N_NODES = 10000
N_EDGES = 320000
D_FEAT = 128

def setup_inputs(seed: int = 0) -> dict:
    key = jax.random.key(seed)
    k1, k2, k3, k4 = jax.random.split(key, 4)
    x = jax.random.normal(k1, (N_NODES, D_FEAT), dtype=jnp.float32)
    Wij = jax.random.normal(k2, (N_EDGES, D_FEAT), dtype=jnp.float32)
    idx_i = jnp.sort(jax.random.randint(k3, (N_EDGES,), 0, N_NODES, dtype=jnp.int64))
    idx_j = jax.random.randint(k4, (N_EDGES,), 0, N_NODES, dtype=jnp.int64)
    return {"x": x, "Wij": Wij, "idx_i": idx_i, "idx_j": idx_j}

def reference(x, Wij, idx_i, idx_j):
    # Continuous-filter convolution: gather neighbor features, modulate by
    # continuous filter, segment-sum into center atoms (reduce='sum').
    x_ij = jnp.take(x, idx_j, axis=0) * Wij
    y = jax.ops.segment_sum(x_ij, idx_i, num_segments=N_NODES)
    return y

if __name__ == "__main__":
    import jax
    _d = setup_inputs()
    print(jax.jit(kernel)(*tuple(_d.values())))

</pallas_src>

<mosaic_0001>
#map = affine_map<(d0, d1) -> (0, 0)>
#map1 = affine_map<(d0, d1) -> (0)>
#map2 = affine_map<(d0, d1) -> (0, 0, 0)>
module attributes {stable_mosaic.version = 14 : i64} {
  func.func @_sc_body(%arg0: i32, %arg1: i32, %arg2: memref<10000x128xf32, #tpu.memory_space<hbm>>, %arg3: memref<320000x128xf32, #tpu.memory_space<hbm>>, %arg4: memref<320000xi32, #tpu.memory_space<hbm>>, %arg5: memref<320000xi32, #tpu.memory_space<hbm>>, %arg6: memref<2x10000x128xf32, #tpu.memory_space<hbm>>, %arg7: memref<10240x128xf32, #tpu.memory_space<vmem_shared>>, %arg8: memref<80xi32, #tpu.memory_space<vmem>>, %arg9: memref<80xi32, #tpu.memory_space<vmem>>, %arg10: memref<80xi32, #tpu.memory_space<vmem>>, %arg11: memref<80xi32, #tpu.memory_space<vmem>>, %arg12: memref<80x128xf32, #tpu.memory_space<vmem>>, %arg13: memref<80x128xf32, #tpu.memory_space<vmem>>, %arg14: memref<80x128xf32, #tpu.memory_space<vmem>>, %arg15: memref<80x128xf32, #tpu.memory_space<vmem>>, %arg16: memref<!tpu.dma_semaphore, #tpu.memory_space<semaphore_mem>>, %arg17: memref<!tpu.dma_semaphore, #tpu.memory_space<semaphore_mem>>, %arg18: memref<!tpu.dma_semaphore, #tpu.memory_space<semaphore_mem>>, %arg19: memref<!tpu.dma_semaphore, #tpu.memory_space<semaphore_mem>>, %arg20: memref<!tpu.dma_semaphore, #tpu.memory_space<semaphore_mem>>, %arg21: memref<!tpu.dma_semaphore, #tpu.memory_space<semaphore_mem>>, %arg22: memref<!tpu.dma_semaphore, #tpu.memory_space<semaphore_mem>>, %arg23: memref<!tpu.dma_semaphore, #tpu.memory_space<semaphore_mem>>, %arg24: memref<!tpu.dma_semaphore, #tpu.memory_space<semaphore_mem>>, %arg25: memref<!tpu.dma_semaphore, #tpu.memory_space<semaphore_mem>>) attributes {dimension_semantics = [#tpu.dimension_semantics<core_parallel>, #tpu.dimension_semantics<subcore_parallel>], iteration_bounds = array<i64: 2, 16>, scalar_prefetch = 0 : i64, scratch_operands = 19 : i64, tpu.core_type = #tpu.core_type<sc_vector_subcore>, window_params = [{transform_indices = #map}, {transform_indices = #map}, {transform_indices = #map1}, {transform_indices = #map1}, {transform_indices = #map2}]} {
    %mul3A = arith.constant 16 : i32
    %mul3A_0 = arith.muli %arg0, %mul3A : i32
    %add3A = arith.addi %mul3A_0, %arg1 : i32
    %mul3A_1 = arith.constant 10000 : i32
    %mul3A_2 = arith.muli %add3A, %mul3A_1 : i32
    %mul3A_3 = arith.constant 640 : i32
    %mul3A_4 = arith.muli %arg1, %mul3A_3 : i32
    %add3A_5 = arith.constant 0 : i32
    %add3A_6 = arith.addi %mul3A_2, %add3A_5 : i32
    %dma_start3A = tpu.memref_slice %arg5[%add3A_6] : memref<320000xi32, #tpu.memory_space<hbm>> -> memref<80xi32, #tpu.memory_space<hbm>>
    %dma_start3A_7 = tpu.memref_slice %arg5[%add3A_6] : memref<320000xi32, #tpu.memory_space<hbm>> -> memref<80xi32, #tpu.memory_space<hbm>>
    tpu.enqueue_dma source(%dma_start3A_7 : memref<80xi32, #tpu.memory_space<hbm>>) target(%arg10 : memref<80xi32, #tpu.memory_space<vmem>>) target_semaphore(%arg18 : memref<!tpu.dma_semaphore, #tpu.memory_space<semaphore_mem>>)
    %add3A_8 = arith.constant 0 : i32
    %add3A_9 = arith.addi %mul3A_2, %add3A_8 : i32
    %dma_start3A_10 = tpu.memref_slice %arg4[%add3A_9] : memref<320000xi32, #tpu.memory_space<hbm>> -> memref<80xi32, #tpu.memory_space<hbm>>
    %dma_start3A_11 = tpu.memref_slice %arg4[%add3A_9] : memref<320000xi32, #tpu.memory_space<hbm>> -> memref<80xi32, #tpu.memory_space<hbm>>
    tpu.enqueue_dma source(%dma_start3A_11 : memref<80xi32, #tpu.memory_space<hbm>>) target(%arg8 : memref<80xi32, #tpu.memory_space<vmem>>) target_semaphore(%arg16 : memref<!tpu.dma_semaphore, #tpu.memory_space<semaphore_mem>>)
    %add3A_12 = arith.constant 0 : i32
    %add3A_13 = arith.addi %mul3A_2, %add3A_12 : i32
    %dma_start3A_14 = arith.constant 0 : i32
    %dma_start3A_15 = tpu.memref_slice %arg3[%add3A_13, %dma_start3A_14] : memref<320000x128xf32, #tpu.memory_space<hbm>> -> memref<80x128xf32, #tpu.memory_space<hbm>>
    %dma_start3A_16 = arith.constant 0 : i32
    %dma_start3A_17 = tpu.memref_slice %arg3[%add3A_13, %dma_start3A_16] : memref<320000x128xf32, #tpu.memory_space<hbm>> -> memref<80x128xf32, #tpu.memory_space<hbm>>
    tpu.enqueue_dma source(%dma_start3A_17 : memref<80x128xf32, #tpu.memory_space<hbm>>) target(%arg12 : memref<80x128xf32, #tpu.memory_space<vmem>>) target_semaphore(%arg20 : memref<!tpu.dma_semaphore, #tpu.memory_space<semaphore_mem>>)
    %add3A_18 = arith.constant 80 : i32
    %add3A_19 = arith.addi %mul3A_2, %add3A_18 : i32
    %dma_start3A_20 = tpu.memref_slice %arg5[%add3A_19] : memref<320000xi32, #tpu.memory_space<hbm>> -> memref<80xi32, #tpu.memory_space<hbm>>
    %dma_start3A_21 = tpu.memref_slice %arg5[%add3A_19] : memref<320000xi32, #tpu.memory_space<hbm>> -> memref<80xi32, #tpu.memory_space<hbm>>
    tpu.enqueue_dma source(%dma_start3A_21 : memref<80xi32, #tpu.memory_space<hbm>>) target(%arg11 : memref<80xi32, #tpu.memory_space<vmem>>) target_semaphore(%arg19 : memref<!tpu.dma_semaphore, #tpu.memory_space<semaphore_mem>>)
    %add3A_22 = arith.constant 80 : i32
    %add3A_23 = arith.addi %mul3A_2, %add3A_22 : i32
    %dma_start3A_24 = tpu.memref_slice %arg4[%add3A_23] : memref<320000xi32, #tpu.memory_space<hbm>> -> memref<80xi32, #tpu.memory_space<hbm>>
    %dma_start3A_25 = tpu.memref_slice %arg4[%add3A_23] : memref<320000xi32, #tpu.memory_space<hbm>> -> memref<80xi32, #tpu.memory_space<hbm>>
    tpu.enqueue_dma source(%dma_start3A_25 : memref<80xi32, #tpu.memory_space<hbm>>) target(%arg9 : memref<80xi32, #tpu.memory_space<vmem>>) target_semaphore(%arg17 : memref<!tpu.dma_semaphore, #tpu.memory_space<semaphore_mem>>)
    %add3A_26 = arith.constant 80 : i32
    %add3A_27 = arith.addi %mul3A_2, %add3A_26 : i32
    %dma_start3A_28 = arith.constant 0 : i32
    %dma_start3A_29 = tpu.memref_slice %arg3[%add3A_27, %dma_start3A_28] : memref<320000x128xf32, #tpu.memory_space<hbm>> -> memref<80x128xf32, #tpu.memory_space<hbm>>
    %dma_start3A_30 = arith.constant 0 : i32
    %dma_start3A_31 = tpu.memref_slice %arg3[%add3A_27, %dma_start3A_30] : memref<320000x128xf32, #tpu.memory_space<hbm>> -> memref<80x128xf32, #tpu.memory_space<hbm>>
    tpu.enqueue_dma source(%dma_start3A_31 : memref<80x128xf32, #tpu.memory_space<hbm>>) target(%arg13 : memref<80x128xf32, #tpu.memory_space<vmem>>) target_semaphore(%arg21 : memref<!tpu.dma_semaphore, #tpu.memory_space<semaphore_mem>>)
    %scan3A = arith.constant 0 : i32
    %scan3A_32 = arith.constant 0 : i32
    %scan3A_33 = arith.constant 80 : i32
    %scan3A_34 = arith.addi %scan3A_32, %scan3A_33 : i32
    %scan3A_35 = arith.constant 1 : i32
    %scan3A_36 = scf.for %scan3A_167 = %scan3A_32 to %scan3A_34 step %scan3A_35 iter_args(%scan3A_168 = %scan3A) -> (i32)  : i32 {
      %broadcast_in_dim3A = arith.constant 0.000000e+00 : f32
      %broadcast_in_dim3A_169 = vector.broadcast %broadcast_in_dim3A : f32 to vector<16xf32>
      %swap3A = arith.index_cast %scan3A_167 : i32 to index
      %swap3A_170 = arith.constant 0 : index
      %swap3A_171 = tpu.vector_load %arg14[%swap3A, %swap3A_170] {strides = array<i32>} : memref<80x128xf32, #tpu.memory_space<vmem>>, vector<1x16xf32>,
      %swap3A_172 = vector.shape_cast %swap3A_171 : vector<1x16xf32> to vector<16xf32>
      %swap3A_173 = vector.shape_cast %broadcast_in_dim3A_169 : vector<16xf32> to vector<1x16xf32>
      tpu.vector_store %arg14[%swap3A, %swap3A_170], %swap3A_173 {strides = array<i32>} : memref<80x128xf32, #tpu.memory_space<vmem>>, vector<1x16xf32>,
      %broadcast_in_dim3A_174 = arith.constant 0.000000e+00 : f32
      %broadcast_in_dim3A_175 = vector.broadcast %broadcast_in_dim3A_174 : f32 to vector<16xf32>
      %swap3A_176 = arith.index_cast %scan3A_167 : i32 to index
      %swap3A_177 = arith.constant 16 : index
      %swap3A_178 = tpu.vector_load %arg14[%swap3A_176, %swap3A_177] {strides = array<i32>} : memref<80x128xf32, #tpu.memory_space<vmem>>, vector<1x16xf32>,
      %swap3A_179 = vector.shape_cast %swap3A_178 : vector<1x16xf32> to vector<16xf32>
      %swap3A_180 = vector.shape_cast %broadcast_in_dim3A_175 : vector<16xf32> to vector<1x16xf32>
      tpu.vector_store %arg14[%swap3A_176, %swap3A_177], %swap3A_180 {strides = array<i32>} : memref<80x128xf32, #tpu.memory_space<vmem>>, vector<1x16xf32>,
      %broadcast_in_dim3A_181 = arith.constant 0.000000e+00 : f32
      %broadcast_in_dim3A_182 = vector.broadcast %broadcast_in_dim3A_181 : f32 to vector<16xf32>
      %swap3A_183 = arith.index_cast %scan3A_167 : i32 to index
      %swap3A_184 = arith.constant 32 : index
      %swap3A_185 = tpu.vector_load %arg14[%swap3A_183, %swap3A_184] {strides = array<i32>} : memref<80x128xf32, #tpu.memory_space<vmem>>, vector<1x16xf32>,
      %swap3A_186 = vector.shape_cast %swap3A_185 : vector<1x16xf32> to vector<16xf32>
      %swap3A_187 = vector.shape_cast %broadcast_in_dim3A_182 : vector<16xf32> to vector<1x16xf32>
      tpu.vector_store %arg14[%swap3A_183, %swap3A_184], %swap3A_187 {strides = array<i32>} : memref<80x128xf32, #tpu.memory_space<vmem>>, vector<1x16xf32>,
      %broadcast_in_dim3A_188 = arith.constant 0.000000e+00 : f32
      %broadcast_in_dim3A_189 = vector.broadcast %broadcast_in_dim3A_188 : f32 to vector<16xf32>
      %swap3A_190 = arith.index_cast %scan3A_167 : i32 to index
      %swap3A_191 = arith.constant 48 : index
      %swap3A_192 = tpu.vector_load %arg14[%swap3A_190, %swap3A_191] {strides = array<i32>} : memref<80x128xf32, #tpu.memory_space<vmem>>, vector<1x16xf32>,
      %swap3A_193 = vector.shape_cast %swap3A_192 : vector<1x16xf32> to vector<16xf32>
      %swap3A_194 = vector.shape_cast %broadcast_in_dim3A_189 : vector<16xf32> to vector<1x16xf32>
      tpu.vector_store %arg14[%swap3A_190, %swap3A_191], %swap3A_194 {strides = array<i32>} : memref<80x128xf32, #tpu.memory_space<vmem>>, vector<1x16xf32>,
      %broadcast_in_dim3A_195 = arith.constant 0.000000e+00 : f32
      %broadcast_in_dim3A_196 = vector.broadcast %broadcast_in_dim3A_195 : f32 to vector<16xf32>
      %swap3A_197 = arith.index_cast %scan3A_167 : i32 to index
      %swap3A_198 = arith.constant 64 : index
      %swap3A_199 = tpu.vector_load %arg14[%swap3A_197, %swap3A_198] {strides = array<i32>} : memref<80x128xf32, #tpu.memory_space<vmem>>, vector<1x16xf32>,
      %swap3A_200 = vector.shape_cast %swap3A_199 : vector<1x16xf32> to vector<16xf32>
      %swap3A_201 = vector.shape_cast %broadcast_in_dim3A_196 : vector<16xf32> to vector<1x16xf32>
      tpu.vector_store %arg14[%swap3A_197, %swap3A_198], %swap3A_201 {strides = array<i32>} : memref<80x128xf32, #tpu.memory_space<vmem>>, vector<1x16xf32>,
      %broadcast_in_dim3A_202 = arith.constant 0.000000e+00 : f32
      %broadcast_in_dim3A_203 = vector.broadcast %broadcast_in_dim3A_202 : f32 to vector<16xf32>
      %swap3A_204 = arith.index_cast %scan3A_167 : i32 to index
      %swap3A_205 = arith.constant 80 : index
      %swap3A_206 = tpu.vector_load %arg14[%swap3A_204, %swap3A_205] {strides = array<i32>} : memref<80x128xf32, #tpu.memory_space<vmem>>, vector<1x16xf32>,
      %swap3A_207 = vector.shape_cast %swap3A_206 : vector<1x16xf32> to vector<16xf32>
      %swap3A_208 = vector.shape_cast %broadcast_in_dim3A_203 : vector<16xf32> to vector<1x16xf32>
      tpu.vector_store %arg14[%swap3A_204, %swap3A_205], %swap3A_208 {strides = array<i32>} : memref<80x128xf32, #tpu.memory_space<vmem>>, vector<1x16xf32>,
      %broadcast_in_dim3A_209 = arith.constant 0.000000e+00 : f32
      %broadcast_in_dim3A_210 = vector.broadcast %broadcast_in_dim3A_209 : f32 to vector<16xf32>
      %swap3A_211 = arith.index_cast %scan3A_167 : i32 to index
      %swap3A_212 = arith.constant 96 : index
      %swap3A_213 = tpu.vector_load %arg14[%swap3A_211, %swap3A_212] {strides = array<i32>} : memref<80x128xf32, #tpu.memory_space<vmem>>, vector<1x16xf32>,
      %swap3A_214 = vector.shape_cast %swap3A_213 : vector<1x16xf32> to vector<16xf32>
      %swap3A_215 = vector.shape_cast %broadcast_in_dim3A_210 : vector<16xf32> to vector<1x16xf32>
      tpu.vector_store %arg14[%swap3A_211, %swap3A_212], %swap3A_215 {strides = array<i32>} : memref<80x128xf32, #tpu.memory_space<vmem>>, vector<1x16xf32>,
      %broadcast_in_dim3A_216 = arith.constant 0.000000e+00 : f32
      %broadcast_in_dim3A_217 = vector.broadcast %broadcast_in_dim3A_216 : f32 to vector<16xf32>
      %swap3A_218 = arith.index_cast %scan3A_167 : i32 to index
      %swap3A_219 = arith.constant 112 : index
      %swap3A_220 = tpu.vector_load %arg14[%swap3A_218, %swap3A_219] {strides = array<i32>} : memref<80x128xf32, #tpu.memory_space<vmem>>, vector<1x16xf32>,
      %swap3A_221 = vector.shape_cast %swap3A_220 : vector<1x16xf32> to vector<16xf32>
      %swap3A_222 = vector.shape_cast %broadcast_in_dim3A_217 : vector<16xf32> to vector<1x16xf32>
      tpu.vector_store %arg14[%swap3A_218, %swap3A_219], %swap3A_222 {strides = array<i32>} : memref<80x128xf32, #tpu.memory_space<vmem>>, vector<1x16xf32>,
      %scan3A_223 = arith.constant 0 : i32
      scf.yield %scan3A_223 : i32
    }
    %scan3A_37 = arith.constant 80 : i32
    %add3A_38 = arith.constant 0 : i32
    %add3A_39 = arith.addi %mul3A_4, %add3A_38 : i32
    "tpu.region"() ({
      %run_scoped3A = tpu.sem_alloc : memref<!tpu.dma_semaphore, #tpu.memory_space<semaphore_mem>>
      %dma_start3A_167 = arith.constant 0 : i32
      %dma_start3A_168 = tpu.memref_slice %arg7[%add3A_39, %dma_start3A_167] : memref<10240x128xf32, #tpu.memory_space<vmem_shared>> -> memref<80x128xf32, #tpu.memory_space<vmem_shared>>
      %dma_start3A_169 = arith.constant 0 : i32
      %dma_start3A_170 = tpu.memref_slice %arg7[%add3A_39, %dma_start3A_169] : memref<10240x128xf32, #tpu.memory_space<vmem_shared>> -> memref<80x128xf32, #tpu.memory_space<vmem_shared>>
      tpu.enqueue_dma source(%arg14 : memref<80x128xf32, #tpu.memory_space<vmem>>) target(%dma_start3A_170 : memref<80x128xf32, #tpu.memory_space<vmem_shared>>) target_semaphore(%run_scoped3A : memref<!tpu.dma_semaphore, #tpu.memory_space<semaphore_mem>>)
      %dma_wait3A_171 = arith.constant 0 : i32
      %dma_wait3A_172 = tpu.memref_slice %arg7[%add3A_39, %dma_wait3A_171] : memref<10240x128xf32, #tpu.memory_space<vmem_shared>> -> memref<80x128xf32, #tpu.memory_space<vmem_shared>>
      %dma_wait3A_173 = arith.constant 0 : i32
      %dma_wait3A_174 = tpu.memref_slice %arg7[%add3A_39, %dma_wait3A_173] : memref<10240x128xf32, #tpu.memory_space<vmem_shared>> -> memref<80x128xf32, #tpu.memory_space<vmem_shared>>
      tpu.wait_dma2 semaphore(%run_scoped3A : memref<!tpu.dma_semaphore, #tpu.memory_space<semaphore_mem>>) src(%arg14 : memref<80x128xf32, #tpu.memory_space<vmem>>) dst(%dma_wait3A_174 : memref<80x128xf32, #tpu.memory_space<vmem_shared>>)
      tpu.yield
    }) : () -> ()
    %add3A_40 = arith.constant 80 : i32
    %add3A_41 = arith.addi %mul3A_4, %add3A_40 : i32
    "tpu.region"() ({
      %run_scoped3A = tpu.sem_alloc : memref<!tpu.dma_semaphore, #tpu.memory_space<semaphore_mem>>
      %dma_start3A_167 = arith.constant 0 : i32
      %dma_start3A_168 = tpu.memref_slice %arg7[%add3A_41, %dma_start3A_167] : memref<10240x128xf32, #tpu.memory_space<vmem_shared>> -> memref<80x128xf32, #tpu.memory_space<vmem_shared>>
      %dma_start3A_169 = arith.constant 0 : i32
      %dma_start3A_170 = tpu.memref_slice %arg7[%add3A_41, %dma_start3A_169] : memref<10240x128xf32, #tpu.memory_space<vmem_shared>> -> memref<80x128xf32, #tpu.memory_space<vmem_shared>>
      tpu.enqueue_dma source(%arg14 : memref<80x128xf32, #tpu.memory_space<vmem>>) target(%dma_start3A_170 : memref<80x128xf32, #tpu.memory_space<vmem_shared>>) target_semaphore(%run_scoped3A : memref<!tpu.dma_semaphore, #tpu.memory_space<semaphore_mem>>)
      %dma_wait3A_171 = arith.constant 0 : i32
      %dma_wait3A_172 = tpu.memref_slice %arg7[%add3A_41, %dma_wait3A_171] : memref<10240x128xf32, #tpu.memory_space<vmem_shared>> -> memref<80x128xf32, #tpu.memory_space<vmem_shared>>
      %dma_wait3A_173 = arith.constant 0 : i32
      %dma_wait3A_174 = tpu.memref_slice %arg7[%add3A_41, %dma_wait3A_173] : memref<10240x128xf32, #tpu.memory_space<vmem_shared>> -> memref<80x128xf32, #tpu.memory_space<vmem_shared>>
      tpu.wait_dma2 semaphore(%run_scoped3A : memref<!tpu.dma_semaphore, #tpu.memory_space<semaphore_mem>>) src(%arg14 : memref<80x128xf32, #tpu.memory_space<vmem>>) dst(%dma_wait3A_174 : memref<80x128xf32, #tpu.memory_space<vmem_shared>>)
      tpu.yield
    }) : () -> ()
    %add3A_42 = arith.constant 160 : i32
    %add3A_43 = arith.addi %mul3A_4, %add3A_42 : i32
    "tpu.region"() ({
      %run_scoped3A = tpu.sem_alloc : memref<!tpu.dma_semaphore, #tpu.memory_space<semaphore_mem>>
      %dma_start3A_167 = arith.constant 0 : i32
      %dma_start3A_168 = tpu.memref_slice %arg7[%add3A_43, %dma_start3A_167] : memref<10240x128xf32, #tpu.memory_space<vmem_shared>> -> memref<80x128xf32, #tpu.memory_space<vmem_shared>>
      %dma_start3A_169 = arith.constant 0 : i32
      %dma_start3A_170 = tpu.memref_slice %arg7[%add3A_43, %dma_start3A_169] : memref<10240x128xf32, #tpu.memory_space<vmem_shared>> -> memref<80x128xf32, #tpu.memory_space<vmem_shared>>
      tpu.enqueue_dma source(%arg14 : memref<80x128xf32, #tpu.memory_space<vmem>>) target(%dma_start3A_170 : memref<80x128xf32, #tpu.memory_space<vmem_shared>>) target_semaphore(%run_scoped3A : memref<!tpu.dma_semaphore, #tpu.memory_space<semaphore_mem>>)
      %dma_wait3A_171 = arith.constant 0 : i32
      %dma_wait3A_172 = tpu.memref_slice %arg7[%add3A_43, %dma_wait3A_171] : memref<10240x128xf32, #tpu.memory_space<vmem_shared>> -> memref<80x128xf32, #tpu.memory_space<vmem_shared>>
      %dma_wait3A_173 = arith.constant 0 : i32
      %dma_wait3A_174 = tpu.memref_slice %arg7[%add3A_43, %dma_wait3A_173] : memref<10240x128xf32, #tpu.memory_space<vmem_shared>> -> memref<80x128xf32, #tpu.memory_space<vmem_shared>>
      tpu.wait_dma2 semaphore(%run_scoped3A : memref<!tpu.dma_semaphore, #tpu.memory_space<semaphore_mem>>) src(%arg14 : memref<80x128xf32, #tpu.memory_space<vmem>>) dst(%dma_wait3A_174 : memref<80x128xf32, #tpu.memory_space<vmem_shared>>)
      tpu.yield
    }) : () -> ()
    %add3A_44 = arith.constant 240 : i32
    %add3A_45 = arith.addi %mul3A_4, %add3A_44 : i32
    "tpu.region"() ({
      %run_scoped3A = tpu.sem_alloc : memref<!tpu.dma_semaphore, #tpu.memory_space<semaphore_mem>>
      %dma_start3A_167 = arith.constant 0 : i32
      %dma_start3A_168 = tpu.memref_slice %arg7[%add3A_45, %dma_start3A_167] : memref<10240x128xf32, #tpu.memory_space<vmem_shared>> -> memref<80x128xf32, #tpu.memory_space<vmem_shared>>
      %dma_start3A_169 = arith.constant 0 : i32
      %dma_start3A_170 = tpu.memref_slice %arg7[%add3A_45, %dma_start3A_169] : memref<10240x128xf32, #tpu.memory_space<vmem_shared>> -> memref<80x128xf32, #tpu.memory_space<vmem_shared>>
      tpu.enqueue_dma source(%arg14 : memref<80x128xf32, #tpu.memory_space<vmem>>) target(%dma_start3A_170 : memref<80x128xf32, #tpu.memory_space<vmem_shared>>) target_semaphore(%run_scoped3A : memref<!tpu.dma_semaphore, #tpu.memory_space<semaphore_mem>>)
      %dma_wait3A_171 = arith.constant 0 : i32
      %dma_wait3A_172 = tpu.memref_slice %arg7[%add3A_45, %dma_wait3A_171] : memref<10240x128xf32, #tpu.memory_space<vmem_shared>> -> memref<80x128xf32, #tpu.memory_space<vmem_shared>>
      %dma_wait3A_173 = arith.constant 0 : i32
      %dma_wait3A_174 = tpu.memref_slice %arg7[%add3A_45, %dma_wait3A_173] : memref<10240x128xf32, #tpu.memory_space<vmem_shared>> -> memref<80x128xf32, #tpu.memory_space<vmem_shared>>
      tpu.wait_dma2 semaphore(%run_scoped3A : memref<!tpu.dma_semaphore, #tpu.memory_space<semaphore_mem>>) src(%arg14 : memref<80x128xf32, #tpu.memory_space<vmem>>) dst(%dma_wait3A_174 : memref<80x128xf32, #tpu.memory_space<vmem_shared>>)
      tpu.yield
    }) : () -> ()
    %add3A_46 = arith.constant 320 : i32
    %add3A_47 = arith.addi %mul3A_4, %add3A_46 : i32
    "tpu.region"() ({
      %run_scoped3A = tpu.sem_alloc : memref<!tpu.dma_semaphore, #tpu.memory_space<semaphore_mem>>
      %dma_start3A_167 = arith.constant 0 : i32
      %dma_start3A_168 = tpu.memref_slice %arg7[%add3A_47, %dma_start3A_167] : memref<10240x128xf32, #tpu.memory_space<vmem_shared>> -> memref<80x128xf32, #tpu.memory_space<vmem_shared>>
      %dma_start3A_169 = arith.constant 0 : i32
      %dma_start3A_170 = tpu.memref_slice %arg7[%add3A_47, %dma_start3A_169] : memref<10240x128xf32, #tpu.memory_space<vmem_shared>> -> memref<80x128xf32, #tpu.memory_space<vmem_shared>>
      tpu.enqueue_dma source(%arg14 : memref<80x128xf32, #tpu.memory_space<vmem>>) target(%dma_start3A_170 : memref<80x128xf32, #tpu.memory_space<vmem_shared>>) target_semaphore(%run_scoped3A : memref<!tpu.dma_semaphore, #tpu.memory_space<semaphore_mem>>)
      %dma_wait3A_171 = arith.constant 0 : i32
      %dma_wait3A_172 = tpu.memref_slice %arg7[%add3A_47, %dma_wait3A_171] : memref<10240x128xf32, #tpu.memory_space<vmem_shared>> -> memref<80x128xf32, #tpu.memory_space<vmem_shared>>
      %dma_wait3A_173 = arith.constant 0 : i32
      %dma_wait3A_174 = tpu.memref_slice %arg7[%add3A_47, %dma_wait3A_173] : memref<10240x128xf32, #tpu.memory_space<vmem_shared>> -> memref<80x128xf32, #tpu.memory_space<vmem_shared>>
      tpu.wait_dma2 semaphore(%run_scoped3A : memref<!tpu.dma_semaphore, #tpu.memory_space<semaphore_mem>>) src(%arg14 : memref<80x128xf32, #tpu.memory_space<vmem>>) dst(%dma_wait3A_174 : memref<80x128xf32, #tpu.memory_space<vmem_shared>>)
      tpu.yield
    }) : () -> ()
    %add3A_48 = arith.constant 400 : i32
    %add3A_49 = arith.addi %mul3A_4, %add3A_48 : i32
    "tpu.region"() ({
      %run_scoped3A = tpu.sem_alloc : memref<!tpu.dma_semaphore, #tpu.memory_space<semaphore_mem>>
      %dma_start3A_167 = arith.constant 0 : i32
      %dma_start3A_168 = tpu.memref_slice %arg7[%add3A_49, %dma_start3A_167] : memref<10240x128xf32, #tpu.memory_space<vmem_shared>> -> memref<80x128xf32, #tpu.memory_space<vmem_shared>>
      %dma_start3A_169 = arith.constant 0 : i32
      %dma_start3A_170 = tpu.memref_slice %arg7[%add3A_49, %dma_start3A_169] : memref<10240x128xf32, #tpu.memory_space<vmem_shared>> -> memref<80x128xf32, #tpu.memory_space<vmem_shared>>
      tpu.enqueue_dma source(%arg14 : memref<80x128xf32, #tpu.memory_space<vmem>>) target(%dma_start3A_170 : memref<80x128xf32, #tpu.memory_space<vmem_shared>>) target_semaphore(%run_scoped3A : memref<!tpu.dma_semaphore, #tpu.memory_space<semaphore_mem>>)
      %dma_wait3A_171 = arith.constant 0 : i32
      %dma_wait3A_172 = tpu.memref_slice %arg7[%add3A_49, %dma_wait3A_171] : memref<10240x128xf32, #tpu.memory_space<vmem_shared>> -> memref<80x128xf32, #tpu.memory_space<vmem_shared>>
      %dma_wait3A_173 = arith.constant 0 : i32
      %dma_wait3A_174 = tpu.memref_slice %arg7[%add3A_49, %dma_wait3A_173] : memref<10240x128xf32, #tpu.memory_space<vmem_shared>> -> memref<80x128xf32, #tpu.memory_space<vmem_shared>>
      tpu.wait_dma2 semaphore(%run_scoped3A : memref<!tpu.dma_semaphore, #tpu.memory_space<semaphore_mem>>) src(%arg14 : memref<80x128xf32, #tpu.memory_space<vmem>>) dst(%dma_wait3A_174 : memref<80x128xf32, #tpu.memory_space<vmem_shared>>)
      tpu.yield
    }) : () -> ()
    %add3A_50 = arith.constant 480 : i32
    %add3A_51 = arith.addi %mul3A_4, %add3A_50 : i32
    "tpu.region"() ({
      %run_scoped3A = tpu.sem_alloc : memref<!tpu.dma_semaphore, #tpu.memory_space<semaphore_mem>>
      %dma_start3A_167 = arith.constant 0 : i32
      %dma_start3A_168 = tpu.memref_slice %arg7[%add3A_51, %dma_start3A_167] : memref<10240x128xf32, #tpu.memory_space<vmem_shared>> -> memref<80x128xf32, #tpu.memory_space<vmem_shared>>
      %dma_start3A_169 = arith.constant 0 : i32
      %dma_start3A_170 = tpu.memref_slice %arg7[%add3A_51, %dma_start3A_169] : memref<10240x128xf32, #tpu.memory_space<vmem_shared>> -> memref<80x128xf32, #tpu.memory_space<vmem_shared>>
      tpu.enqueue_dma source(%arg14 : memref<80x128xf32, #tpu.memory_space<vmem>>) target(%dma_start3A_170 : memref<80x128xf32, #tpu.memory_space<vmem_shared>>) target_semaphore(%run_scoped3A : memref<!tpu.dma_semaphore, #tpu.memory_space<semaphore_mem>>)
      %dma_wait3A_171 = arith.constant 0 : i32
      %dma_wait3A_172 = tpu.memref_slice %arg7[%add3A_51, %dma_wait3A_171] : memref<10240x128xf32, #tpu.memory_space<vmem_shared>> -> memref<80x128xf32, #tpu.memory_space<vmem_shared>>
      %dma_wait3A_173 = arith.constant 0 : i32
      %dma_wait3A_174 = tpu.memref_slice %arg7[%add3A_51, %dma_wait3A_173] : memref<10240x128xf32, #tpu.memory_space<vmem_shared>> -> memref<80x128xf32, #tpu.memory_space<vmem_shared>>
      tpu.wait_dma2 semaphore(%run_scoped3A : memref<!tpu.dma_semaphore, #tpu.memory_space<semaphore_mem>>) src(%arg14 : memref<80x128xf32, #tpu.memory_space<vmem>>) dst(%dma_wait3A_174 : memref<80x128xf32, #tpu.memory_space<vmem_shared>>)
      tpu.yield
    }) : () -> ()
    %add3A_52 = arith.constant 560 : i32
    %add3A_53 = arith.addi %mul3A_4, %add3A_52 : i32
    "tpu.region"() ({
      %run_scoped3A = tpu.sem_alloc : memref<!tpu.dma_semaphore, #tpu.memory_space<semaphore_mem>>
      %dma_start3A_167 = arith.constant 0 : i32
      %dma_start3A_168 = tpu.memref_slice %arg7[%add3A_53, %dma_start3A_167] : memref<10240x128xf32, #tpu.memory_space<vmem_shared>> -> memref<80x128xf32, #tpu.memory_space<vmem_shared>>
      %dma_start3A_169 = arith.constant 0 : i32
      %dma_start3A_170 = tpu.memref_slice %arg7[%add3A_53, %dma_start3A_169] : memref<10240x128xf32, #tpu.memory_space<vmem_shared>> -> memref<80x128xf32, #tpu.memory_space<vmem_shared>>
      tpu.enqueue_dma source(%arg14 : memref<80x128xf32, #tpu.memory_space<vmem>>) target(%dma_start3A_170 : memref<80x128xf32, #tpu.memory_space<vmem_shared>>) target_semaphore(%run_scoped3A : memref<!tpu.dma_semaphore, #tpu.memory_space<semaphore_mem>>)
      %dma_wait3A_171 = arith.constant 0 : i32
      %dma_wait3A_172 = tpu.memref_slice %arg7[%add3A_53, %dma_wait3A_171] : memref<10240x128xf32, #tpu.memory_space<vmem_shared>> -> memref<80x128xf32, #tpu.memory_space<vmem_shared>>
      %dma_wait3A_173 = arith.constant 0 : i32
      %dma_wait3A_174 = tpu.memref_slice %arg7[%add3A_53, %dma_wait3A_173] : memref<10240x128xf32, #tpu.memory_space<vmem_shared>> -> memref<80x128xf32, #tpu.memory_space<vmem_shared>>
      tpu.wait_dma2 semaphore(%run_scoped3A : memref<!tpu.dma_semaphore, #tpu.memory_space<semaphore_mem>>) src(%arg14 : memref<80x128xf32, #tpu.memory_space<vmem>>) dst(%dma_wait3A_174 : memref<80x128xf32, #tpu.memory_space<vmem_shared>>)
      tpu.yield
    }) : () -> ()
    %dma_wait3A = arith.constant 0 : i32
    %dma_wait3A_54 = tpu.memref_slice %arg5[%dma_wait3A] : memref<320000xi32, #tpu.memory_space<hbm>> -> memref<80xi32, #tpu.memory_space<hbm>>
    %dma_wait3A_55 = arith.constant 0 : i32
    %dma_wait3A_56 = tpu.memref_slice %arg5[%dma_wait3A_55] : memref<320000xi32, #tpu.memory_space<hbm>> -> memref<80xi32, #tpu.memory_space<hbm>>
    tpu.wait_dma2 semaphore(%arg18 : memref<!tpu.dma_semaphore, #tpu.memory_space<semaphore_mem>>) src(%dma_wait3A_56 : memref<80xi32, #tpu.memory_space<hbm>>) dst(%arg10 : memref<80xi32, #tpu.memory_space<vmem>>)
    %dma_start3A_57 = arith.constant 0 : i32
    %dma_start3A_58 = arith.constant 0 : i32
    %dma_start3A_59 = tpu.memref_slice %arg2[%dma_start3A_57, %dma_start3A_58] : memref<10000x128xf32, #tpu.memory_space<hbm>> -> memref<10000x128xf32, #tpu.memory_space<hbm>>
    tpu.enqueue_indirect_dma source(%dma_start3A_59 : memref<10000x128xf32, #tpu.memory_space<hbm>>) target(%arg14 : memref<80x128xf32, #tpu.memory_space<vmem>>) offsets(%arg10 : memref<80xi32, #tpu.memory_space<vmem>>) semaphore(%arg22 : memref<!tpu.dma_semaphore, #tpu.memory_space<semaphore_mem>>)
    %barrier3A = arith.constant 0 : index
    tpu.barrier barrier_id(%barrier3A)
    %dma_wait3A_60 = arith.constant 0 : i32
    %dma_wait3A_61 = tpu.memref_slice %arg5[%dma_wait3A_60] : memref<320000xi32, #tpu.memory_space<hbm>> -> memref<80xi32, #tpu.memory_space<hbm>>
    %dma_wait3A_62 = arith.constant 0 : i32
    %dma_wait3A_63 = tpu.memref_slice %arg5[%dma_wait3A_62] : memref<320000xi32, #tpu.memory_space<hbm>> -> memref<80xi32, #tpu.memory_space<hbm>>
    tpu.wait_dma2 semaphore(%arg19 : memref<!tpu.dma_semaphore, #tpu.memory_space<semaphore_mem>>) src(%dma_wait3A_63 : memref<80xi32, #tpu.memory_space<hbm>>) dst(%arg11 : memref<80xi32, #tpu.memory_space<vmem>>)
    %dma_start3A_64 = arith.constant 0 : i32
    %dma_start3A_65 = arith.constant 0 : i32
    %dma_start3A_66 = tpu.memref_slice %arg2[%dma_start3A_64, %dma_start3A_65] : memref<10000x128xf32, #tpu.memory_space<hbm>> -> memref<10000x128xf32, #tpu.memory_space<hbm>>
    tpu.enqueue_indirect_dma source(%dma_start3A_66 : memref<10000x128xf32, #tpu.memory_space<hbm>>) target(%arg15 : memref<80x128xf32, #tpu.memory_space<vmem>>) offsets(%arg11 : memref<80xi32, #tpu.memory_space<vmem>>) semaphore(%arg23 : memref<!tpu.dma_semaphore, #tpu.memory_space<semaphore_mem>>)
    %dma_wait3A_67 = arith.constant 0 : i32
    %dma_wait3A_68 = arith.constant 0 : i32
    %dma_wait3A_69 = tpu.memref_slice %arg2[%dma_wait3A_67, %dma_wait3A_68] : memref<10000x128xf32, #tpu.memory_space<hbm>> -> memref<10000x128xf32, #tpu.memory_space<hbm>>
    tpu.wait_indirect_dma semaphore(%arg22 : memref<!tpu.dma_semaphore, #tpu.memory_space<semaphore_mem>>) src(%dma_wait3A_69 : memref<10000x128xf32, #tpu.memory_space<hbm>>) dst(%arg14 : memref<80x128xf32, #tpu.memory_space<vmem>>)
    %add3A_70 = arith.constant 160 : i32
    %add3A_71 = arith.addi %mul3A_2, %add3A_70 : i32
    %dma_start3A_72 = tpu.memref_slice %arg5[%add3A_71] : memref<320000xi32, #tpu.memory_space<hbm>> -> memref<80xi32, #tpu.memory_space<hbm>>
    %dma_start3A_73 = tpu.memref_slice %arg5[%add3A_71] : memref<320000xi32, #tpu.memory_space<hbm>> -> memref<80xi32, #tpu.memory_space<hbm>>
    tpu.enqueue_dma source(%dma_start3A_73 : memref<80xi32, #tpu.memory_space<hbm>>) target(%arg10 : memref<80xi32, #tpu.memory_space<vmem>>) target_semaphore(%arg18 : memref<!tpu.dma_semaphore, #tpu.memory_space<semaphore_mem>>)
    %dma_wait3A_74 = arith.constant 0 : i32
    %dma_wait3A_75 = arith.constant 0 : i32
    %dma_wait3A_76 = tpu.memref_slice %arg3[%dma_wait3A_74, %dma_wait3A_75] : memref<320000x128xf32, #tpu.memory_space<hbm>> -> memref<80x128xf32, #tpu.memory_space<hbm>>
    %dma_wait3A_77 = arith.constant 0 : i32
    %dma_wait3A_78 = arith.constant 0 : i32
    %dma_wait3A_79 = tpu.memref_slice %arg3[%dma_wait3A_77, %dma_wait3A_78] : memref<320000x128xf32, #tpu.memory_space<hbm>> -> memref<80x128xf32, #tpu.memory_space<hbm>>
    tpu.wait_dma2 semaphore(%arg20 : memref<!tpu.dma_semaphore, #tpu.memory_space<semaphore_mem>>) src(%dma_wait3A_79 : memref<80x128xf32, #tpu.memory_space<hbm>>) dst(%arg12 : memref<80x128xf32, #tpu.memory_space<vmem>>)
    %parallel_loop3A = arith.constant 0 : i32
    %parallel_loop3A_80 = arith.constant 80 : i32
    %parallel_loop3A_81 = arith.constant 1 : i32
    scf.for %parallel_loop3A_167 = %parallel_loop3A to %parallel_loop3A_80 step %parallel_loop3A_81  : i32 {
      %parallel_loop3A_168 = arith.index_cast %parallel_loop3A_167 : i32 to index
      %parallel_loop3A_169 = arith.constant 0 : index
      %parallel_loop3A_170 = tpu.vector_load %arg14[%parallel_loop3A_168, %parallel_loop3A_169] {strides = array<i32>} : memref<80x128xf32, #tpu.memory_space<vmem>>, vector<1x16xf32>,
      %parallel_loop3A_171 = vector.shape_cast %parallel_loop3A_170 : vector<1x16xf32> to vector<16xf32>
      %parallel_loop3A_172 = arith.index_cast %parallel_loop3A_167 : i32 to index
      %parallel_loop3A_173 = arith.constant 0 : index
      %parallel_loop3A_174 = tpu.vector_load %arg12[%parallel_loop3A_172, %parallel_loop3A_173] {strides = array<i32>} : memref<80x128xf32, #tpu.memory_space<vmem>>, vector<1x16xf32>,
      %parallel_loop3A_175 = vector.shape_cast %parallel_loop3A_174 : vector<1x16xf32> to vector<16xf32>
      %parallel_loop3A_176 = arith.mulf %parallel_loop3A_171, %parallel_loop3A_175 : vector<16xf32>
      %parallel_loop3A_177 = arith.index_cast %parallel_loop3A_167 : i32 to index
      %parallel_loop3A_178 = arith.constant 0 : index
      %parallel_loop3A_179 = tpu.vector_load %arg14[%parallel_loop3A_177, %parallel_loop3A_178] {strides = array<i32>} : memref<80x128xf32, #tpu.memory_space<vmem>>, vector<1x16xf32>,
      %parallel_loop3A_180 = vector.shape_cast %parallel_loop3A_179 : vector<1x16xf32> to vector<16xf32>
      %parallel_loop3A_181 = vector.shape_cast %parallel_loop3A_176 : vector<16xf32> to vector<1x16xf32>
      tpu.vector_store %arg14[%parallel_loop3A_177, %parallel_loop3A_178], %parallel_loop3A_181 {strides = array<i32>} : memref<80x128xf32, #tpu.memory_space<vmem>>, vector<1x16xf32>,
      %parallel_loop3A_182 = arith.index_cast %parallel_loop3A_167 : i32 to index
      %parallel_loop3A_183 = arith.constant 16 : index
      %parallel_loop3A_184 = tpu.vector_load %arg14[%parallel_loop3A_182, %parallel_loop3A_183] {strides = array<i32>} : memref<80x128xf32, #tpu.memory_space<vmem>>, vector<1x16xf32>,
      %parallel_loop3A_185 = vector.shape_cast %parallel_loop3A_184 : vector<1x16xf32> to vector<16xf32>
      %parallel_loop3A_186 = arith.index_cast %parallel_loop3A_167 : i32 to index
      %parallel_loop3A_187 = arith.constant 16 : index
      %parallel_loop3A_188 = tpu.vector_load %arg12[%parallel_loop3A_186, %parallel_loop3A_187] {strides = array<i32>} : memref<80x128xf32, #tpu.memory_space<vmem>>, vector<1x16xf32>,
      %parallel_loop3A_189 = vector.shape_cast %parallel_loop3A_188 : vector<1x16xf32> to vector<16xf32>
      %parallel_loop3A_190 = arith.mulf %parallel_loop3A_185, %parallel_loop3A_189 : vector<16xf32>
      %parallel_loop3A_191 = arith.index_cast %parallel_loop3A_167 : i32 to index
      %parallel_loop3A_192 = arith.constant 16 : index
      %parallel_loop3A_193 = tpu.vector_load %arg14[%parallel_loop3A_191, %parallel_loop3A_192] {strides = array<i32>} : memref<80x128xf32, #tpu.memory_space<vmem>>, vector<1x16xf32>,
      %parallel_loop3A_194 = vector.shape_cast %parallel_loop3A_193 : vector<1x16xf32> to vector<16xf32>
      %parallel_loop3A_195 = vector.shape_cast %parallel_loop3A_190 : vector<16xf32> to vector<1x16xf32>
      tpu.vector_store %arg14[%parallel_loop3A_191, %parallel_loop3A_192], %parallel_loop3A_195 {strides = array<i32>} : memref<80x128xf32, #tpu.memory_space<vmem>>, vector<1x16xf32>,
      %parallel_loop3A_196 = arith.index_cast %parallel_loop3A_167 : i32 to index
      %parallel_loop3A_197 = arith.constant 32 : index
      %parallel_loop3A_198 = tpu.vector_load %arg14[%parallel_loop3A_196, %parallel_loop3A_197] {strides = array<i32>} : memref<80x128xf32, #tpu.memory_space<vmem>>, vector<1x16xf32>,
      %parallel_loop3A_199 = vector.shape_cast %parallel_loop3A_198 : vector<1x16xf32> to vector<16xf32>
      %parallel_loop3A_200 = arith.index_cast %parallel_loop3A_167 : i32 to index
      %parallel_loop3A_201 = arith.constant 32 : index
      %parallel_loop3A_202 = tpu.vector_load %arg12[%parallel_loop3A_200, %parallel_loop3A_201] {strides = array<i32>} : memref<80x128xf32, #tpu.memory_space<vmem>>, vector<1x16xf32>,
      %parallel_loop3A_203 = vector.shape_cast %parallel_loop3A_202 : vector<1x16xf32> to vector<16xf32>
      %parallel_loop3A_204 = arith.mulf %parallel_loop3A_199, %parallel_loop3A_203 : vector<16xf32>
      %parallel_loop3A_205 = arith.index_cast %parallel_loop3A_167 : i32 to index
      %parallel_loop3A_206 = arith.constant 32 : index
      %parallel_loop3A_207 = tpu.vector_load %arg14[%parallel_loop3A_205, %parallel_loop3A_206] {strides = array<i32>} : memref<80x128xf32, #tpu.memory_space<vmem>>, vector<1x16xf32>,
      %parallel_loop3A_208 = vector.shape_cast %parallel_loop3A_207 : vector<1x16xf32> to vector<16xf32>
      %parallel_loop3A_209 = vector.shape_cast %parallel_loop3A_204 : vector<16xf32> to vector<1x16xf32>
      tpu.vector_store %arg14[%parallel_loop3A_205, %parallel_loop3A_206], %parallel_loop3A_209 {strides = array<i32>} : memref<80x128xf32, #tpu.memory_space<vmem>>, vector<1x16xf32>,
      %parallel_loop3A_210 = arith.index_cast %parallel_loop3A_167 : i32 to index
      %parallel_loop3A_211 = arith.constant 48 : index
      %parallel_loop3A_212 = tpu.vector_load %arg14[%parallel_loop3A_210, %parallel_loop3A_211] {strides = array<i32>} : memref<80x128xf32, #tpu.memory_space<vmem>>, vector<1x16xf32>,
      %parallel_loop3A_213 = vector.shape_cast %parallel_loop3A_212 : vector<1x16xf32> to vector<16xf32>
      %parallel_loop3A_214 = arith.index_cast %parallel_loop3A_167 : i32 to index
      %parallel_loop3A_215 = arith.constant 48 : index
      %parallel_loop3A_216 = tpu.vector_load %arg12[%parallel_loop3A_214, %parallel_loop3A_215] {strides = array<i32>} : memref<80x128xf32, #tpu.memory_space<vmem>>, vector<1x16xf32>,
      %parallel_loop3A_217 = vector.shape_cast %parallel_loop3A_216 : vector<1x16xf32> to vector<16xf32>
      %parallel_loop3A_218 = arith.mulf %parallel_loop3A_213, %parallel_loop3A_217 : vector<16xf32>
      %parallel_loop3A_219 = arith.index_cast %parallel_loop3A_167 : i32 to index
      %parallel_loop3A_220 = arith.constant 48 : index
      %parallel_loop3A_221 = tpu.vector_load %arg14[%parallel_loop3A_219, %parallel_loop3A_220] {strides = array<i32>} : memref<80x128xf32, #tpu.memory_space<vmem>>, vector<1x16xf32>,
      %parallel_loop3A_222 = vector.shape_cast %parallel_loop3A_221 : vector<1x16xf32> to vector<16xf32>
      %parallel_loop3A_223 = vector.shape_cast %parallel_loop3A_218 : vector<16xf32> to vector<1x16xf32>
      tpu.vector_store %arg14[%parallel_loop3A_219, %parallel_loop3A_220], %parallel_loop3A_223 {strides = array<i32>} : memref<80x128xf32, #tpu.memory_space<vmem>>, vector<1x16xf32>,
      %parallel_loop3A_224 = arith.index_cast %parallel_loop3A_167 : i32 to index
      %parallel_loop3A_225 = arith.constant 64 : index
      %parallel_loop3A_226 = tpu.vector_load %arg14[%parallel_loop3A_224, %parallel_loop3A_225] {strides = array<i32>} : memref<80x128xf32, #tpu.memory_space<vmem>>, vector<1x16xf32>,
      %parallel_loop3A_227 = vector.shape_cast %parallel_loop3A_226 : vector<1x16xf32> to vector<16xf32>
      %parallel_loop3A_228 = arith.index_cast %parallel_loop3A_167 : i32 to index
      %parallel_loop3A_229 = arith.constant 64 : index
      %parallel_loop3A_230 = tpu.vector_load %arg12[%parallel_loop3A_228, %parallel_loop3A_229] {strides = array<i32>} : memref<80x128xf32, #tpu.memory_space<vmem>>, vector<1x16xf32>,
      %parallel_loop3A_231 = vector.shape_cast %parallel_loop3A_230 : vector<1x16xf32> to vector<16xf32>
      %parallel_loop3A_232 = arith.mulf %parallel_loop3A_227, %parallel_loop3A_231 : vector<16xf32>
      %parallel_loop3A_233 = arith.index_cast %parallel_loop3A_167 : i32 to index
      %parallel_loop3A_234 = arith.constant 64 : index
      %parallel_loop3A_235 = tpu.vector_load %arg14[%parallel_loop3A_233, %parallel_loop3A_234] {strides = array<i32>} : memref<80x128xf32, #tpu.memory_space<vmem>>, vector<1x16xf32>,
      %parallel_loop3A_236 = vector.shape_cast %parallel_loop3A_235 : vector<1x16xf32> to vector<16xf32>
      %parallel_loop3A_237 = vector.shape_cast %parallel_loop3A_232 : vector<16xf32> to vector<1x16xf32>
      tpu.vector_store %arg14[%parallel_loop3A_233, %parallel_loop3A_234], %parallel_loop3A_237 {strides = array<i32>} : memref<80x128xf32, #tpu.memory_space<vmem>>, vector<1x16xf32>,
      %parallel_loop3A_238 = arith.index_cast %parallel_loop3A_167 : i32 to index
      %parallel_loop3A_239 = arith.constant 80 : index
      %parallel_loop3A_240 = tpu.vector_load %arg14[%parallel_loop3A_238, %parallel_loop3A_239] {strides = array<i32>} : memref<80x128xf32, #tpu.memory_space<vmem>>, vector<1x16xf32>,
      %parallel_loop3A_241 = vector.shape_cast %parallel_loop3A_240 : vector<1x16xf32> to vector<16xf32>
      %parallel_loop3A_242 = arith.index_cast %parallel_loop3A_167 : i32 to index
      %parallel_loop3A_243 = arith.constant 80 : index
      %parallel_loop3A_244 = tpu.vector_load %arg12[%parallel_loop3A_242, %parallel_loop3A_243] {strides = array<i32>} : memref<80x128xf32, #tpu.memory_space<vmem>>, vector<1x16xf32>,
      %parallel_loop3A_245 = vector.shape_cast %parallel_loop3A_244 : vector<1x16xf32> to vector<16xf32>
      %parallel_loop3A_246 = arith.mulf %parallel_loop3A_241, %parallel_loop3A_245 : vector<16xf32>
      %parallel_loop3A_247 = arith.index_cast %parallel_loop3A_167 : i32 to index
      %parallel_loop3A_248 = arith.constant 80 : index
      %parallel_loop3A_249 = tpu.vector_load %arg14[%parallel_loop3A_247, %parallel_loop3A_248] {strides = array<i32>} : memref<80x128xf32, #tpu.memory_space<vmem>>, vector<1x16xf32>,
      %parallel_loop3A_250 = vector.shape_cast %parallel_loop3A_249 : vector<1x16xf32> to vector<16xf32>
      %parallel_loop3A_251 = vector.shape_cast %parallel_loop3A_246 : vector<16xf32> to vector<1x16xf32>
      tpu.vector_store %arg14[%parallel_loop3A_247, %parallel_loop3A_248], %parallel_loop3A_251 {strides = array<i32>} : memref<80x128xf32, #tpu.memory_space<vmem>>, vector<1x16xf32>,
      %parallel_loop3A_252 = arith.index_cast %parallel_loop3A_167 : i32 to index
      %parallel_loop3A_253 = arith.constant 96 : index
      %parallel_loop3A_254 = tpu.vector_load %arg14[%parallel_loop3A_252, %parallel_loop3A_253] {strides = array<i32>} : memref<80x128xf32, #tpu.memory_space<vmem>>, vector<1x16xf32>,
      %parallel_loop3A_255 = vector.shape_cast %parallel_loop3A_254 : vector<1x16xf32> to vector<16xf32>
      %parallel_loop3A_256 = arith.index_cast %parallel_loop3A_167 : i32 to index
      %parallel_loop3A_257 = arith.constant 96 : index
      %parallel_loop3A_258 = tpu.vector_load %arg12[%parallel_loop3A_256, %parallel_loop3A_257] {strides = array<i32>} : memref<80x128xf32, #tpu.memory_space<vmem>>, vector<1x16xf32>,
      %parallel_loop3A_259 = vector.shape_cast %parallel_loop3A_258 : vector<1x16xf32> to vector<16xf32>
      %parallel_loop3A_260 = arith.mulf %parallel_loop3A_255, %parallel_loop3A_259 : vector<16xf32>
      %parallel_loop3A_261 = arith.index_cast %parallel_loop3A_167 : i32 to index
      %parallel_loop3A_262 = arith.constant 96 : index
      %parallel_loop3A_263 = tpu.vector_load %arg14[%parallel_loop3A_261, %parallel_loop3A_262] {strides = array<i32>} : memref<80x128xf32, #tpu.memory_space<vmem>>, vector<1x16xf32>,
      %parallel_loop3A_264 = vector.shape_cast %parallel_loop3A_263 : vector<1x16xf32> to vector<16xf32>
      %parallel_loop3A_265 = vector.shape_cast %parallel_loop3A_260 : vector<16xf32> to vector<1x16xf32>
      tpu.vector_store %arg14[%parallel_loop3A_261, %parallel_loop3A_262], %parallel_loop3A_265 {strides = array<i32>} : memref<80x128xf32, #tpu.memory_space<vmem>>, vector<1x16xf32>,
      %parallel_loop3A_266 = arith.index_cast %parallel_loop3A_167 : i32 to index
      %parallel_loop3A_267 = arith.constant 112 : index
      %parallel_loop3A_268 = tpu.vector_load %arg14[%parallel_loop3A_266, %parallel_loop3A_267] {strides = array<i32>} : memref<80x128xf32, #tpu.memory_space<vmem>>, vector<1x16xf32>,
      %parallel_loop3A_269 = vector.shape_cast %parallel_loop3A_268 : vector<1x16xf32> to vector<16xf32>
      %parallel_loop3A_270 = arith.index_cast %parallel_loop3A_167 : i32 to index
      %parallel_loop3A_271 = arith.constant 112 : index
      %parallel_loop3A_272 = tpu.vector_load %arg12[%parallel_loop3A_270, %parallel_loop3A_271] {strides = array<i32>} : memref<80x128xf32, #tpu.memory_space<vmem>>, vector<1x16xf32>,
      %parallel_loop3A_273 = vector.shape_cast %parallel_loop3A_272 : vector<1x16xf32> to vector<16xf32>
      %parallel_loop3A_274 = arith.mulf %parallel_loop3A_269, %parallel_loop3A_273 : vector<16xf32>
      %parallel_loop3A_275 = arith.index_cast %parallel_loop3A_167 : i32 to index
      %parallel_loop3A_276 = arith.constant 112 : index
      %parallel_loop3A_277 = tpu.vector_load %arg14[%parallel_loop3A_275, %parallel_loop3A_276] {strides = array<i32>} : memref<80x128xf32, #tpu.memory_space<vmem>>, vector<1x16xf32>,
      %parallel_loop3A_278 = vector.shape_cast %parallel_loop3A_277 : vector<1x16xf32> to vector<16xf32>
      %parallel_loop3A_279 = vector.shape_cast %parallel_loop3A_274 : vector<16xf32> to vector<1x16xf32>
      tpu.vector_store %arg14[%parallel_loop3A_275, %parallel_loop3A_276], %parallel_loop3A_279 {strides = array<i32>} : memref<80x128xf32, #tpu.memory_space<vmem>>, vector<1x16xf32>,
    } {sc.loop_unroll_factor = 4 : i64, sc.parallel_access}
    %dma_wait3A_82 = arith.constant 0 : i32
    %dma_wait3A_83 = tpu.memref_slice %arg4[%dma_wait3A_82] : memref<320000xi32, #tpu.memory_space<hbm>> -> memref<80xi32, #tpu.memory_space<hbm>>
    %dma_wait3A_84 = arith.constant 0 : i32
    %dma_wait3A_85 = tpu.memref_slice %arg4[%dma_wait3A_84] : memref<320000xi32, #tpu.memory_space<hbm>> -> memref<80xi32, #tpu.memory_space<hbm>>
    tpu.wait_dma2 semaphore(%arg16 : memref<!tpu.dma_semaphore, #tpu.memory_space<semaphore_mem>>) src(%dma_wait3A_85 : memref<80xi32, #tpu.memory_space<hbm>>) dst(%arg8 : memref<80xi32, #tpu.memory_space<vmem>>)
    %dma_start3A_86 = arith.constant 0 : i32
    %dma_start3A_87 = arith.constant 0 : i32
    %dma_start3A_88 = tpu.memref_slice %arg7[%dma_start3A_86, %dma_start3A_87] : memref<10240x128xf32, #tpu.memory_space<vmem_shared>> -> memref<10240x128xf32, #tpu.memory_space<vmem_shared>>
    tpu.enqueue_indirect_dma source(%arg14 : memref<80x128xf32, #tpu.memory_space<vmem>>) target(%dma_start3A_88 : memref<10240x128xf32, #tpu.memory_space<vmem_shared>>) offsets(%arg8 : memref<80xi32, #tpu.memory_space<vmem>>) semaphore(%arg24 : memref<!tpu.dma_semaphore, #tpu.memory_space<semaphore_mem>>) {add = true}
    %add3A_89 = arith.constant 160 : i32
    %add3A_90 = arith.addi %mul3A_2, %add3A_89 : i32
    %dma_start3A_91 = tpu.memref_slice %arg4[%add3A_90] : memref<320000xi32, #tpu.memory_space<hbm>> -> memref<80xi32, #tpu.memory_space<hbm>>
    %dma_start3A_92 = tpu.memref_slice %arg4[%add3A_90] : memref<320000xi32, #tpu.memory_space<hbm>> -> memref<80xi32, #tpu.memory_space<hbm>>
    tpu.enqueue_dma source(%dma_start3A_92 : memref<80xi32, #tpu.memory_space<hbm>>) target(%arg8 : memref<80xi32, #tpu.memory_space<vmem>>) target_semaphore(%arg16 : memref<!tpu.dma_semaphore, #tpu.memory_space<semaphore_mem>>)
    %add3A_93 = arith.constant 160 : i32
    %add3A_94 = arith.addi %mul3A_2, %add3A_93 : i32
    %dma_start3A_95 = arith.constant 0 : i32
    %dma_start3A_96 = tpu.memref_slice %arg3[%add3A_94, %dma_start3A_95] : memref<320000x128xf32, #tpu.memory_space<hbm>> -> memref<80x128xf32, #tpu.memory_space<hbm>>
    %dma_start3A_97 = arith.constant 0 : i32
    %dma_start3A_98 = tpu.memref_slice %arg3[%add3A_94, %dma_start3A_97] : memref<320000x128xf32, #tpu.memory_space<hbm>> -> memref<80x128xf32, #tpu.memory_space<hbm>>
    tpu.enqueue_dma source(%dma_start3A_98 : memref<80x128xf32, #tpu.memory_space<hbm>>) target(%arg12 : memref<80x128xf32, #tpu.memory_space<vmem>>) target_semaphore(%arg20 : memref<!tpu.dma_semaphore, #tpu.memory_space<semaphore_mem>>)
    %scan3A_99 = arith.constant 0 : i32
    %scan3A_100 = arith.constant 0 : i32
    %scan3A_101 = arith.constant 61 : i32
    %scan3A_102 = arith.addi %scan3A_100, %scan3A_101 : i32
    %scan3A_103 = arith.constant 1 : i32
    %scan3A_104 = scf.for %scan3A_167 = %scan3A_100 to %scan3A_102 step %scan3A_103 iter_args(%scan3A_168 = %scan3A_99) -> (i32)  : i32 {
      %mul3A_169 = arith.constant 2 : i32
      %mul3A_170 = arith.muli %mul3A_169, %scan3A_167 : i32
      %add3A_171 = arith.constant 1 : i32
      %add3A_172 = arith.addi %add3A_171, %mul3A_170 : i32
      %dma_wait3A_173 = arith.constant 0 : i32
      %dma_wait3A_174 = tpu.memref_slice %arg5[%dma_wait3A_173] : memref<320000xi32, #tpu.memory_space<hbm>> -> memref<80xi32, #tpu.memory_space<hbm>>
      %dma_wait3A_175 = arith.constant 0 : i32
      %dma_wait3A_176 = tpu.memref_slice %arg5[%dma_wait3A_175] : memref<320000xi32, #tpu.memory_space<hbm>> -> memref<80xi32, #tpu.memory_space<hbm>>
      tpu.wait_dma2 semaphore(%arg18 : memref<!tpu.dma_semaphore, #tpu.memory_space<semaphore_mem>>) src(%dma_wait3A_176 : memref<80xi32, #tpu.memory_space<hbm>>) dst(%arg10 : memref<80xi32, #tpu.memory_space<vmem>>)
      %dma_wait3A_177 = arith.constant 0 : i32
      %dma_wait3A_178 = arith.constant 0 : i32
      %dma_wait3A_179 = tpu.memref_slice %arg7[%dma_wait3A_177, %dma_wait3A_178] : memref<10240x128xf32, #tpu.memory_space<vmem_shared>> -> memref<10240x128xf32, #tpu.memory_space<vmem_shared>>
      tpu.wait_indirect_dma semaphore(%arg24 : memref<!tpu.dma_semaphore, #tpu.memory_space<semaphore_mem>>) src(%arg14 : memref<80x128xf32, #tpu.memory_space<vmem>>) dst(%dma_wait3A_179 : memref<10240x128xf32, #tpu.memory_space<vmem_shared>>)
      %dma_start3A_180 = arith.constant 0 : i32
      %dma_start3A_181 = arith.constant 0 : i32
      %dma_start3A_182 = tpu.memref_slice %arg2[%dma_start3A_180, %dma_start3A_181] : memref<10000x128xf32, #tpu.memory_space<hbm>> -> memref<10000x128xf32, #tpu.memory_space<hbm>>
      tpu.enqueue_indirect_dma source(%dma_start3A_182 : memref<10000x128xf32, #tpu.memory_space<hbm>>) target(%arg14 : memref<80x128xf32, #tpu.memory_space<vmem>>) offsets(%arg10 : memref<80xi32, #tpu.memory_space<vmem>>) semaphore(%arg22 : memref<!tpu.dma_semaphore, #tpu.memory_space<semaphore_mem>>)
      %dma_wait3A_183 = arith.constant 0 : i32
      %dma_wait3A_184 = arith.constant 0 : i32
      %dma_wait3A_185 = tpu.memref_slice %arg2[%dma_wait3A_183, %dma_wait3A_184] : memref<10000x128xf32, #tpu.memory_space<hbm>> -> memref<10000x128xf32, #tpu.memory_space<hbm>>
      tpu.wait_indirect_dma semaphore(%arg23 : memref<!tpu.dma_semaphore, #tpu.memory_space<semaphore_mem>>) src(%dma_wait3A_185 : memref<10000x128xf32, #tpu.memory_space<hbm>>) dst(%arg15 : memref<80x128xf32, #tpu.memory_space<vmem>>)
      %add3A_186 = arith.constant 2 : i32
      %add3A_187 = arith.addi %add3A_172, %add3A_186 : i32
      %mul3A_188 = arith.constant 80 : i32
      %mul3A_189 = arith.muli %add3A_187, %mul3A_188 : i32
      %add3A_190 = arith.addi %mul3A_2, %mul3A_189 : i32
      %dma_start3A_191 = tpu.memref_slice %arg5[%add3A_190] : memref<320000xi32, #tpu.memory_space<hbm>> -> memref<80xi32, #tpu.memory_space<hbm>>
      %dma_start3A_192 = tpu.memref_slice %arg5[%add3A_190] : memref<320000xi32, #tpu.memory_space<hbm>> -> memref<80xi32, #tpu.memory_space<hbm>>
      tpu.enqueue_dma source(%dma_start3A_192 : memref<80xi32, #tpu.memory_space<hbm>>) target(%arg11 : memref<80xi32, #tpu.memory_space<vmem>>) target_semaphore(%arg19 : memref<!tpu.dma_semaphore, #tpu.memory_space<semaphore_mem>>)
      %dma_wait3A_193 = arith.constant 0 : i32
      %dma_wait3A_194 = arith.constant 0 : i32
      %dma_wait3A_195 = tpu.memref_slice %arg3[%dma_wait3A_193, %dma_wait3A_194] : memref<320000x128xf32, #tpu.memory_space<hbm>> -> memref<80x128xf32, #tpu.memory_space<hbm>>
      %dma_wait3A_196 = arith.constant 0 : i32
      %dma_wait3A_197 = arith.constant 0 : i32
      %dma_wait3A_198 = tpu.memref_slice %arg3[%dma_wait3A_196, %dma_wait3A_197] : memref<320000x128xf32, #tpu.memory_space<hbm>> -> memref<80x128xf32, #tpu.memory_space<hbm>>
      tpu.wait_dma2 semaphore(%arg21 : memref<!tpu.dma_semaphore, #tpu.memory_space<semaphore_mem>>) src(%dma_wait3A_198 : memref<80x128xf32, #tpu.memory_space<hbm>>) dst(%arg13 : memref<80x128xf32, #tpu.memory_space<vmem>>)
      %parallel_loop3A_199 = arith.constant 0 : i32
      %parallel_loop3A_200 = arith.constant 80 : i32
      %parallel_loop3A_201 = arith.constant 1 : i32
      scf.for %parallel_loop3A_280 = %parallel_loop3A_199 to %parallel_loop3A_200 step %parallel_loop3A_201  : i32 {
        %parallel_loop3A_281 = arith.index_cast %parallel_loop3A_280 : i32 to index
        %parallel_loop3A_282 = arith.constant 0 : index
        %parallel_loop3A_283 = tpu.vector_load %arg15[%parallel_loop3A_281, %parallel_loop3A_282] {strides = array<i32>} : memref<80x128xf32, #tpu.memory_space<vmem>>, vector<1x16xf32>,
        %parallel_loop3A_284 = vector.shape_cast %parallel_loop3A_283 : vector<1x16xf32> to vector<16xf32>
        %parallel_loop3A_285 = arith.index_cast %parallel_loop3A_280 : i32 to index
        %parallel_loop3A_286 = arith.constant 0 : index
        %parallel_loop3A_287 = tpu.vector_load %arg13[%parallel_loop3A_285, %parallel_loop3A_286] {strides = array<i32>} : memref<80x128xf32, #tpu.memory_space<vmem>>, vector<1x16xf32>,
        %parallel_loop3A_288 = vector.shape_cast %parallel_loop3A_287 : vector<1x16xf32> to vector<16xf32>
        %parallel_loop3A_289 = arith.mulf %parallel_loop3A_284, %parallel_loop3A_288 : vector<16xf32>
        %parallel_loop3A_290 = arith.index_cast %parallel_loop3A_280 : i32 to index
        %parallel_loop3A_291 = arith.constant 0 : index
        %parallel_loop3A_292 = tpu.vector_load %arg15[%parallel_loop3A_290, %parallel_loop3A_291] {strides = array<i32>} : memref<80x128xf32, #tpu.memory_space<vmem>>, vector<1x16xf32>,
        %parallel_loop3A_293 = vector.shape_cast %parallel_loop3A_292 : vector<1x16xf32> to vector<16xf32>
        %parallel_loop3A_294 = vector.shape_cast %parallel_loop3A_289 : vector<16xf32> to vector<1x16xf32>
        tpu.vector_store %arg15[%parallel_loop3A_290, %parallel_loop3A_291], %parallel_loop3A_294 {strides = array<i32>} : memref<80x128xf32, #tpu.memory_space<vmem>>, vector<1x16xf32>,
        %parallel_loop3A_295 = arith.index_cast %parallel_loop3A_280 : i32 to index
        %parallel_loop3A_296 = arith.constant 16 : index
        %parallel_loop3A_297 = tpu.vector_load %arg15[%parallel_loop3A_295, %parallel_loop3A_296] {strides = array<i32>} : memref<80x128xf32, #tpu.memory_space<vmem>>, vector<1x16xf32>,
        %parallel_loop3A_298 = vector.shape_cast %parallel_loop3A_297 : vector<1x16xf32> to vector<16xf32>
        %parallel_loop3A_299 = arith.index_cast %parallel_loop3A_280 : i32 to index
        %parallel_loop3A_300 = arith.constant 16 : index
        %parallel_loop3A_301 = tpu.vector_load %arg13[%parallel_loop3A_299, %parallel_loop3A_300] {strides = array<i32>} : memref<80x128xf32, #tpu.memory_space<vmem>>, vector<1x16xf32>,
        %parallel_loop3A_302 = vector.shape_cast %parallel_loop3A_301 : vector<1x16xf32> to vector<16xf32>
        %parallel_loop3A_303 = arith.mulf %parallel_loop3A_298, %parallel_loop3A_302 : vector<16xf32>
        %parallel_loop3A_304 = arith.index_cast %parallel_loop3A_280 : i32 to index
        %parallel_loop3A_305 = arith.constant 16 : index
        %parallel_loop3A_306 = tpu.vector_load %arg15[%parallel_loop3A_304, %parallel_loop3A_305] {strides = array<i32>} : memref<80x128xf32, #tpu.memory_space<vmem>>, vector<1x16xf32>,
        %parallel_loop3A_307 = vector.shape_cast %parallel_loop3A_306 : vector<1x16xf32> to vector<16xf32>
        %parallel_loop3A_308 = vector.shape_cast %parallel_loop3A_303 : vector<16xf32> to vector<1x16xf32>
        tpu.vector_store %arg15[%parallel_loop3A_304, %parallel_loop3A_305], %parallel_loop3A_308 {strides = array<i32>} : memref<80x128xf32, #tpu.memory_space<vmem>>, vector<1x16xf32>,
        %parallel_loop3A_309 = arith.index_cast %parallel_loop3A_280 : i32 to index
        %parallel_loop3A_310 = arith.constant 32 : index
        %parallel_loop3A_311 = tpu.vector_load %arg15[%parallel_loop3A_309, %parallel_loop3A_310] {strides = array<i32>} : memref<80x128xf32, #tpu.memory_space<vmem>>, vector<1x16xf32>,
        %parallel_loop3A_312 = vector.shape_cast %parallel_loop3A_311 : vector<1x16xf32> to vector<16xf32>
        %parallel_loop3A_313 = arith.index_cast %parallel_loop3A_280 : i32 to index
        %parallel_loop3A_314 = arith.constant 32 : index
        %parallel_loop3A_315 = tpu.vector_load %arg13[%parallel_loop3A_313, %parallel_loop3A_314] {strides = array<i32>} : memref<80x128xf32, #tpu.memory_space<vmem>>, vector<1x16xf32>,
        %parallel_loop3A_316 = vector.shape_cast %parallel_loop3A_315 : vector<1x16xf32> to vector<16xf32>
        %parallel_loop3A_317 = arith.mulf %parallel_loop3A_312, %parallel_loop3A_316 : vector<16xf32>
        %parallel_loop3A_318 = arith.index_cast %parallel_loop3A_280 : i32 to index
        %parallel_loop3A_319 = arith.constant 32 : index
        %parallel_loop3A_320 = tpu.vector_load %arg15[%parallel_loop3A_318, %parallel_loop3A_319] {strides = array<i32>} : memref<80x128xf32, #tpu.memory_space<vmem>>, vector<1x16xf32>,
        %parallel_loop3A_321 = vector.shape_cast %parallel_loop3A_320 : vector<1x16xf32> to vector<16xf32>
        %parallel_loop3A_322 = vector.shape_cast %parallel_loop3A_317 : vector<16xf32> to vector<1x16xf32>
        tpu.vector_store %arg15[%parallel_loop3A_318, %parallel_loop3A_319], %parallel_loop3A_322 {strides = array<i32>} : memref<80x128xf32, #tpu.memory_space<vmem>>, vector<1x16xf32>,
        %parallel_loop3A_323 = arith.index_cast %parallel_loop3A_280 : i32 to index
        %parallel_loop3A_324 = arith.constant 48 : index
        %parallel_loop3A_325 = tpu.vector_load %arg15[%parallel_loop3A_323, %parallel_loop3A_324] {strides = array<i32>} : memref<80x128xf32, #tpu.memory_space<vmem>>, vector<1x16xf32>,
        %parallel_loop3A_326 = vector.shape_cast %parallel_loop3A_325 : vector<1x16xf32> to vector<16xf32>
        %parallel_loop3A_327 = arith.index_cast %parallel_loop3A_280 : i32 to index
        %parallel_loop3A_328 = arith.constant 48 : index
        %parallel_loop3A_329 = tpu.vector_load %arg13[%parallel_loop3A_327, %parallel_loop3A_328] {strides = array<i32>} : memref<80x128xf32, #tpu.memory_space<vmem>>, vector<1x16xf32>,
        %parallel_loop3A_330 = vector.shape_cast %parallel_loop3A_329 : vector<1x16xf32> to vector<16xf32>
        %parallel_loop3A_331 = arith.mulf %parallel_loop3A_326, %parallel_loop3A_330 : vector<16xf32>
        %parallel_loop3A_332 = arith.index_cast %parallel_loop3A_280 : i32 to index
        %parallel_loop3A_333 = arith.constant 48 : index
        %parallel_loop3A_334 = tpu.vector_load %arg15[%parallel_loop3A_332, %parallel_loop3A_333] {strides = array<i32>} : memref<80x128xf32, #tpu.memory_space<vmem>>, vector<1x16xf32>,
        %parallel_loop3A_335 = vector.shape_cast %parallel_loop3A_334 : vector<1x16xf32> to vector<16xf32>
        %parallel_loop3A_336 = vector.shape_cast %parallel_loop3A_331 : vector<16xf32> to vector<1x16xf32>
        tpu.vector_store %arg15[%parallel_loop3A_332, %parallel_loop3A_333], %parallel_loop3A_336 {strides = array<i32>} : memref<80x128xf32, #tpu.memory_space<vmem>>, vector<1x16xf32>,
        %parallel_loop3A_337 = arith.index_cast %parallel_loop3A_280 : i32 to index
        %parallel_loop3A_338 = arith.constant 64 : index
        %parallel_loop3A_339 = tpu.vector_load %arg15[%parallel_loop3A_337, %parallel_loop3A_338] {strides = array<i32>} : memref<80x128xf32, #tpu.memory_space<vmem>>, vector<1x16xf32>,
        %parallel_loop3A_340 = vector.shape_cast %parallel_loop3A_339 : vector<1x16xf32> to vector<16xf32>
        %parallel_loop3A_341 = arith.index_cast %parallel_loop3A_280 : i32 to index
        %parallel_loop3A_342 = arith.constant 64 : index
        %parallel_loop3A_343 = tpu.vector_load %arg13[%parallel_loop3A_341, %parallel_loop3A_342] {strides = array<i32>} : memref<80x128xf32, #tpu.memory_space<vmem>>, vector<1x16xf32>,
        %parallel_loop3A_344 = vector.shape_cast %parallel_loop3A_343 : vector<1x16xf32> to vector<16xf32>
        %parallel_loop3A_345 = arith.mulf %parallel_loop3A_340, %parallel_loop3A_344 : vector<16xf32>
        %parallel_loop3A_346 = arith.index_cast %parallel_loop3A_280 : i32 to index
        %parallel_loop3A_347 = arith.constant 64 : index
        %parallel_loop3A_348 = tpu.vector_load %arg15[%parallel_loop3A_346, %parallel_loop3A_347] {strides = array<i32>} : memref<80x128xf32, #tpu.memory_space<vmem>>, vector<1x16xf32>,
        %parallel_loop3A_349 = vector.shape_cast %parallel_loop3A_348 : vector<1x16xf32> to vector<16xf32>
        %parallel_loop3A_350 = vector.shape_cast %parallel_loop3A_345 : vector<16xf32> to vector<1x16xf32>
        tpu.vector_store %arg15[%parallel_loop3A_346, %parallel_loop3A_347], %parallel_loop3A_350 {strides = array<i32>} : memref<80x128xf32, #tpu.memory_space<vmem>>, vector<1x16xf32>,
        %parallel_loop3A_351 = arith.index_cast %parallel_loop3A_280 : i32 to index
        %parallel_loop3A_352 = arith.constant 80 : index
        %parallel_loop3A_353 = tpu.vector_load %arg15[%parallel_loop3A_351, %parallel_loop3A_352] {strides = array<i32>} : memref<80x128xf32, #tpu.memory_space<vmem>>, vector<1x16xf32>,
        %parallel_loop3A_354 = vector.shape_cast %parallel_loop3A_353 : vector<1x16xf32> to vector<16xf32>
        %parallel_loop3A_355 = arith.index_cast %parallel_loop3A_280 : i32 to index
        %parallel_loop3A_356 = arith.constant 80 : index
        %parallel_loop3A_357 = tpu.vector_load %arg13[%parallel_loop3A_355, %parallel_loop3A_356] {strides = array<i32>} : memref<80x128xf32, #tpu.memory_space<vmem>>, vector<1x16xf32>,
        %parallel_loop3A_358 = vector.shape_cast %parallel_loop3A_357 : vector<1x16xf32> to vector<16xf32>
        %parallel_loop3A_359 = arith.mulf %parallel_loop3A_354, %parallel_loop3A_358 : vector<16xf32>
        %parallel_loop3A_360 = arith.index_cast %parallel_loop3A_280 : i32 to index
        %parallel_loop3A_361 = arith.constant 80 : index
        %parallel_loop3A_362 = tpu.vector_load %arg15[%parallel_loop3A_360, %parallel_loop3A_361] {strides = array<i32>} : memref<80x128xf32, #tpu.memory_space<vmem>>, vector<1x16xf32>,
        %parallel_loop3A_363 = vector.shape_cast %parallel_loop3A_362 : vector<1x16xf32> to vector<16xf32>
        %parallel_loop3A_364 = vector.shape_cast %parallel_loop3A_359 : vector<16xf32> to vector<1x16xf32>
        tpu.vector_store %arg15[%parallel_loop3A_360, %parallel_loop3A_361], %parallel_loop3A_364 {strides = array<i32>} : memref<80x128xf32, #tpu.memory_space<vmem>>, vector<1x16xf32>,
        %parallel_loop3A_365 = arith.index_cast %parallel_loop3A_280 : i32 to index
        %parallel_loop3A_366 = arith.constant 96 : index
        %parallel_loop3A_367 = tpu.vector_load %arg15[%parallel_loop3A_365, %parallel_loop3A_366] {strides = array<i32>} : memref<80x128xf32, #tpu.memory_space<vmem>>, vector<1x16xf32>,
        %parallel_loop3A_368 = vector.shape_cast %parallel_loop3A_367 : vector<1x16xf32> to vector<16xf32>
        %parallel_loop3A_369 = arith.index_cast %parallel_loop3A_280 : i32 to index
        %parallel_loop3A_370 = arith.constant 96 : index
        %parallel_loop3A_371 = tpu.vector_load %arg13[%parallel_loop3A_369, %parallel_loop3A_370] {strides = array<i32>} : memref<80x128xf32, #tpu.memory_space<vmem>>, vector<1x16xf32>,
        %parallel_loop3A_372 = vector.shape_cast %parallel_loop3A_371 : vector<1x16xf32> to vector<16xf32>
        %parallel_loop3A_373 = arith.mulf %parallel_loop3A_368, %parallel_loop3A_372 : vector<16xf32>
        %parallel_loop3A_374 = arith.index_cast %parallel_loop3A_280 : i32 to index
        %parallel_loop3A_375 = arith.constant 96 : index
        %parallel_loop3A_376 = tpu.vector_load %arg15[%parallel_loop3A_374, %parallel_loop3A_375] {strides = array<i32>} : memref<80x128xf32, #tpu.memory_space<vmem>>, vector<1x16xf32>,
        %parallel_loop3A_377 = vector.shape_cast %parallel_loop3A_376 : vector<1x16xf32> to vector<16xf32>
        %parallel_loop3A_378 = vector.shape_cast %parallel_loop3A_373 : vector<16xf32> to vector<1x16xf32>
        tpu.vector_store %arg15[%parallel_loop3A_374, %parallel_loop3A_375], %parallel_loop3A_378 {strides = array<i32>} : memref<80x128xf32, #tpu.memory_space<vmem>>, vector<1x16xf32>,
        %parallel_loop3A_379 = arith.index_cast %parallel_loop3A_280 : i32 to index
        %parallel_loop3A_380 = arith.constant 112 : index
        %parallel_loop3A_381 = tpu.vector_load %arg15[%parallel_loop3A_379, %parallel_loop3A_380] {strides = array<i32>} : memref<80x128xf32, #tpu.memory_space<vmem>>, vector<1x16xf32>,
        %parallel_loop3A_382 = vector.shape_cast %parallel_loop3A_381 : vector<1x16xf32> to vector<16xf32>
        %parallel_loop3A_383 = arith.index_cast %parallel_loop3A_280 : i32 to index
        %parallel_loop3A_384 = arith.constant 112 : index
        %parallel_loop3A_385 = tpu.vector_load %arg13[%parallel_loop3A_383, %parallel_loop3A_384] {strides = array<i32>} : memref<80x128xf32, #tpu.memory_space<vmem>>, vector<1x16xf32>,
        %parallel_loop3A_386 = vector.shape_cast %parallel_loop3A_385 : vector<1x16xf32> to vector<16xf32>
        %parallel_loop3A_387 = arith.mulf %parallel_loop3A_382, %parallel_loop3A_386 : vector<16xf32>
        %parallel_loop3A_388 = arith.index_cast %parallel_loop3A_280 : i32 to index
        %parallel_loop3A_389 = arith.constant 112 : index
        %parallel_loop3A_390 = tpu.vector_load %arg15[%parallel_loop3A_388, %parallel_loop3A_389] {strides = array<i32>} : memref<80x128xf32, #tpu.memory_space<vmem>>, vector<1x16xf32>,
        %parallel_loop3A_391 = vector.shape_cast %parallel_loop3A_390 : vector<1x16xf32> to vector<16xf32>
        %parallel_loop3A_392 = vector.shape_cast %parallel_loop3A_387 : vector<16xf32> to vector<1x16xf32>
        tpu.vector_store %arg15[%parallel_loop3A_388, %parallel_loop3A_389], %parallel_loop3A_392 {strides = array<i32>} : memref<80x128xf32, #tpu.memory_space<vmem>>, vector<1x16xf32>,
      } {sc.loop_unroll_factor = 4 : i64, sc.parallel_access}
      %dma_wait3A_202 = arith.constant 0 : i32
      %dma_wait3A_203 = tpu.memref_slice %arg4[%dma_wait3A_202] : memref<320000xi32, #tpu.memory_space<hbm>> -> memref<80xi32, #tpu.memory_space<hbm>>
      %dma_wait3A_204 = arith.constant 0 : i32
      %dma_wait3A_205 = tpu.memref_slice %arg4[%dma_wait3A_204] : memref<320000xi32, #tpu.memory_space<hbm>> -> memref<80xi32, #tpu.memory_space<hbm>>
      tpu.wait_dma2 semaphore(%arg17 : memref<!tpu.dma_semaphore, #tpu.memory_space<semaphore_mem>>) src(%dma_wait3A_205 : memref<80xi32, #tpu.memory_space<hbm>>) dst(%arg9 : memref<80xi32, #tpu.memory_space<vmem>>)
      %dma_start3A_206 = arith.constant 0 : i32
      %dma_start3A_207 = arith.constant 0 : i32
      %dma_start3A_208 = tpu.memref_slice %arg7[%dma_start3A_206, %dma_start3A_207] : memref<10240x128xf32, #tpu.memory_space<vmem_shared>> -> memref<10240x128xf32, #tpu.memory_space<vmem_shared>>
      tpu.enqueue_indirect_dma source(%arg15 : memref<80x128xf32, #tpu.memory_space<vmem>>) target(%dma_start3A_208 : memref<10240x128xf32, #tpu.memory_space<vmem_shared>>) offsets(%arg9 : memref<80xi32, #tpu.memory_space<vmem>>) semaphore(%arg25 : memref<!tpu.dma_semaphore, #tpu.memory_space<semaphore_mem>>) {add = true}
      %add3A_209 = arith.constant 2 : i32
      %add3A_210 = arith.addi %add3A_172, %add3A_209 : i32
      %mul3A_211 = arith.constant 80 : i32
      %mul3A_212 = arith.muli %add3A_210, %mul3A_211 : i32
      %add3A_213 = arith.addi %mul3A_2, %mul3A_212 : i32
      %dma_start3A_214 = tpu.memref_slice %arg4[%add3A_213] : memref<320000xi32, #tpu.memory_space<hbm>> -> memref<80xi32, #tpu.memory_space<hbm>>
      %dma_start3A_215 = tpu.memref_slice %arg4[%add3A_213] : memref<320000xi32, #tpu.memory_space<hbm>> -> memref<80xi32, #tpu.memory_space<hbm>>
      tpu.enqueue_dma source(%dma_start3A_215 : memref<80xi32, #tpu.memory_space<hbm>>) target(%arg9 : memref<80xi32, #tpu.memory_space<vmem>>) target_semaphore(%arg17 : memref<!tpu.dma_semaphore, #tpu.memory_space<semaphore_mem>>)
      %add3A_216 = arith.constant 2 : i32
      %add3A_217 = arith.addi %add3A_172, %add3A_216 : i32
      %mul3A_218 = arith.constant 80 : i32
      %mul3A_219 = arith.muli %add3A_217, %mul3A_218 : i32
      %add3A_220 = arith.addi %mul3A_2, %mul3A_219 : i32
      %dma_start3A_221 = arith.constant 0 : i32
      %dma_start3A_222 = tpu.memref_slice %arg3[%add3A_220, %dma_start3A_221] : memref<320000x128xf32, #tpu.memory_space<hbm>> -> memref<80x128xf32, #tpu.memory_space<hbm>>
      %dma_start3A_223 = arith.constant 0 : i32
      %dma_start3A_224 = tpu.memref_slice %arg3[%add3A_220, %dma_start3A_223] : memref<320000x128xf32, #tpu.memory_space<hbm>> -> memref<80x128xf32, #tpu.memory_space<hbm>>
      tpu.enqueue_dma source(%dma_start3A_224 : memref<80x128xf32, #tpu.memory_space<hbm>>) target(%arg13 : memref<80x128xf32, #tpu.memory_space<vmem>>) target_semaphore(%arg21 : memref<!tpu.dma_semaphore, #tpu.memory_space<semaphore_mem>>)
      %add3A_225 = arith.constant 1 : i32
      %add3A_226 = arith.addi %add3A_172, %add3A_225 : i32
      %dma_wait3A_227 = arith.constant 0 : i32
      %dma_wait3A_228 = tpu.memref_slice %arg5[%dma_wait3A_227] : memref<320000xi32, #tpu.memory_space<hbm>> -> memref<80xi32, #tpu.memory_space<hbm>>
      %dma_wait3A_229 = arith.constant 0 : i32
      %dma_wait3A_230 = tpu.memref_slice %arg5[%dma_wait3A_229] : memref<320000xi32, #tpu.memory_space<hbm>> -> memref<80xi32, #tpu.memory_space<hbm>>
      tpu.wait_dma2 semaphore(%arg19 : memref<!tpu.dma_semaphore, #tpu.memory_space<semaphore_mem>>) src(%dma_wait3A_230 : memref<80xi32, #tpu.memory_space<hbm>>) dst(%arg11 : memref<80xi32, #tpu.memory_space<vmem>>)
      %dma_wait3A_231 = arith.constant 0 : i32
      %dma_wait3A_232 = arith.constant 0 : i32
      %dma_wait3A_233 = tpu.memref_slice %arg7[%dma_wait3A_231, %dma_wait3A_232] : memref<10240x128xf32, #tpu.memory_space<vmem_shared>> -> memref<10240x128xf32, #tpu.memory_space<vmem_shared>>
      tpu.wait_indirect_dma semaphore(%arg25 : memref<!tpu.dma_semaphore, #tpu.memory_space<semaphore_mem>>) src(%arg15 : memref<80x128xf32, #tpu.memory_space<vmem>>) dst(%dma_wait3A_233 : memref<10240x128xf32, #tpu.memory_space<vmem_shared>>)
      %dma_start3A_234 = arith.constant 0 : i32
      %dma_start3A_235 = arith.constant 0 : i32
      %dma_start3A_236 = tpu.memref_slice %arg2[%dma_start3A_234, %dma_start3A_235] : memref<10000x128xf32, #tpu.memory_space<hbm>> -> memref<10000x128xf32, #tpu.memory_space<hbm>>
      tpu.enqueue_indirect_dma source(%dma_start3A_236 : memref<10000x128xf32, #tpu.memory_space<hbm>>) target(%arg15 : memref<80x128xf32, #tpu.memory_space<vmem>>) offsets(%arg11 : memref<80xi32, #tpu.memory_space<vmem>>) semaphore(%arg23 : memref<!tpu.dma_semaphore, #tpu.memory_space<semaphore_mem>>)
      %dma_wait3A_237 = arith.constant 0 : i32
      %dma_wait3A_238 = arith.constant 0 : i32
      %dma_wait3A_239 = tpu.memref_slice %arg2[%dma_wait3A_237, %dma_wait3A_238] : memref<10000x128xf32, #tpu.memory_space<hbm>> -> memref<10000x128xf32, #tpu.memory_space<hbm>>
      tpu.wait_indirect_dma semaphore(%arg22 : memref<!tpu.dma_semaphore, #tpu.memory_space<semaphore_mem>>) src(%dma_wait3A_239 : memref<10000x128xf32, #tpu.memory_space<hbm>>) dst(%arg14 : memref<80x128xf32, #tpu.memory_space<vmem>>)
      %add3A_240 = arith.constant 2 : i32
      %add3A_241 = arith.addi %add3A_226, %add3A_240 : i32
      %mul3A_242 = arith.constant 80 : i32
      %mul3A_243 = arith.muli %add3A_241, %mul3A_242 : i32
      %add3A_244 = arith.addi %mul3A_2, %mul3A_243 : i32
      %dma_start3A_245 = tpu.memref_slice %arg5[%add3A_244] : memref<320000xi32, #tpu.memory_space<hbm>> -> memref<80xi32, #tpu.memory_space<hbm>>
      %dma_start3A_246 = tpu.memref_slice %arg5[%add3A_244] : memref<320000xi32, #tpu.memory_space<hbm>> -> memref<80xi32, #tpu.memory_space<hbm>>
      tpu.enqueue_dma source(%dma_start3A_246 : memref<80xi32, #tpu.memory_space<hbm>>) target(%arg10 : memref<80xi32, #tpu.memory_space<vmem>>) target_semaphore(%arg18 : memref<!tpu.dma_semaphore, #tpu.memory_space<semaphore_mem>>)
      %dma_wait3A_247 = arith.constant 0 : i32
      %dma_wait3A_248 = arith.constant 0 : i32
      %dma_wait3A_249 = tpu.memref_slice %arg3[%dma_wait3A_247, %dma_wait3A_248] : memref<320000x128xf32, #tpu.memory_space<hbm>> -> memref<80x128xf32, #tpu.memory_space<hbm>>
      %dma_wait3A_250 = arith.constant 0 : i32
      %dma_wait3A_251 = arith.constant 0 : i32
      %dma_wait3A_252 = tpu.memref_slice %arg3[%dma_wait3A_250, %dma_wait3A_251] : memref<320000x128xf32, #tpu.memory_space<hbm>> -> memref<80x128xf32, #tpu.memory_space<hbm>>
      tpu.wait_dma2 semaphore(%arg20 : memref<!tpu.dma_semaphore, #tpu.memory_space<semaphore_mem>>) src(%dma_wait3A_252 : memref<80x128xf32, #tpu.memory_space<hbm>>) dst(%arg12 : memref<80x128xf32, #tpu.memory_space<vmem>>)
      %parallel_loop3A_253 = arith.constant 0 : i32
      %parallel_loop3A_254 = arith.constant 80 : i32
      %parallel_loop3A_255 = arith.constant 1 : i32
      scf.for %parallel_loop3A_280 = %parallel_loop3A_253 to %parallel_loop3A_254 step %parallel_loop3A_255  : i32 {
        %parallel_loop3A_281 = arith.index_cast %parallel_loop3A_280 : i32 to index
        %parallel_loop3A_282 = arith.constant 0 : index
        %parallel_loop3A_283 = tpu.vector_load %arg14[%parallel_loop3A_281, %parallel_loop3A_282] {strides = array<i32>} : memref<80x128xf32, #tpu.memory_space<vmem>>, vector<1x16xf32>,
        %parallel_loop3A_284 = vector.shape_cast %parallel_loop3A_283 : vector<1x16xf32> to vector<16xf32>
        %parallel_loop3A_285 = arith.index_cast %parallel_loop3A_280 : i32 to index
        %parallel_loop3A_286 = arith.constant 0 : index
        %parallel_loop3A_287 = tpu.vector_load %arg12[%parallel_loop3A_285, %parallel_loop3A_286] {strides = array<i32>} : memref<80x128xf32, #tpu.memory_space<vmem>>, vector<1x16xf32>,
        %parallel_loop3A_288 = vector.shape_cast %parallel_loop3A_287 : vector<1x16xf32> to vector<16xf32>
        %parallel_loop3A_289 = arith.mulf %parallel_loop3A_284, %parallel_loop3A_288 : vector<16xf32>
        %parallel_loop3A_290 = arith.index_cast %parallel_loop3A_280 : i32 to index
        %parallel_loop3A_291 = arith.constant 0 : index
        %parallel_loop3A_292 = tpu.vector_load %arg14[%parallel_loop3A_290, %parallel_loop3A_291] {strides = array<i32>} : memref<80x128xf32, #tpu.memory_space<vmem>>, vector<1x16xf32>,
        %parallel_loop3A_293 = vector.shape_cast %parallel_loop3A_292 : vector<1x16xf32> to vector<16xf32>
        %parallel_loop3A_294 = vector.shape_cast %parallel_loop3A_289 : vector<16xf32> to vector<1x16xf32>
        tpu.vector_store %arg14[%parallel_loop3A_290, %parallel_loop3A_291], %parallel_loop3A_294 {strides = array<i32>} : memref<80x128xf32, #tpu.memory_space<vmem>>, vector<1x16xf32>,
        %parallel_loop3A_295 = arith.index_cast %parallel_loop3A_280 : i32 to index
        %parallel_loop3A_296 = arith.constant 16 : index
        %parallel_loop3A_297 = tpu.vector_load %arg14[%parallel_loop3A_295, %parallel_loop3A_296] {strides = array<i32>} : memref<80x128xf32, #tpu.memory_space<vmem>>, vector<1x16xf32>,
        %parallel_loop3A_298 = vector.shape_cast %parallel_loop3A_297 : vector<1x16xf32> to vector<16xf32>
        %parallel_loop3A_299 = arith.index_cast %parallel_loop3A_280 : i32 to index
        %parallel_loop3A_300 = arith.constant 16 : index
        %parallel_loop3A_301 = tpu.vector_load %arg12[%parallel_loop3A_299, %parallel_loop3A_300] {strides = array<i32>} : memref<80x128xf32, #tpu.memory_space<vmem>>, vector<1x16xf32>,
        %parallel_loop3A_302 = vector.shape_cast %parallel_loop3A_301 : vector<1x16xf32> to vector<16xf32>
        %parallel_loop3A_303 = arith.mulf %parallel_loop3A_298, %parallel_loop3A_302 : vector<16xf32>
        %parallel_loop3A_304 = arith.index_cast %parallel_loop3A_280 : i32 to index
        %parallel_loop3A_305 = arith.constant 16 : index
        %parallel_loop3A_306 = tpu.vector_load %arg14[%parallel_loop3A_304, %parallel_loop3A_305] {strides = array<i32>} : memref<80x128xf32, #tpu.memory_space<vmem>>, vector<1x16xf32>,
        %parallel_loop3A_307 = vector.shape_cast %parallel_loop3A_306 : vector<1x16xf32> to vector<16xf32>
        %parallel_loop3A_308 = vector.shape_cast %parallel_loop3A_303 : vector<16xf32> to vector<1x16xf32>
        tpu.vector_store %arg14[%parallel_loop3A_304, %parallel_loop3A_305], %parallel_loop3A_308 {strides = array<i32>} : memref<80x128xf32, #tpu.memory_space<vmem>>, vector<1x16xf32>,
        %parallel_loop3A_309 = arith.index_cast %parallel_loop3A_280 : i32 to index
        %parallel_loop3A_310 = arith.constant 32 : index
        %parallel_loop3A_311 = tpu.vector_load %arg14[%parallel_loop3A_309, %parallel_loop3A_310] {strides = array<i32>} : memref<80x128xf32, #tpu.memory_space<vmem>>, vector<1x16xf32>,
        %parallel_loop3A_312 = vector.shape_cast %parallel_loop3A_311 : vector<1x16xf32> to vector<16xf32>
        %parallel_loop3A_313 = arith.index_cast %parallel_loop3A_280 : i32 to index
        %parallel_loop3A_314 = arith.constant 32 : index
        %parallel_loop3A_315 = tpu.vector_load %arg12[%parallel_loop3A_313, %parallel_loop3A_314] {strides = array<i32>} : memref<80x128xf32, #tpu.memory_space<vmem>>, vector<1x16xf32>,
        %parallel_loop3A_316 = vector.shape_cast %parallel_loop3A_315 : vector<1x16xf32> to vector<16xf32>
        %parallel_loop3A_317 = arith.mulf %parallel_loop3A_312, %parallel_loop3A_316 : vector<16xf32>
        %parallel_loop3A_318 = arith.index_cast %parallel_loop3A_280 : i32 to index
        %parallel_loop3A_319 = arith.constant 32 : index
        %parallel_loop3A_320 = tpu.vector_load %arg14[%parallel_loop3A_318, %parallel_loop3A_319] {strides = array<i32>} : memref<80x128xf32, #tpu.memory_space<vmem>>, vector<1x16xf32>,
        %parallel_loop3A_321 = vector.shape_cast %parallel_loop3A_320 : vector<1x16xf32> to vector<16xf32>
        %parallel_loop3A_322 = vector.shape_cast %parallel_loop3A_317 : vector<16xf32> to vector<1x16xf32>
        tpu.vector_store %arg14[%parallel_loop3A_318, %parallel_loop3A_319], %parallel_loop3A_322 {strides = array<i32>} : memref<80x128xf32, #tpu.memory_space<vmem>>, vector<1x16xf32>,
        %parallel_loop3A_323 = arith.index_cast %parallel_loop3A_280 : i32 to index
        %parallel_loop3A_324 = arith.constant 48 : index
        %parallel_loop3A_325 = tpu.vector_load %arg14[%parallel_loop3A_323, %parallel_loop3A_324] {strides = array<i32>} : memref<80x128xf32, #tpu.memory_space<vmem>>, vector<1x16xf32>,
        %parallel_loop3A_326 = vector.shape_cast %parallel_loop3A_325 : vector<1x16xf32> to vector<16xf32>
        %parallel_loop3A_327 = arith.index_cast %parallel_loop3A_280 : i32 to index
        %parallel_loop3A_328 = arith.constant 48 : index
        %parallel_loop3A_329 = tpu.vector_load %arg12[%parallel_loop3A_327, %parallel_loop3A_328] {strides = array<i32>} : memref<80x128xf32, #tpu.memory_space<vmem>>, vector<1x16xf32>,
        %parallel_loop3A_330 = vector.shape_cast %parallel_loop3A_329 : vector<1x16xf32> to vector<16xf32>
        %parallel_loop3A_331 = arith.mulf %parallel_loop3A_326, %parallel_loop3A_330 : vector<16xf32>
        %parallel_loop3A_332 = arith.index_cast %parallel_loop3A_280 : i32 to index
        %parallel_loop3A_333 = arith.constant 48 : index
        %parallel_loop3A_334 = tpu.vector_load %arg14[%parallel_loop3A_332, %parallel_loop3A_333] {strides = array<i32>} : memref<80x128xf32, #tpu.memory_space<vmem>>, vector<1x16xf32>,
        %parallel_loop3A_335 = vector.shape_cast %parallel_loop3A_334 : vector<1x16xf32> to vector<16xf32>
        %parallel_loop3A_336 = vector.shape_cast %parallel_loop3A_331 : vector<16xf32> to vector<1x16xf32>
        tpu.vector_store %arg14[%parallel_loop3A_332, %parallel_loop3A_333], %parallel_loop3A_336 {strides = array<i32>} : memref<80x128xf32, #tpu.memory_space<vmem>>, vector<1x16xf32>,
        %parallel_loop3A_337 = arith.index_cast %parallel_loop3A_280 : i32 to index
        %parallel_loop3A_338 = arith.constant 64 : index
        %parallel_loop3A_339 = tpu.vector_load %arg14[%parallel_loop3A_337, %parallel_loop3A_338] {strides = array<i32>} : memref<80x128xf32, #tpu.memory_space<vmem>>, vector<1x16xf32>,
        %parallel_loop3A_340 = vector.shape_cast %parallel_loop3A_339 : vector<1x16xf32> to vector<16xf32>
        %parallel_loop3A_341 = arith.index_cast %parallel_loop3A_280 : i32 to index
        %parallel_loop3A_342 = arith.constant 64 : index
        %parallel_loop3A_343 = tpu.vector_load %arg12[%parallel_loop3A_341, %parallel_loop3A_342] {strides = array<i32>} : memref<80x128xf32, #tpu.memory_space<vmem>>, vector<1x16xf32>,
        %parallel_loop3A_344 = vector.shape_cast %parallel_loop3A_343 : vector<1x16xf32> to vector<16xf32>
        %parallel_loop3A_345 = arith.mulf %parallel_loop3A_340, %parallel_loop3A_344 : vector<16xf32>
        %parallel_loop3A_346 = arith.index_cast %parallel_loop3A_280 : i32 to index
        %parallel_loop3A_347 = arith.constant 64 : index
        %parallel_loop3A_348 = tpu.vector_load %arg14[%parallel_loop3A_346, %parallel_loop3A_347] {strides = array<i32>} : memref<80x128xf32, #tpu.memory_space<vmem>>, vector<1x16xf32>,
        %parallel_loop3A_349 = vector.shape_cast %parallel_loop3A_348 : vector<1x16xf32> to vector<16xf32>
        %parallel_loop3A_350 = vector.shape_cast %parallel_loop3A_345 : vector<16xf32> to vector<1x16xf32>
        tpu.vector_store %arg14[%parallel_loop3A_346, %parallel_loop3A_347], %parallel_loop3A_350 {strides = array<i32>} : memref<80x128xf32, #tpu.memory_space<vmem>>, vector<1x16xf32>,
        %parallel_loop3A_351 = arith.index_cast %parallel_loop3A_280 : i32 to index
        %parallel_loop3A_352 = arith.constant 80 : index
        %parallel_loop3A_353 = tpu.vector_load %arg14[%parallel_loop3A_351, %parallel_loop3A_352] {strides = array<i32>} : memref<80x128xf32, #tpu.memory_space<vmem>>, vector<1x16xf32>,
        %parallel_loop3A_354 = vector.shape_cast %parallel_loop3A_353 : vector<1x16xf32> to vector<16xf32>
        %parallel_loop3A_355 = arith.index_cast %parallel_loop3A_280 : i32 to index
        %parallel_loop3A_356 = arith.constant 80 : index
        %parallel_loop3A_357 = tpu.vector_load %arg12[%parallel_loop3A_355, %parallel_loop3A_356] {strides = array<i32>} : memref<80x128xf32, #tpu.memory_space<vmem>>, vector<1x16xf32>,
        %parallel_loop3A_358 = vector.shape_cast %parallel_loop3A_357 : vector<1x16xf32> to vector<16xf32>
        %parallel_loop3A_359 = arith.mulf %parallel_loop3A_354, %parallel_loop3A_358 : vector<16xf32>
        %parallel_loop3A_360 = arith.index_cast %parallel_loop3A_280 : i32 to index
        %parallel_loop3A_361 = arith.constant 80 : index
        %parallel_loop3A_362 = tpu.vector_load %arg14[%parallel_loop3A_360, %parallel_loop3A_361] {strides = array<i32>} : memref<80x128xf32, #tpu.memory_space<vmem>>, vector<1x16xf32>,
        %parallel_loop3A_363 = vector.shape_cast %parallel_loop3A_362 : vector<1x16xf32> to vector<16xf32>
        %parallel_loop3A_364 = vector.shape_cast %parallel_loop3A_359 : vector<16xf32> to vector<1x16xf32>
        tpu.vector_store %arg14[%parallel_loop3A_360, %parallel_loop3A_361], %parallel_loop3A_364 {strides = array<i32>} : memref<80x128xf32, #tpu.memory_space<vmem>>, vector<1x16xf32>,
        %parallel_loop3A_365 = arith.index_cast %parallel_loop3A_280 : i32 to index
        %parallel_loop3A_366 = arith.constant 96 : index
        %parallel_loop3A_367 = tpu.vector_load %arg14[%parallel_loop3A_365, %parallel_loop3A_366] {strides = array<i32>} : memref<80x128xf32, #tpu.memory_space<vmem>>, vector<1x16xf32>,
        %parallel_loop3A_368 = vector.shape_cast %parallel_loop3A_367 : vector<1x16xf32> to vector<16xf32>
        %parallel_loop3A_369 = arith.index_cast %parallel_loop3A_280 : i32 to index
        %parallel_loop3A_370 = arith.constant 96 : index
        %parallel_loop3A_371 = tpu.vector_load %arg12[%parallel_loop3A_369, %parallel_loop3A_370] {strides = array<i32>} : memref<80x128xf32, #tpu.memory_space<vmem>>, vector<1x16xf32>,
        %parallel_loop3A_372 = vector.shape_cast %parallel_loop3A_371 : vector<1x16xf32> to vector<16xf32>
        %parallel_loop3A_373 = arith.mulf %parallel_loop3A_368, %parallel_loop3A_372 : vector<16xf32>
        %parallel_loop3A_374 = arith.index_cast %parallel_loop3A_280 : i32 to index
        %parallel_loop3A_375 = arith.constant 96 : index
        %parallel_loop3A_376 = tpu.vector_load %arg14[%parallel_loop3A_374, %parallel_loop3A_375] {strides = array<i32>} : memref<80x128xf32, #tpu.memory_space<vmem>>, vector<1x16xf32>,
        %parallel_loop3A_377 = vector.shape_cast %parallel_loop3A_376 : vector<1x16xf32> to vector<16xf32>
        %parallel_loop3A_378 = vector.shape_cast %parallel_loop3A_373 : vector<16xf32> to vector<1x16xf32>
        tpu.vector_store %arg14[%parallel_loop3A_374, %parallel_loop3A_375], %parallel_loop3A_378 {strides = array<i32>} : memref<80x128xf32, #tpu.memory_space<vmem>>, vector<1x16xf32>,
        %parallel_loop3A_379 = arith.index_cast %parallel_loop3A_280 : i32 to index
        %parallel_loop3A_380 = arith.constant 112 : index
        %parallel_loop3A_381 = tpu.vector_load %arg14[%parallel_loop3A_379, %parallel_loop3A_380] {strides = array<i32>} : memref<80x128xf32, #tpu.memory_space<vmem>>, vector<1x16xf32>,
        %parallel_loop3A_382 = vector.shape_cast %parallel_loop3A_381 : vector<1x16xf32> to vector<16xf32>
        %parallel_loop3A_383 = arith.index_cast %parallel_loop3A_280 : i32 to index
        %parallel_loop3A_384 = arith.constant 112 : index
        %parallel_loop3A_385 = tpu.vector_load %arg12[%parallel_loop3A_383, %parallel_loop3A_384] {strides = array<i32>} : memref<80x128xf32, #tpu.memory_space<vmem>>, vector<1x16xf32>,
        %parallel_loop3A_386 = vector.shape_cast %parallel_loop3A_385 : vector<1x16xf32> to vector<16xf32>
        %parallel_loop3A_387 = arith.mulf %parallel_loop3A_382, %parallel_loop3A_386 : vector<16xf32>
        %parallel_loop3A_388 = arith.index_cast %parallel_loop3A_280 : i32 to index
        %parallel_loop3A_389 = arith.constant 112 : index
        %parallel_loop3A_390 = tpu.vector_load %arg14[%parallel_loop3A_388, %parallel_loop3A_389] {strides = array<i32>} : memref<80x128xf32, #tpu.memory_space<vmem>>, vector<1x16xf32>,
        %parallel_loop3A_391 = vector.shape_cast %parallel_loop3A_390 : vector<1x16xf32> to vector<16xf32>
        %parallel_loop3A_392 = vector.shape_cast %parallel_loop3A_387 : vector<16xf32> to vector<1x16xf32>
        tpu.vector_store %arg14[%parallel_loop3A_388, %parallel_loop3A_389], %parallel_loop3A_392 {strides = array<i32>} : memref<80x128xf32, #tpu.memory_space<vmem>>, vector<1x16xf32>,
      } {sc.loop_unroll_factor = 4 : i64, sc.parallel_access}
      %dma_wait3A_256 = arith.constant 0 : i32
      %dma_wait3A_257 = tpu.memref_slice %arg4[%dma_wait3A_256] : memref<320000xi32, #tpu.memory_space<hbm>> -> memref<80xi32, #tpu.memory_space<hbm>>
      %dma_wait3A_258 = arith.constant 0 : i32
      %dma_wait3A_259 = tpu.memref_slice %arg4[%dma_wait3A_258] : memref<320000xi32, #tpu.memory_space<hbm>> -> memref<80xi32, #tpu.memory_space<hbm>>
      tpu.wait_dma2 semaphore(%arg16 : memref<!tpu.dma_semaphore, #tpu.memory_space<semaphore_mem>>) src(%dma_wait3A_259 : memref<80xi32, #tpu.memory_space<hbm>>) dst(%arg8 : memref<80xi32, #tpu.memory_space<vmem>>)
      %dma_start3A_260 = arith.constant 0 : i32
      %dma_start3A_261 = arith.constant 0 : i32
      %dma_start3A_262 = tpu.memref_slice %arg7[%dma_start3A_260, %dma_start3A_261] : memref<10240x128xf32, #tpu.memory_space<vmem_shared>> -> memref<10240x128xf32, #tpu.memory_space<vmem_shared>>
      tpu.enqueue_indirect_dma source(%arg14 : memref<80x128xf32, #tpu.memory_space<vmem>>) target(%dma_start3A_262 : memref<10240x128xf32, #tpu.memory_space<vmem_shared>>) offsets(%arg8 : memref<80xi32, #tpu.memory_space<vmem>>) semaphore(%arg24 : memref<!tpu.dma_semaphore, #tpu.memory_space<semaphore_mem>>) {add = true}
      %add3A_263 = arith.constant 2 : i32
      %add3A_264 = arith.addi %add3A_226, %add3A_263 : i32
      %mul3A_265 = arith.constant 80 : i32
      %mul3A_266 = arith.muli %add3A_264, %mul3A_265 : i32
      %add3A_267 = arith.addi %mul3A_2, %mul3A_266 : i32
      %dma_start3A_268 = tpu.memref_slice %arg4[%add3A_267] : memref<320000xi32, #tpu.memory_space<hbm>> -> memref<80xi32, #tpu.memory_space<hbm>>
      %dma_start3A_269 = tpu.memref_slice %arg4[%add3A_267] : memref<320000xi32, #tpu.memory_space<hbm>> -> memref<80xi32, #tpu.memory_space<hbm>>
      tpu.enqueue_dma source(%dma_start3A_269 : memref<80xi32, #tpu.memory_space<hbm>>) target(%arg8 : memref<80xi32, #tpu.memory_space<vmem>>) target_semaphore(%arg16 : memref<!tpu.dma_semaphore, #tpu.memory_space<semaphore_mem>>)
      %add3A_270 = arith.constant 2 : i32
      %add3A_271 = arith.addi %add3A_226, %add3A_270 : i32
      %mul3A_272 = arith.constant 80 : i32
      %mul3A_273 = arith.muli %add3A_271, %mul3A_272 : i32
      %add3A_274 = arith.addi %mul3A_2, %mul3A_273 : i32
      %dma_start3A_275 = arith.constant 0 : i32
      %dma_start3A_276 = tpu.memref_slice %arg3[%add3A_274, %dma_start3A_275] : memref<320000x128xf32, #tpu.memory_space<hbm>> -> memref<80x128xf32, #tpu.memory_space<hbm>>
      %dma_start3A_277 = arith.constant 0 : i32
      %dma_start3A_278 = tpu.memref_slice %arg3[%add3A_274, %dma_start3A_277] : memref<320000x128xf32, #tpu.memory_space<hbm>> -> memref<80x128xf32, #tpu.memory_space<hbm>>
      tpu.enqueue_dma source(%dma_start3A_278 : memref<80x128xf32, #tpu.memory_space<hbm>>) target(%arg12 : memref<80x128xf32, #tpu.memory_space<vmem>>) target_semaphore(%arg20 : memref<!tpu.dma_semaphore, #tpu.memory_space<semaphore_mem>>)
      %scan3A_279 = arith.constant 0 : i32
      scf.yield %scan3A_279 : i32
    }
    %scan3A_105 = arith.constant 61 : i32
    %dma_wait3A_106 = arith.constant 0 : i32
    %dma_wait3A_107 = tpu.memref_slice %arg5[%dma_wait3A_106] : memref<320000xi32, #tpu.memory_space<hbm>> -> memref<80xi32, #tpu.memory_space<hbm>>
    %dma_wait3A_108 = arith.constant 0 : i32
    %dma_wait3A_109 = tpu.memref_slice %arg5[%dma_wait3A_108] : memref<320000xi32, #tpu.memory_space<hbm>> -> memref<80xi32, #tpu.memory_space<hbm>>
    tpu.wait_dma2 semaphore(%arg18 : memref<!tpu.dma_semaphore, #tpu.memory_space<semaphore_mem>>) src(%dma_wait3A_109 : memref<80xi32, #tpu.memory_space<hbm>>) dst(%arg10 : memref<80xi32, #tpu.memory_space<vmem>>)
    %dma_wait3A_110 = arith.constant 0 : i32
    %dma_wait3A_111 = arith.constant 0 : i32
    %dma_wait3A_112 = tpu.memref_slice %arg7[%dma_wait3A_110, %dma_wait3A_111] : memref<10240x128xf32, #tpu.memory_space<vmem_shared>> -> memref<10240x128xf32, #tpu.memory_space<vmem_shared>>
    tpu.wait_indirect_dma semaphore(%arg24 : memref<!tpu.dma_semaphore, #tpu.memory_space<semaphore_mem>>) src(%arg14 : memref<80x128xf32, #tpu.memory_space<vmem>>) dst(%dma_wait3A_112 : memref<10240x128xf32, #tpu.memory_space<vmem_shared>>)
    %dma_start3A_113 = arith.constant 0 : i32
    %dma_start3A_114 = arith.constant 0 : i32
    %dma_start3A_115 = tpu.memref_slice %arg2[%dma_start3A_113, %dma_start3A_114] : memref<10000x128xf32, #tpu.memory_space<hbm>> -> memref<10000x128xf32, #tpu.memory_space<hbm>>
    tpu.enqueue_indirect_dma source(%dma_start3A_115 : memref<10000x128xf32, #tpu.memory_space<hbm>>) target(%arg14 : memref<80x128xf32, #tpu.memory_space<vmem>>) offsets(%arg10 : memref<80xi32, #tpu.memory_space<vmem>>) semaphore(%arg22 : memref<!tpu.dma_semaphore, #tpu.memory_space<semaphore_mem>>)
    %dma_wait3A_116 = arith.constant 0 : i32
    %dma_wait3A_117 = arith.constant 0 : i32
    %dma_wait3A_118 = tpu.memref_slice %arg2[%dma_wait3A_116, %dma_wait3A_117] : memref<10000x128xf32, #tpu.memory_space<hbm>> -> memref<10000x128xf32, #tpu.memory_space<hbm>>
    tpu.wait_indirect_dma semaphore(%arg23 : memref<!tpu.dma_semaphore, #tpu.memory_space<semaphore_mem>>) src(%dma_wait3A_118 : memref<10000x128xf32, #tpu.memory_space<hbm>>) dst(%arg15 : memref<80x128xf32, #tpu.memory_space<vmem>>)
    %dma_wait3A_119 = arith.constant 0 : i32
    %dma_wait3A_120 = arith.constant 0 : i32
    %dma_wait3A_121 = tpu.memref_slice %arg3[%dma_wait3A_119, %dma_wait3A_120] : memref<320000x128xf32, #tpu.memory_space<hbm>> -> memref<80x128xf32, #tpu.memory_space<hbm>>
    %dma_wait3A_122 = arith.constant 0 : i32
    %dma_wait3A_123 = arith.constant 0 : i32
    %dma_wait3A_124 = tpu.memref_slice %arg3[%dma_wait3A_122, %dma_wait3A_123] : memref<320000x128xf32, #tpu.memory_space<hbm>> -> memref<80x128xf32, #tpu.memory_space<hbm>>
    tpu.wait_dma2 semaphore(%arg21 : memref<!tpu.dma_semaphore, #tpu.memory_space<semaphore_mem>>) src(%dma_wait3A_124 : memref<80x128xf32, #tpu.memory_space<hbm>>) dst(%arg13 : memref<80x128xf32, #tpu.memory_space<vmem>>)
    %parallel_loop3A_125 = arith.constant 0 : i32
    %parallel_loop3A_126 = arith.constant 80 : i32
    %parallel_loop3A_127 = arith.constant 1 : i32
    scf.for %parallel_loop3A_167 = %parallel_loop3A_125 to %parallel_loop3A_126 step %parallel_loop3A_127  : i32 {
      %parallel_loop3A_168 = arith.index_cast %parallel_loop3A_167 : i32 to index
      %parallel_loop3A_169 = arith.constant 0 : index
      %parallel_loop3A_170 = tpu.vector_load %arg15[%parallel_loop3A_168, %parallel_loop3A_169] {strides = array<i32>} : memref<80x128xf32, #tpu.memory_space<vmem>>, vector<1x16xf32>,
      %parallel_loop3A_171 = vector.shape_cast %parallel_loop3A_170 : vector<1x16xf32> to vector<16xf32>
      %parallel_loop3A_172 = arith.index_cast %parallel_loop3A_167 : i32 to index
      %parallel_loop3A_173 = arith.constant 0 : index
      %parallel_loop3A_174 = tpu.vector_load %arg13[%parallel_loop3A_172, %parallel_loop3A_173] {strides = array<i32>} : memref<80x128xf32, #tpu.memory_space<vmem>>, vector<1x16xf32>,
      %parallel_loop3A_175 = vector.shape_cast %parallel_loop3A_174 : vector<1x16xf32> to vector<16xf32>
      %parallel_loop3A_176 = arith.mulf %parallel_loop3A_171, %parallel_loop3A_175 : vector<16xf32>
      %parallel_loop3A_177 = arith.index_cast %parallel_loop3A_167 : i32 to index
      %parallel_loop3A_178 = arith.constant 0 : index
      %parallel_loop3A_179 = tpu.vector_load %arg15[%parallel_loop3A_177, %parallel_loop3A_178] {strides = array<i32>} : memref<80x128xf32, #tpu.memory_space<vmem>>, vector<1x16xf32>,
      %parallel_loop3A_180 = vector.shape_cast %parallel_loop3A_179 : vector<1x16xf32> to vector<16xf32>
      %parallel_loop3A_181 = vector.shape_cast %parallel_loop3A_176 : vector<16xf32> to vector<1x16xf32>
      tpu.vector_store %arg15[%parallel_loop3A_177, %parallel_loop3A_178], %parallel_loop3A_181 {strides = array<i32>} : memref<80x128xf32, #tpu.memory_space<vmem>>, vector<1x16xf32>,
      %parallel_loop3A_182 = arith.index_cast %parallel_loop3A_167 : i32 to index
      %parallel_loop3A_183 = arith.constant 16 : index
      %parallel_loop3A_184 = tpu.vector_load %arg15[%parallel_loop3A_182, %parallel_loop3A_183] {strides = array<i32>} : memref<80x128xf32, #tpu.memory_space<vmem>>, vector<1x16xf32>,
      %parallel_loop3A_185 = vector.shape_cast %parallel_loop3A_184 : vector<1x16xf32> to vector<16xf32>
      %parallel_loop3A_186 = arith.index_cast %parallel_loop3A_167 : i32 to index
      %parallel_loop3A_187 = arith.constant 16 : index
      %parallel_loop3A_188 = tpu.vector_load %arg13[%parallel_loop3A_186, %parallel_loop3A_187] {strides = array<i32>} : memref<80x128xf32, #tpu.memory_space<vmem>>, vector<1x16xf32>,
      %parallel_loop3A_189 = vector.shape_cast %parallel_loop3A_188 : vector<1x16xf32> to vector<16xf32>
      %parallel_loop3A_190 = arith.mulf %parallel_loop3A_185, %parallel_loop3A_189 : vector<16xf32>
      %parallel_loop3A_191 = arith.index_cast %parallel_loop3A_167 : i32 to index
      %parallel_loop3A_192 = arith.constant 16 : index
      %parallel_loop3A_193 = tpu.vector_load %arg15[%parallel_loop3A_191, %parallel_loop3A_192] {strides = array<i32>} : memref<80x128xf32, #tpu.memory_space<vmem>>, vector<1x16xf32>,
      %parallel_loop3A_194 = vector.shape_cast %parallel_loop3A_193 : vector<1x16xf32> to vector<16xf32>
      %parallel_loop3A_195 = vector.shape_cast %parallel_loop3A_190 : vector<16xf32> to vector<1x16xf32>
      tpu.vector_store %arg15[%parallel_loop3A_191, %parallel_loop3A_192], %parallel_loop3A_195 {strides = array<i32>} : memref<80x128xf32, #tpu.memory_space<vmem>>, vector<1x16xf32>,
      %parallel_loop3A_196 = arith.index_cast %parallel_loop3A_167 : i32 to index
      %parallel_loop3A_197 = arith.constant 32 : index
      %parallel_loop3A_198 = tpu.vector_load %arg15[%parallel_loop3A_196, %parallel_loop3A_197] {strides = array<i32>} : memref<80x128xf32, #tpu.memory_space<vmem>>, vector<1x16xf32>,
      %parallel_loop3A_199 = vector.shape_cast %parallel_loop3A_198 : vector<1x16xf32> to vector<16xf32>
      %parallel_loop3A_200 = arith.index_cast %parallel_loop3A_167 : i32 to index
      %parallel_loop3A_201 = arith.constant 32 : index
      %parallel_loop3A_202 = tpu.vector_load %arg13[%parallel_loop3A_200, %parallel_loop3A_201] {strides = array<i32>} : memref<80x128xf32, #tpu.memory_space<vmem>>, vector<1x16xf32>,
      %parallel_loop3A_203 = vector.shape_cast %parallel_loop3A_202 : vector<1x16xf32> to vector<16xf32>
      %parallel_loop3A_204 = arith.mulf %parallel_loop3A_199, %parallel_loop3A_203 : vector<16xf32>
      %parallel_loop3A_205 = arith.index_cast %parallel_loop3A_167 : i32 to index
      %parallel_loop3A_206 = arith.constant 32 : index
      %parallel_loop3A_207 = tpu.vector_load %arg15[%parallel_loop3A_205, %parallel_loop3A_206] {strides = array<i32>} : memref<80x128xf32, #tpu.memory_space<vmem>>, vector<1x16xf32>,
      %parallel_loop3A_208 = vector.shape_cast %parallel_loop3A_207 : vector<1x16xf32> to vector<16xf32>
      %parallel_loop3A_209 = vector.shape_cast %parallel_loop3A_204 : vector<16xf32> to vector<1x16xf32>
      tpu.vector_store %arg15[%parallel_loop3A_205, %parallel_loop3A_206], %parallel_loop3A_209 {strides = array<i32>} : memref<80x128xf32, #tpu.memory_space<vmem>>, vector<1x16xf32>,
      %parallel_loop3A_210 = arith.index_cast %parallel_loop3A_167 : i32 to index
      %parallel_loop3A_211 = arith.constant 48 : index
      %parallel_loop3A_212 = tpu.vector_load %arg15[%parallel_loop3A_210, %parallel_loop3A_211] {strides = array<i32>} : memref<80x128xf32, #tpu.memory_space<vmem>>, vector<1x16xf32>,
      %parallel_loop3A_213 = vector.shape_cast %parallel_loop3A_212 : vector<1x16xf32> to vector<16xf32>
      %parallel_loop3A_214 = arith.index_cast %parallel_loop3A_167 : i32 to index
      %parallel_loop3A_215 = arith.constant 48 : index
      %parallel_loop3A_216 = tpu.vector_load %arg13[%parallel_loop3A_214, %parallel_loop3A_215] {strides = array<i32>} : memref<80x128xf32, #tpu.memory_space<vmem>>, vector<1x16xf32>,
      %parallel_loop3A_217 = vector.shape_cast %parallel_loop3A_216 : vector<1x16xf32> to vector<16xf32>
      %parallel_loop3A_218 = arith.mulf %parallel_loop3A_213, %parallel_loop3A_217 : vector<16xf32>
      %parallel_loop3A_219 = arith.index_cast %parallel_loop3A_167 : i32 to index
      %parallel_loop3A_220 = arith.constant 48 : index
      %parallel_loop3A_221 = tpu.vector_load %arg15[%parallel_loop3A_219, %parallel_loop3A_220] {strides = array<i32>} : memref<80x128xf32, #tpu.memory_space<vmem>>, vector<1x16xf32>,
      %parallel_loop3A_222 = vector.shape_cast %parallel_loop3A_221 : vector<1x16xf32> to vector<16xf32>
      %parallel_loop3A_223 = vector.shape_cast %parallel_loop3A_218 : vector<16xf32> to vector<1x16xf32>
      tpu.vector_store %arg15[%parallel_loop3A_219, %parallel_loop3A_220], %parallel_loop3A_223 {strides = array<i32>} : memref<80x128xf32, #tpu.memory_space<vmem>>, vector<1x16xf32>,
      %parallel_loop3A_224 = arith.index_cast %parallel_loop3A_167 : i32 to index
      %parallel_loop3A_225 = arith.constant 64 : index
      %parallel_loop3A_226 = tpu.vector_load %arg15[%parallel_loop3A_224, %parallel_loop3A_225] {strides = array<i32>} : memref<80x128xf32, #tpu.memory_space<vmem>>, vector<1x16xf32>,
      %parallel_loop3A_227 = vector.shape_cast %parallel_loop3A_226 : vector<1x16xf32> to vector<16xf32>
      %parallel_loop3A_228 = arith.index_cast %parallel_loop3A_167 : i32 to index
      %parallel_loop3A_229 = arith.constant 64 : index
      %parallel_loop3A_230 = tpu.vector_load %arg13[%parallel_loop3A_228, %parallel_loop3A_229] {strides = array<i32>} : memref<80x128xf32, #tpu.memory_space<vmem>>, vector<1x16xf32>,
      %parallel_loop3A_231 = vector.shape_cast %parallel_loop3A_230 : vector<1x16xf32> to vector<16xf32>
      %parallel_loop3A_232 = arith.mulf %parallel_loop3A_227, %parallel_loop3A_231 : vector<16xf32>
      %parallel_loop3A_233 = arith.index_cast %parallel_loop3A_167 : i32 to index
      %parallel_loop3A_234 = arith.constant 64 : index
      %parallel_loop3A_235 = tpu.vector_load %arg15[%parallel_loop3A_233, %parallel_loop3A_234] {strides = array<i32>} : memref<80x128xf32, #tpu.memory_space<vmem>>, vector<1x16xf32>,
      %parallel_loop3A_236 = vector.shape_cast %parallel_loop3A_235 : vector<1x16xf32> to vector<16xf32>
      %parallel_loop3A_237 = vector.shape_cast %parallel_loop3A_232 : vector<16xf32> to vector<1x16xf32>
      tpu.vector_store %arg15[%parallel_loop3A_233, %parallel_loop3A_234], %parallel_loop3A_237 {strides = array<i32>} : memref<80x128xf32, #tpu.memory_space<vmem>>, vector<1x16xf32>,
      %parallel_loop3A_238 = arith.index_cast %parallel_loop3A_167 : i32 to index
      %parallel_loop3A_239 = arith.constant 80 : index
      %parallel_loop3A_240 = tpu.vector_load %arg15[%parallel_loop3A_238, %parallel_loop3A_239] {strides = array<i32>} : memref<80x128xf32, #tpu.memory_space<vmem>>, vector<1x16xf32>,
      %parallel_loop3A_241 = vector.shape_cast %parallel_loop3A_240 : vector<1x16xf32> to vector<16xf32>
      %parallel_loop3A_242 = arith.index_cast %parallel_loop3A_167 : i32 to index
      %parallel_loop3A_243 = arith.constant 80 : index
      %parallel_loop3A_244 = tpu.vector_load %arg13[%parallel_loop3A_242, %parallel_loop3A_243] {strides = array<i32>} : memref<80x128xf32, #tpu.memory_space<vmem>>, vector<1x16xf32>,
      %parallel_loop3A_245 = vector.shape_cast %parallel_loop3A_244 : vector<1x16xf32> to vector<16xf32>
      %parallel_loop3A_246 = arith.mulf %parallel_loop3A_241, %parallel_loop3A_245 : vector<16xf32>
      %parallel_loop3A_247 = arith.index_cast %parallel_loop3A_167 : i32 to index
      %parallel_loop3A_248 = arith.constant 80 : index
      %parallel_loop3A_249 = tpu.vector_load %arg15[%parallel_loop3A_247, %parallel_loop3A_248] {strides = array<i32>} : memref<80x128xf32, #tpu.memory_space<vmem>>, vector<1x16xf32>,
      %parallel_loop3A_250 = vector.shape_cast %parallel_loop3A_249 : vector<1x16xf32> to vector<16xf32>
      %parallel_loop3A_251 = vector.shape_cast %parallel_loop3A_246 : vector<16xf32> to vector<1x16xf32>
      tpu.vector_store %arg15[%parallel_loop3A_247, %parallel_loop3A_248], %parallel_loop3A_251 {strides = array<i32>} : memref<80x128xf32, #tpu.memory_space<vmem>>, vector<1x16xf32>,
      %parallel_loop3A_252 = arith.index_cast %parallel_loop3A_167 : i32 to index
      %parallel_loop3A_253 = arith.constant 96 : index
      %parallel_loop3A_254 = tpu.vector_load %arg15[%parallel_loop3A_252, %parallel_loop3A_253] {strides = array<i32>} : memref<80x128xf32, #tpu.memory_space<vmem>>, vector<1x16xf32>,
      %parallel_loop3A_255 = vector.shape_cast %parallel_loop3A_254 : vector<1x16xf32> to vector<16xf32>
      %parallel_loop3A_256 = arith.index_cast %parallel_loop3A_167 : i32 to index
      %parallel_loop3A_257 = arith.constant 96 : index
      %parallel_loop3A_258 = tpu.vector_load %arg13[%parallel_loop3A_256, %parallel_loop3A_257] {strides = array<i32>} : memref<80x128xf32, #tpu.memory_space<vmem>>, vector<1x16xf32>,
      %parallel_loop3A_259 = vector.shape_cast %parallel_loop3A_258 : vector<1x16xf32> to vector<16xf32>
      %parallel_loop3A_260 = arith.mulf %parallel_loop3A_255, %parallel_loop3A_259 : vector<16xf32>
      %parallel_loop3A_261 = arith.index_cast %parallel_loop3A_167 : i32 to index
      %parallel_loop3A_262 = arith.constant 96 : index
      %parallel_loop3A_263 = tpu.vector_load %arg15[%parallel_loop3A_261, %parallel_loop3A_262] {strides = array<i32>} : memref<80x128xf32, #tpu.memory_space<vmem>>, vector<1x16xf32>,
      %parallel_loop3A_264 = vector.shape_cast %parallel_loop3A_263 : vector<1x16xf32> to vector<16xf32>
      %parallel_loop3A_265 = vector.shape_cast %parallel_loop3A_260 : vector<16xf32> to vector<1x16xf32>
      tpu.vector_store %arg15[%parallel_loop3A_261, %parallel_loop3A_262], %parallel_loop3A_265 {strides = array<i32>} : memref<80x128xf32, #tpu.memory_space<vmem>>, vector<1x16xf32>,
      %parallel_loop3A_266 = arith.index_cast %parallel_loop3A_167 : i32 to index
      %parallel_loop3A_267 = arith.constant 112 : index
      %parallel_loop3A_268 = tpu.vector_load %arg15[%parallel_loop3A_266, %parallel_loop3A_267] {strides = array<i32>} : memref<80x128xf32, #tpu.memory_space<vmem>>, vector<1x16xf32>,
      %parallel_loop3A_269 = vector.shape_cast %parallel_loop3A_268 : vector<1x16xf32> to vector<16xf32>
      %parallel_loop3A_270 = arith.index_cast %parallel_loop3A_167 : i32 to index
      %parallel_loop3A_271 = arith.constant 112 : index
      %parallel_loop3A_272 = tpu.vector_load %arg13[%parallel_loop3A_270, %parallel_loop3A_271] {strides = array<i32>} : memref<80x128xf32, #tpu.memory_space<vmem>>, vector<1x16xf32>,
      %parallel_loop3A_273 = vector.shape_cast %parallel_loop3A_272 : vector<1x16xf32> to vector<16xf32>
      %parallel_loop3A_274 = arith.mulf %parallel_loop3A_269, %parallel_loop3A_273 : vector<16xf32>
      %parallel_loop3A_275 = arith.index_cast %parallel_loop3A_167 : i32 to index
      %parallel_loop3A_276 = arith.constant 112 : index
      %parallel_loop3A_277 = tpu.vector_load %arg15[%parallel_loop3A_275, %parallel_loop3A_276] {strides = array<i32>} : memref<80x128xf32, #tpu.memory_space<vmem>>, vector<1x16xf32>,
      %parallel_loop3A_278 = vector.shape_cast %parallel_loop3A_277 : vector<1x16xf32> to vector<16xf32>
      %parallel_loop3A_279 = vector.shape_cast %parallel_loop3A_274 : vector<16xf32> to vector<1x16xf32>
      tpu.vector_store %arg15[%parallel_loop3A_275, %parallel_loop3A_276], %parallel_loop3A_279 {strides = array<i32>} : memref<80x128xf32, #tpu.memory_space<vmem>>, vector<1x16xf32>,
    } {sc.loop_unroll_factor = 4 : i64, sc.parallel_access}
    %dma_wait3A_128 = arith.constant 0 : i32
    %dma_wait3A_129 = tpu.memref_slice %arg4[%dma_wait3A_128] : memref<320000xi32, #tpu.memory_space<hbm>> -> memref<80xi32, #tpu.memory_space<hbm>>
    %dma_wait3A_130 = arith.constant 0 : i32
    %dma_wait3A_131 = tpu.memref_slice %arg4[%dma_wait3A_130] : memref<320000xi32, #tpu.memory_space<hbm>> -> memref<80xi32, #tpu.memory_space<hbm>>
    tpu.wait_dma2 semaphore(%arg17 : memref<!tpu.dma_semaphore, #tpu.memory_space<semaphore_mem>>) src(%dma_wait3A_131 : memref<80xi32, #tpu.memory_space<hbm>>) dst(%arg9 : memref<80xi32, #tpu.memory_space<vmem>>)
    %dma_start3A_132 = arith.constant 0 : i32
    %dma_start3A_133 = arith.constant 0 : i32
    %dma_start3A_134 = tpu.memref_slice %arg7[%dma_start3A_132, %dma_start3A_133] : memref<10240x128xf32, #tpu.memory_space<vmem_shared>> -> memref<10240x128xf32, #tpu.memory_space<vmem_shared>>
    tpu.enqueue_indirect_dma source(%arg15 : memref<80x128xf32, #tpu.memory_space<vmem>>) target(%dma_start3A_134 : memref<10240x128xf32, #tpu.memory_space<vmem_shared>>) offsets(%arg9 : memref<80xi32, #tpu.memory_space<vmem>>) semaphore(%arg25 : memref<!tpu.dma_semaphore, #tpu.memory_space<semaphore_mem>>) {add = true}
    %dma_wait3A_135 = arith.constant 0 : i32
    %dma_wait3A_136 = arith.constant 0 : i32
    %dma_wait3A_137 = tpu.memref_slice %arg2[%dma_wait3A_135, %dma_wait3A_136] : memref<10000x128xf32, #tpu.memory_space<hbm>> -> memref<10000x128xf32, #tpu.memory_space<hbm>>
    tpu.wait_indirect_dma semaphore(%arg22 : memref<!tpu.dma_semaphore, #tpu.memory_space<semaphore_mem>>) src(%dma_wait3A_137 : memref<10000x128xf32, #tpu.memory_space<hbm>>) dst(%arg14 : memref<80x128xf32, #tpu.memory_space<vmem>>)
    %dma_wait3A_138 = arith.constant 0 : i32
    %dma_wait3A_139 = arith.constant 0 : i32
    %dma_wait3A_140 = tpu.memref_slice %arg3[%dma_wait3A_138, %dma_wait3A_139] : memref<320000x128xf32, #tpu.memory_space<hbm>> -> memref<80x128xf32, #tpu.memory_space<hbm>>
    %dma_wait3A_141 = arith.constant 0 : i32
    %dma_wait3A_142 = arith.constant 0 : i32
    %dma_wait3A_143 = tpu.memref_slice %arg3[%dma_wait3A_141, %dma_wait3A_142] : memref<320000x128xf32, #tpu.memory_space<hbm>> -> memref<80x128xf32, #tpu.memory_space<hbm>>
    tpu.wait_dma2 semaphore(%arg20 : memref<!tpu.dma_semaphore, #tpu.memory_space<semaphore_mem>>) src(%dma_wait3A_143 : memref<80x128xf32, #tpu.memory_space<hbm>>) dst(%arg12 : memref<80x128xf32, #tpu.memory_space<vmem>>)
    %parallel_loop3A_144 = arith.constant 0 : i32
    %parallel_loop3A_145 = arith.constant 80 : i32
    %parallel_loop3A_146 = arith.constant 1 : i32
    scf.for %parallel_loop3A_167 = %parallel_loop3A_144 to %parallel_loop3A_145 step %parallel_loop3A_146  : i32 {
      %parallel_loop3A_168 = arith.index_cast %parallel_loop3A_167 : i32 to index
      %parallel_loop3A_169 = arith.constant 0 : index
      %parallel_loop3A_170 = tpu.vector_load %arg14[%parallel_loop3A_168, %parallel_loop3A_169] {strides = array<i32>} : memref<80x128xf32, #tpu.memory_space<vmem>>, vector<1x16xf32>,
      %parallel_loop3A_171 = vector.shape_cast %parallel_loop3A_170 : vector<1x16xf32> to vector<16xf32>
      %parallel_loop3A_172 = arith.index_cast %parallel_loop3A_167 : i32 to index
      %parallel_loop3A_173 = arith.constant 0 : index
      %parallel_loop3A_174 = tpu.vector_load %arg12[%parallel_loop3A_172, %parallel_loop3A_173] {strides = array<i32>} : memref<80x128xf32, #tpu.memory_space<vmem>>, vector<1x16xf32>,
      %parallel_loop3A_175 = vector.shape_cast %parallel_loop3A_174 : vector<1x16xf32> to vector<16xf32>
      %parallel_loop3A_176 = arith.mulf %parallel_loop3A_171, %parallel_loop3A_175 : vector<16xf32>
      %parallel_loop3A_177 = arith.index_cast %parallel_loop3A_167 : i32 to index
      %parallel_loop3A_178 = arith.constant 0 : index
      %parallel_loop3A_179 = tpu.vector_load %arg14[%parallel_loop3A_177, %parallel_loop3A_178] {strides = array<i32>} : memref<80x128xf32, #tpu.memory_space<vmem>>, vector<1x16xf32>,
      %parallel_loop3A_180 = vector.shape_cast %parallel_loop3A_179 : vector<1x16xf32> to vector<16xf32>
      %parallel_loop3A_181 = vector.shape_cast %parallel_loop3A_176 : vector<16xf32> to vector<1x16xf32>
      tpu.vector_store %arg14[%parallel_loop3A_177, %parallel_loop3A_178], %parallel_loop3A_181 {strides = array<i32>} : memref<80x128xf32, #tpu.memory_space<vmem>>, vector<1x16xf32>,
      %parallel_loop3A_182 = arith.index_cast %parallel_loop3A_167 : i32 to index
      %parallel_loop3A_183 = arith.constant 16 : index
      %parallel_loop3A_184 = tpu.vector_load %arg14[%parallel_loop3A_182, %parallel_loop3A_183] {strides = array<i32>} : memref<80x128xf32, #tpu.memory_space<vmem>>, vector<1x16xf32>,
      %parallel_loop3A_185 = vector.shape_cast %parallel_loop3A_184 : vector<1x16xf32> to vector<16xf32>
      %parallel_loop3A_186 = arith.index_cast %parallel_loop3A_167 : i32 to index
      %parallel_loop3A_187 = arith.constant 16 : index
      %parallel_loop3A_188 = tpu.vector_load %arg12[%parallel_loop3A_186, %parallel_loop3A_187] {strides = array<i32>} : memref<80x128xf32, #tpu.memory_space<vmem>>, vector<1x16xf32>,
      %parallel_loop3A_189 = vector.shape_cast %parallel_loop3A_188 : vector<1x16xf32> to vector<16xf32>
      %parallel_loop3A_190 = arith.mulf %parallel_loop3A_185, %parallel_loop3A_189 : vector<16xf32>
      %parallel_loop3A_191 = arith.index_cast %parallel_loop3A_167 : i32 to index
      %parallel_loop3A_192 = arith.constant 16 : index
      %parallel_loop3A_193 = tpu.vector_load %arg14[%parallel_loop3A_191, %parallel_loop3A_192] {strides = array<i32>} : memref<80x128xf32, #tpu.memory_space<vmem>>, vector<1x16xf32>,
      %parallel_loop3A_194 = vector.shape_cast %parallel_loop3A_193 : vector<1x16xf32> to vector<16xf32>
      %parallel_loop3A_195 = vector.shape_cast %parallel_loop3A_190 : vector<16xf32> to vector<1x16xf32>
      tpu.vector_store %arg14[%parallel_loop3A_191, %parallel_loop3A_192], %parallel_loop3A_195 {strides = array<i32>} : memref<80x128xf32, #tpu.memory_space<vmem>>, vector<1x16xf32>,
      %parallel_loop3A_196 = arith.index_cast %parallel_loop3A_167 : i32 to index
      %parallel_loop3A_197 = arith.constant 32 : index
      %parallel_loop3A_198 = tpu.vector_load %arg14[%parallel_loop3A_196, %parallel_loop3A_197] {strides = array<i32>} : memref<80x128xf32, #tpu.memory_space<vmem>>, vector<1x16xf32>,
      %parallel_loop3A_199 = vector.shape_cast %parallel_loop3A_198 : vector<1x16xf32> to vector<16xf32>
      %parallel_loop3A_200 = arith.index_cast %parallel_loop3A_167 : i32 to index
      %parallel_loop3A_201 = arith.constant 32 : index
      %parallel_loop3A_202 = tpu.vector_load %arg12[%parallel_loop3A_200, %parallel_loop3A_201] {strides = array<i32>} : memref<80x128xf32, #tpu.memory_space<vmem>>, vector<1x16xf32>,
      %parallel_loop3A_203 = vector.shape_cast %parallel_loop3A_202 : vector<1x16xf32> to vector<16xf32>
      %parallel_loop3A_204 = arith.mulf %parallel_loop3A_199, %parallel_loop3A_203 : vector<16xf32>
      %parallel_loop3A_205 = arith.index_cast %parallel_loop3A_167 : i32 to index
      %parallel_loop3A_206 = arith.constant 32 : index
      %parallel_loop3A_207 = tpu.vector_load %arg14[%parallel_loop3A_205, %parallel_loop3A_206] {strides = array<i32>} : memref<80x128xf32, #tpu.memory_space<vmem>>, vector<1x16xf32>,
      %parallel_loop3A_208 = vector.shape_cast %parallel_loop3A_207 : vector<1x16xf32> to vector<16xf32>
      %parallel_loop3A_209 = vector.shape_cast %parallel_loop3A_204 : vector<16xf32> to vector<1x16xf32>
      tpu.vector_store %arg14[%parallel_loop3A_205, %parallel_loop3A_206], %parallel_loop3A_209 {strides = array<i32>} : memref<80x128xf32, #tpu.memory_space<vmem>>, vector<1x16xf32>,
      %parallel_loop3A_210 = arith.index_cast %parallel_loop3A_167 : i32 to index
      %parallel_loop3A_211 = arith.constant 48 : index
      %parallel_loop3A_212 = tpu.vector_load %arg14[%parallel_loop3A_210, %parallel_loop3A_211] {strides = array<i32>} : memref<80x128xf32, #tpu.memory_space<vmem>>, vector<1x16xf32>,
      %parallel_loop3A_213 = vector.shape_cast %parallel_loop3A_212 : vector<1x16xf32> to vector<16xf32>
      %parallel_loop3A_214 = arith.index_cast %parallel_loop3A_167 : i32 to index
      %parallel_loop3A_215 = arith.constant 48 : index
      %parallel_loop3A_216 = tpu.vector_load %arg12[%parallel_loop3A_214, %parallel_loop3A_215] {strides = array<i32>} : memref<80x128xf32, #tpu.memory_space<vmem>>, vector<1x16xf32>,
      %parallel_loop3A_217 = vector.shape_cast %parallel_loop3A_216 : vector<1x16xf32> to vector<16xf32>
      %parallel_loop3A_218 = arith.mulf %parallel_loop3A_213, %parallel_loop3A_217 : vector<16xf32>
      %parallel_loop3A_219 = arith.index_cast %parallel_loop3A_167 : i32 to index
      %parallel_loop3A_220 = arith.constant 48 : index
      %parallel_loop3A_221 = tpu.vector_load %arg14[%parallel_loop3A_219, %parallel_loop3A_220] {strides = array<i32>} : memref<80x128xf32, #tpu.memory_space<vmem>>, vector<1x16xf32>,
      %parallel_loop3A_222 = vector.shape_cast %parallel_loop3A_221 : vector<1x16xf32> to vector<16xf32>
      %parallel_loop3A_223 = vector.shape_cast %parallel_loop3A_218 : vector<16xf32> to vector<1x16xf32>
      tpu.vector_store %arg14[%parallel_loop3A_219, %parallel_loop3A_220], %parallel_loop3A_223 {strides = array<i32>} : memref<80x128xf32, #tpu.memory_space<vmem>>, vector<1x16xf32>,
      %parallel_loop3A_224 = arith.index_cast %parallel_loop3A_167 : i32 to index
      %parallel_loop3A_225 = arith.constant 64 : index
      %parallel_loop3A_226 = tpu.vector_load %arg14[%parallel_loop3A_224, %parallel_loop3A_225] {strides = array<i32>} : memref<80x128xf32, #tpu.memory_space<vmem>>, vector<1x16xf32>,
      %parallel_loop3A_227 = vector.shape_cast %parallel_loop3A_226 : vector<1x16xf32> to vector<16xf32>
      %parallel_loop3A_228 = arith.index_cast %parallel_loop3A_167 : i32 to index
      %parallel_loop3A_229 = arith.constant 64 : index
      %parallel_loop3A_230 = tpu.vector_load %arg12[%parallel_loop3A_228, %parallel_loop3A_229] {strides = array<i32>} : memref<80x128xf32, #tpu.memory_space<vmem>>, vector<1x16xf32>,
      %parallel_loop3A_231 = vector.shape_cast %parallel_loop3A_230 : vector<1x16xf32> to vector<16xf32>
      %parallel_loop3A_232 = arith.mulf %parallel_loop3A_227, %parallel_loop3A_231 : vector<16xf32>
      %parallel_loop3A_233 = arith.index_cast %parallel_loop3A_167 : i32 to index
      %parallel_loop3A_234 = arith.constant 64 : index
      %parallel_loop3A_235 = tpu.vector_load %arg14[%parallel_loop3A_233, %parallel_loop3A_234] {strides = array<i32>} : memref<80x128xf32, #tpu.memory_space<vmem>>, vector<1x16xf32>,
      %parallel_loop3A_236 = vector.shape_cast %parallel_loop3A_235 : vector<1x16xf32> to vector<16xf32>
      %parallel_loop3A_237 = vector.shape_cast %parallel_loop3A_232 : vector<16xf32> to vector<1x16xf32>
      tpu.vector_store %arg14[%parallel_loop3A_233, %parallel_loop3A_234], %parallel_loop3A_237 {strides = array<i32>} : memref<80x128xf32, #tpu.memory_space<vmem>>, vector<1x16xf32>,
      %parallel_loop3A_238 = arith.index_cast %parallel_loop3A_167 : i32 to index
      %parallel_loop3A_239 = arith.constant 80 : index
      %parallel_loop3A_240 = tpu.vector_load %arg14[%parallel_loop3A_238, %parallel_loop3A_239] {strides = array<i32>} : memref<80x128xf32, #tpu.memory_space<vmem>>, vector<1x16xf32>,
      %parallel_loop3A_241 = vector.shape_cast %parallel_loop3A_240 : vector<1x16xf32> to vector<16xf32>
      %parallel_loop3A_242 = arith.index_cast %parallel_loop3A_167 : i32 to index
      %parallel_loop3A_243 = arith.constant 80 : index
      %parallel_loop3A_244 = tpu.vector_load %arg12[%parallel_loop3A_242, %parallel_loop3A_243] {strides = array<i32>} : memref<80x128xf32, #tpu.memory_space<vmem>>, vector<1x16xf32>,
      %parallel_loop3A_245 = vector.shape_cast %parallel_loop3A_244 : vector<1x16xf32> to vector<16xf32>
      %parallel_loop3A_246 = arith.mulf %parallel_loop3A_241, %parallel_loop3A_245 : vector<16xf32>
      %parallel_loop3A_247 = arith.index_cast %parallel_loop3A_167 : i32 to index
      %parallel_loop3A_248 = arith.constant 80 : index
      %parallel_loop3A_249 = tpu.vector_load %arg14[%parallel_loop3A_247, %parallel_loop3A_248] {strides = array<i32>} : memref<80x128xf32, #tpu.memory_space<vmem>>, vector<1x16xf32>,
      %parallel_loop3A_250 = vector.shape_cast %parallel_loop3A_249 : vector<1x16xf32> to vector<16xf32>
      %parallel_loop3A_251 = vector.shape_cast %parallel_loop3A_246 : vector<16xf32> to vector<1x16xf32>
      tpu.vector_store %arg14[%parallel_loop3A_247, %parallel_loop3A_248], %parallel_loop3A_251 {strides = array<i32>} : memref<80x128xf32, #tpu.memory_space<vmem>>, vector<1x16xf32>,
      %parallel_loop3A_252 = arith.index_cast %parallel_loop3A_167 : i32 to index
      %parallel_loop3A_253 = arith.constant 96 : index
      %parallel_loop3A_254 = tpu.vector_load %arg14[%parallel_loop3A_252, %parallel_loop3A_253] {strides = array<i32>} : memref<80x128xf32, #tpu.memory_space<vmem>>, vector<1x16xf32>,
      %parallel_loop3A_255 = vector.shape_cast %parallel_loop3A_254 : vector<1x16xf32> to vector<16xf32>
      %parallel_loop3A_256 = arith.index_cast %parallel_loop3A_167 : i32 to index
      %parallel_loop3A_257 = arith.constant 96 : index
      %parallel_loop3A_258 = tpu.vector_load %arg12[%parallel_loop3A_256, %parallel_loop3A_257] {strides = array<i32>} : memref<80x128xf32, #tpu.memory_space<vmem>>, vector<1x16xf32>,
      %parallel_loop3A_259 = vector.shape_cast %parallel_loop3A_258 : vector<1x16xf32> to vector<16xf32>
      %parallel_loop3A_260 = arith.mulf %parallel_loop3A_255, %parallel_loop3A_259 : vector<16xf32>
      %parallel_loop3A_261 = arith.index_cast %parallel_loop3A_167 : i32 to index
      %parallel_loop3A_262 = arith.constant 96 : index
      %parallel_loop3A_263 = tpu.vector_load %arg14[%parallel_loop3A_261, %parallel_loop3A_262] {strides = array<i32>} : memref<80x128xf32, #tpu.memory_space<vmem>>, vector<1x16xf32>,
      %parallel_loop3A_264 = vector.shape_cast %parallel_loop3A_263 : vector<1x16xf32> to vector<16xf32>
      %parallel_loop3A_265 = vector.shape_cast %parallel_loop3A_260 : vector<16xf32> to vector<1x16xf32>
      tpu.vector_store %arg14[%parallel_loop3A_261, %parallel_loop3A_262], %parallel_loop3A_265 {strides = array<i32>} : memref<80x128xf32, #tpu.memory_space<vmem>>, vector<1x16xf32>,
      %parallel_loop3A_266 = arith.index_cast %parallel_loop3A_167 : i32 to index
      %parallel_loop3A_267 = arith.constant 112 : index
      %parallel_loop3A_268 = tpu.vector_load %arg14[%parallel_loop3A_266, %parallel_loop3A_267] {strides = array<i32>} : memref<80x128xf32, #tpu.memory_space<vmem>>, vector<1x16xf32>,
      %parallel_loop3A_269 = vector.shape_cast %parallel_loop3A_268 : vector<1x16xf32> to vector<16xf32>
      %parallel_loop3A_270 = arith.index_cast %parallel_loop3A_167 : i32 to index
      %parallel_loop3A_271 = arith.constant 112 : index
      %parallel_loop3A_272 = tpu.vector_load %arg12[%parallel_loop3A_270, %parallel_loop3A_271] {strides = array<i32>} : memref<80x128xf32, #tpu.memory_space<vmem>>, vector<1x16xf32>,
      %parallel_loop3A_273 = vector.shape_cast %parallel_loop3A_272 : vector<1x16xf32> to vector<16xf32>
      %parallel_loop3A_274 = arith.mulf %parallel_loop3A_269, %parallel_loop3A_273 : vector<16xf32>
      %parallel_loop3A_275 = arith.index_cast %parallel_loop3A_167 : i32 to index
      %parallel_loop3A_276 = arith.constant 112 : index
      %parallel_loop3A_277 = tpu.vector_load %arg14[%parallel_loop3A_275, %parallel_loop3A_276] {strides = array<i32>} : memref<80x128xf32, #tpu.memory_space<vmem>>, vector<1x16xf32>,
      %parallel_loop3A_278 = vector.shape_cast %parallel_loop3A_277 : vector<1x16xf32> to vector<16xf32>
      %parallel_loop3A_279 = vector.shape_cast %parallel_loop3A_274 : vector<16xf32> to vector<1x16xf32>
      tpu.vector_store %arg14[%parallel_loop3A_275, %parallel_loop3A_276], %parallel_loop3A_279 {strides = array<i32>} : memref<80x128xf32, #tpu.memory_space<vmem>>, vector<1x16xf32>,
    } {sc.loop_unroll_factor = 4 : i64, sc.parallel_access}
    %dma_wait3A_147 = arith.constant 0 : i32
    %dma_wait3A_148 = tpu.memref_slice %arg4[%dma_wait3A_147] : memref<320000xi32, #tpu.memory_space<hbm>> -> memref<80xi32, #tpu.memory_space<hbm>>
    %dma_wait3A_149 = arith.constant 0 : i32
    %dma_wait3A_150 = tpu.memref_slice %arg4[%dma_wait3A_149] : memref<320000xi32, #tpu.memory_space<hbm>> -> memref<80xi32, #tpu.memory_space<hbm>>
    tpu.wait_dma2 semaphore(%arg16 : memref<!tpu.dma_semaphore, #tpu.memory_space<semaphore_mem>>) src(%dma_wait3A_150 : memref<80xi32, #tpu.memory_space<hbm>>) dst(%arg8 : memref<80xi32, #tpu.memory_space<vmem>>)
    %dma_start3A_151 = arith.constant 0 : i32
    %dma_start3A_152 = arith.constant 0 : i32
    %dma_start3A_153 = tpu.memref_slice %arg7[%dma_start3A_151, %dma_start3A_152] : memref<10240x128xf32, #tpu.memory_space<vmem_shared>> -> memref<10240x128xf32, #tpu.memory_space<vmem_shared>>
    tpu.enqueue_indirect_dma source(%arg14 : memref<80x128xf32, #tpu.memory_space<vmem>>) target(%dma_start3A_153 : memref<10240x128xf32, #tpu.memory_space<vmem_shared>>) offsets(%arg8 : memref<80xi32, #tpu.memory_space<vmem>>) semaphore(%arg24 : memref<!tpu.dma_semaphore, #tpu.memory_space<semaphore_mem>>) {add = true}
    %dma_wait3A_154 = arith.constant 0 : i32
    %dma_wait3A_155 = arith.constant 0 : i32
    %dma_wait3A_156 = tpu.memref_slice %arg7[%dma_wait3A_154, %dma_wait3A_155] : memref<10240x128xf32, #tpu.memory_space<vmem_shared>> -> memref<10240x128xf32, #tpu.memory_space<vmem_shared>>
    tpu.wait_indirect_dma semaphore(%arg25 : memref<!tpu.dma_semaphore, #tpu.memory_space<semaphore_mem>>) src(%arg15 : memref<80x128xf32, #tpu.memory_space<vmem>>) dst(%dma_wait3A_156 : memref<10240x128xf32, #tpu.memory_space<vmem_shared>>)
    %dma_wait3A_157 = arith.constant 0 : i32
    %dma_wait3A_158 = arith.constant 0 : i32
    %dma_wait3A_159 = tpu.memref_slice %arg7[%dma_wait3A_157, %dma_wait3A_158] : memref<10240x128xf32, #tpu.memory_space<vmem_shared>> -> memref<10240x128xf32, #tpu.memory_space<vmem_shared>>
    tpu.wait_indirect_dma semaphore(%arg24 : memref<!tpu.dma_semaphore, #tpu.memory_space<semaphore_mem>>) src(%arg14 : memref<80x128xf32, #tpu.memory_space<vmem>>) dst(%dma_wait3A_159 : memref<10240x128xf32, #tpu.memory_space<vmem_shared>>)
    %barrier3A_160 = arith.constant 0 : index
    tpu.barrier barrier_id(%barrier3A_160)
    %lt3A = arith.constant 15 : i32
    %lt3A_161 = arith.cmpi slt, %arg1, %lt3A : i32
    %convert_element_type3A = arith.extui %lt3A_161 : i1 to i32
    %cond3A = arith.constant 0 : i32
    %cond3A_162 = arith.cmpi ne, %convert_element_type3A, %cond3A : i32
    scf.if %cond3A_162 {
      "tpu.region"() ({
        %run_scoped3A = tpu.sem_alloc : memref<!tpu.dma_semaphore, #tpu.memory_space<semaphore_mem>>
        %dma_start3A_167 = arith.constant 0 : i32
        %dma_start3A_168 = tpu.memref_slice %arg6[%arg0, %mul3A_4, %dma_start3A_167] : memref<2x10000x128xf32, #tpu.memory_space<hbm>> -> memref<1x640x128xf32, #tpu.memory_space<hbm>>
        %dma_start3A_169 = tpu.memref_squeeze %dma_start3A_168 : memref<1x640x128xf32, #tpu.memory_space<hbm>> -> memref<640x128xf32, #tpu.memory_space<hbm>>
        %dma_start3A_170 = arith.constant 0 : i32
        %dma_start3A_171 = tpu.memref_slice %arg7[%mul3A_4, %dma_start3A_170] : memref<10240x128xf32, #tpu.memory_space<vmem_shared>> -> memref<640x128xf32, #tpu.memory_space<vmem_shared>>
        tpu.enqueue_dma source(%dma_start3A_171 : memref<640x128xf32, #tpu.memory_space<vmem_shared>>) target(%dma_start3A_169 : memref<640x128xf32, #tpu.memory_space<hbm>>) target_semaphore(%run_scoped3A : memref<!tpu.dma_semaphore, #tpu.memory_space<semaphore_mem>>)
        %dma_wait3A_172 = arith.constant 0 : i32
        %dma_wait3A_173 = tpu.memref_slice %arg6[%arg0, %mul3A_4, %dma_wait3A_172] : memref<2x10000x128xf32, #tpu.memory_space<hbm>> -> memref<1x640x128xf32, #tpu.memory_space<hbm>>
        %dma_wait3A_174 = tpu.memref_squeeze %dma_wait3A_173 : memref<1x640x128xf32, #tpu.memory_space<hbm>> -> memref<640x128xf32, #tpu.memory_space<hbm>>
        %dma_wait3A_175 = arith.constant 0 : i32
        %dma_wait3A_176 = tpu.memref_slice %arg7[%mul3A_4, %dma_wait3A_175] : memref<10240x128xf32, #tpu.memory_space<vmem_shared>> -> memref<640x128xf32, #tpu.memory_space<vmem_shared>>
        tpu.wait_dma2 semaphore(%run_scoped3A : memref<!tpu.dma_semaphore, #tpu.memory_space<semaphore_mem>>) src(%dma_wait3A_176 : memref<640x128xf32, #tpu.memory_space<vmem_shared>>) dst(%dma_wait3A_174 : memref<640x128xf32, #tpu.memory_space<hbm>>)
        tpu.yield
      }) : () -> ()
    } else {
    }
    %eq3A = arith.constant 15 : i32
    %eq3A_163 = arith.cmpi eq, %arg1, %eq3A : i32
    %convert_element_type3A_164 = arith.extui %eq3A_163 : i1 to i32
    %cond3A_165 = arith.constant 0 : i32
    %cond3A_166 = arith.cmpi ne, %convert_element_type3A_164, %cond3A_165 : i32
    scf.if %cond3A_166 {
      "tpu.region"() ({
        %run_scoped3A = tpu.sem_alloc : memref<!tpu.dma_semaphore, #tpu.memory_space<semaphore_mem>>
        %dma_start3A_167 = arith.constant 9600 : i32
        %dma_start3A_168 = arith.constant 0 : i32
        %dma_start3A_169 = tpu.memref_slice %arg6[%arg0, %dma_start3A_167, %dma_start3A_168] : memref<2x10000x128xf32, #tpu.memory_space<hbm>> -> memref<1x400x128xf32, #tpu.memory_space<hbm>>
        %dma_start3A_170 = tpu.memref_squeeze %dma_start3A_169 : memref<1x400x128xf32, #tpu.memory_space<hbm>> -> memref<400x128xf32, #tpu.memory_space<hbm>>
        %dma_start3A_171 = arith.constant 9600 : i32
        %dma_start3A_172 = arith.constant 0 : i32
        %dma_start3A_173 = tpu.memref_slice %arg7[%dma_start3A_171, %dma_start3A_172] : memref<10240x128xf32, #tpu.memory_space<vmem_shared>> -> memref<400x128xf32, #tpu.memory_space<vmem_shared>>
        tpu.enqueue_dma source(%dma_start3A_173 : memref<400x128xf32, #tpu.memory_space<vmem_shared>>) target(%dma_start3A_170 : memref<400x128xf32, #tpu.memory_space<hbm>>) target_semaphore(%run_scoped3A : memref<!tpu.dma_semaphore, #tpu.memory_space<semaphore_mem>>)
        %dma_wait3A_174 = arith.constant 9600 : i32
        %dma_wait3A_175 = arith.constant 0 : i32
        %dma_wait3A_176 = tpu.memref_slice %arg6[%arg0, %dma_wait3A_174, %dma_wait3A_175] : memref<2x10000x128xf32, #tpu.memory_space<hbm>> -> memref<1x400x128xf32, #tpu.memory_space<hbm>>
        %dma_wait3A_177 = tpu.memref_squeeze %dma_wait3A_176 : memref<1x400x128xf32, #tpu.memory_space<hbm>> -> memref<400x128xf32, #tpu.memory_space<hbm>>
        %dma_wait3A_178 = arith.constant 9600 : i32
        %dma_wait3A_179 = arith.constant 0 : i32
        %dma_wait3A_180 = tpu.memref_slice %arg7[%dma_wait3A_178, %dma_wait3A_179] : memref<10240x128xf32, #tpu.memory_space<vmem_shared>> -> memref<400x128xf32, #tpu.memory_space<vmem_shared>>
        tpu.wait_dma2 semaphore(%run_scoped3A : memref<!tpu.dma_semaphore, #tpu.memory_space<semaphore_mem>>) src(%dma_wait3A_180 : memref<400x128xf32, #tpu.memory_space<vmem_shared>>) dst(%dma_wait3A_177 : memref<400x128xf32, #tpu.memory_space<hbm>>)
        tpu.yield
      }) : () -> ()
    } else {
    }
    return
  }
}

</mosaic_0001>

<sc_bundles>
// kernel: _cfconv_sc.3.cloned.1.call-start
scs
__scs_entry_jumppad:
0x0: {  	(pc) =	sbr.rel $0x88, $3  }
0x1: {  	(tag) =	ssettag $0x0;
	lr =	simm.s32 $0x1  }
0x2: {  	[smem:$0x3F9D] =	sst lr;
	_ =	strace $0xD0000000  }
0x3: {  	_ = 	snop  }
0x4: {  	_ = 	snop  }
0x5: {  	_ = 	snop  }
0x6: {  	_ = 	snop  }
0x7: {  	_ = 	snop  }
__scs_overlays_trampoline_lowered:
0x8: {  	[smem:$0x3FAC] =	sst s0  }
0x9: {  	[smem:$0x3FAD] =	sst s1  }
0xa: {  	[smem:$0x3FAE] =	sst s2  }
0xb: {  	[smem:$0x3FAF] =	sst s3  }
0xc: {  	[smem:$0x3FB0] =	sst s4  }
0xd: {  	[smem:$0x3FB1] =	sst s5  }
0xe: {  	[smem:$0x3FB2] =	sst s6  }
0xf: {  	[smem:$0x3FB3] =	sst s7  }
0x10: {  	[smem:$0x3FB4] =	sst s8  }
0x11: {  	[smem:$0x3FB5] =	sst s9;
	s0 =	simm.s32 @!p0 $0x0  }
0x12: {  	s1 =	sld [smem:$0x3F9B];
	s0 =	simm.s32 @p0 $0x1  }
0x13: {  	[smem:$0x3FB6] =	sst s0;
	s0 =	simm.s32 @!p1 $0x0  }
0x14: {  	s2 =	sld [smem:$0x3F9A];
	s0 =	simm.s32 @p1 $0x1  }
0x15: {  	[smem:$0x3FB7] =	sst s0;
	s0 =	simm.s32 @!p2 $0x0  }
0x16: {  	s3 =	sld [smem:$0x3FDB];
	s0 =	simm.s32 @p2 $0x1  }
0x17: {  	s4 =	simm.s32 $0x1BF5;
	[smem:$0x3FB9] =	sst s0  }
0x18: {  	s0 =	sld [smem:$0x3F9C];
	_ =	swait.ge [sflag:s4], $0x0  }
0x19: {  	s7 =	sld [smem:$0x3F9D]  }
0x1a: {  	s8 =	sadd.s32 $0xFFFFE003, lr  }
0x1b: {  	s9 =	sadd.s32 $0xFFFFFEF7, lr;
	s5 =	simm.s32 $0xFFFFFFFF;
	p2 =	slt.u32 s8, $0xFFFFF086  }
0x1c: {  	p1 =	slt.u32 s9, $0xF7A;
	s5 =	simm.s32 @!p2 $0x0  }
0x1d: {  	s5 =	simm.s32 @p1 $0x1;
	p0 =	seq.s32 s7, s2  }
0x1e: {  	s7 =	smul.u32 @!p0 $0xF7A, s2;
	p2 =	seq.s32 @!p0 s5, $0x0  }
0x1f: {  	s9 =	smul.u32 $0xF7A, s1;
	s8 =	simm.s32 @!p0 $0x1BF5;
	p2 =	por !p2, p0  }
0x20: {  	[sflag:s8] =	ssyncset.s32 @!p0 $0xFFFFF086;
	s6 =	sadd.s32 @!p0 s3, s7;
	s7 =	simm.s32 @!p0 $0x108  }
0x21: {  	s3 =	sadd.s32 s3, s9;
	s6 =	sadd.s32 @!p0 $0x88, s6;
	s7 =	simm.s32 @p2 $0x1082  }
0x22: {  	[simem:s7], [sflag:s8] =	dma.local @!p0 [hbm:s6], $0xF7A  }
0x23: {  	s9 =	sor.u32 $0xD0000000, s2;
	s6 =	simm.s32 $0x108;
	_ =	swait.ge @!p0 [sflag:s8], $0x0  }
0x24: {  	s3 =	sadd.s32 $0x88, s3;
	s6 =	simm.s32 @!p1 $0x1082;
	[sflag:s4] =	ssyncset.s32 $0xFFFFF086  }
0x25: {  	[simem:s6], [sflag:s4] =	dma.local [hbm:s3], $0xF7A  }
0x26: {  	[smem:$0x3F9D] =	sst s1;
	(tag) =	ssettag s2;
	_ =	strace s9  }
0x27: {  	s1 =	sld [smem:$0x3FAD]  }
0x28: {  	s2 =	sld [smem:$0x3FAE]  }
0x29: {  	s4 =	sld [smem:$0x3FB0]  }
0x2a: {  	p0 =	seq.s32 s5, $0x0;
	s5 =	sld [smem:$0x3FB1]  }
0x2b: {  	s6 =	sld [smem:$0x3FB2]  }
0x2c: {  	s7 =	sld [smem:$0x3FB3]  }
0x2d: {  	s3 =	simm.s32 $0x108;
	s8 =	sld [smem:$0x3FB4]  }
0x2e: {  	s3 =	simm.s32 @!p0 $0x1082;
	s9 =	sld [smem:$0x3FB5]  }
0x2f: {  	lr =	sadd.s32 s0, s3;
	s0 =	sld [smem:$0x3FAC]  }
0x30: {  	s3 =	sld [smem:$0x3FAF]  }
0x31: {  	[smem:$0x3FB8] =	sst s10  }
0x32: {  	s10 =	sld [smem:$0x3FB6];
	_ =	sdelay $0x3  }
0x33: {  	p0 =	seq.s32 s10, $0x1;
	s10 =	sld [smem:$0x3FB8];
	_ =	sdelay $0x3  }
0x34: {  	[smem:$0x3FB8] =	sst s10  }
0x35: {  	s10 =	sld [smem:$0x3FB7];
	_ =	sdelay $0x3  }
0x36: {  	p1 =	seq.s32 s10, $0x1;
	s10 =	sld [smem:$0x3FB8];
	_ =	sdelay $0x3  }
0x37: {  	[smem:$0x3FB8] =	sst s10  }
0x38: {  	s10 =	sld [smem:$0x3FB9]  }
0x39: {  	_ = 	snop;
	(pc) =	sbr.ind lr, $3  }
0x3a: {  	_ = 	snop  }
0x3b: {  	_ = 	snop  }
0x3c: {  	p2 =	seq.s32 s10, $0x1;
	s10 =	sld [smem:$0x3FB8]  }
0x3d: {  	_ =	shalt  }
0x3e: {  	_ =	shalt  }
0x3f: {  	_ =	shalt  }
0x40: {  	_ =	shalt  }
0x41: {  	_ =	shalt  }
0x42: {  	_ =	shalt  }
0x43: {  	_ =	shalt  }
0x44: {  	_ =	shalt  }
0x45: {  	_ =	shalt  }
0x46: {  	_ =	shalt  }
0x47: {  	_ =	shalt  }
0x48: {  	_ =	shalt  }
0x49: {  	_ =	shalt  }
0x4a: {  	_ =	shalt  }
0x4b: {  	_ =	shalt  }
0x4c: {  	_ =	shalt  }
0x4d: {  	_ =	shalt  }
0x4e: {  	_ =	shalt  }
0x4f: {  	_ =	shalt  }
0x50: {  	_ =	shalt  }
0x51: {  	_ =	shalt  }
0x52: {  	_ =	shalt  }
0x53: {  	_ =	shalt  }
0x54: {  	_ =	shalt  }
0x55: {  	_ =	shalt  }
0x56: {  	_ =	shalt  }
0x57: {  	_ =	shalt  }
0x58: {  	_ =	shalt  }
0x59: {  	_ =	shalt  }
0x5a: {  	_ =	shalt  }
0x5b: {  	_ =	shalt  }
0x5c: {  	_ =	shalt  }
0x5d: {  	_ =	shalt  }
0x5e: {  	_ =	shalt  }
0x5f: {  	_ =	shalt  }
0x60: {  	_ =	shalt  }
0x61: {  	_ =	shalt  }
0x62: {  	_ =	shalt  }
0x63: {  	_ =	shalt  }
0x64: {  	_ =	shalt  }
0x65: {  	_ =	shalt  }
0x66: {  	_ =	shalt  }
0x67: {  	_ =	shalt  }
0x68: {  	_ =	shalt  }
0x69: {  	_ =	shalt  }
0x6a: {  	_ =	shalt  }
0x6b: {  	_ =	shalt  }
0x6c: {  	_ =	shalt  }
0x6d: {  	_ =	shalt  }
0x6e: {  	_ =	shalt  }
0x6f: {  	_ =	shalt  }
0x70: {  	_ =	shalt  }
0x71: {  	_ =	shalt  }
0x72: {  	_ =	shalt  }
0x73: {  	_ =	shalt  }
0x74: {  	_ =	shalt  }
0x75: {  	_ =	shalt  }
0x76: {  	_ =	shalt  }
0x77: {  	_ =	shalt  }
0x78: {  	_ =	shalt  }
0x79: {  	_ =	shalt  }
0x7a: {  	_ =	shalt  }
0x7b: {  	_ =	shalt  }
0x7c: {  	_ =	shalt  }
0x7d: {  	_ =	shalt  }
0x7e: {  	_ =	shalt  }
0x7f: {  	_ =	shalt  }
0x80: {  	_ =	shalt  }
0x81: {  	_ =	shalt  }
0x82: {  	_ =	shalt  }
0x83: {  	_ =	shalt  }
0x84: {  	_ =	shalt  }
0x85: {  	_ =	shalt  }
0x86: {  	_ =	shalt  }
0x87: {  	_ =	shalt  }
.Lfunc_end0:
.L_simem_size_0:
called_computation_lowered:
.L_overlay_start_0:
0x88: {  	s2 =	sld [smem:$0x3FD9]  }
0x89: {  	s3 =	sld [smem:$0x3FFE];
	_ =	sdelay $0x1  }
0x8a: {  	s1 =	srdreg.scid  }
0x8b: {  	s0 =	sand.u32 $0x1, s1  }
0x8c: {  	s18 =	sshll.u32 s0, $0xA;
	s2 =	sadd.s32 s3, s2  }
0x8d: {  	s2 =	sadd.s32 s2, s18  }
0x8e: {  	[smem:$0x3FC4] =	sst s2  }
0x8f: {  	_ = 	snop  }
0x90: {  	s2 =	sld [smem:$0x3FC9]  }
0x91: {  	s19 =	sld [smem:$0x3FC8]  }
0x92: {  	s4 =	sld [smem:$0x3FC7]  }
0x93: {  	s5 =	sld [smem:$0x3FC6]  }
0x94: {  	s6 =	sld [smem:$0x3FD0];
	(tm) =	ssettm $0x1  }
0x95: {  	s7 =	sld [smem:$0x3FFB];
	_ =	sdelay $0x3  }
0x96: {  	_ =	strace s7  }
0x97: {  	s7 =	sld [smem:$0x3FFC];
	_ =	sdelay $0x3  }
0x98: {  	_ =	strace s7  }
0x99: {  	s7 =	sld [smem:$0x3FFD];
	_ =	sdelay $0x3  }
0x9a: {  	_ =	strace s7  }
0x9b: {  	_ =	strace $0x8FFFFFFF  }
0x9c: {  	s20 =	sld [smem:$0x3FDB];
	_ =	sdelay $0x1  }
0x9d: {  	s8 =	simm.s32 $_scs_section_size  }
0x9e: {  	s9 =	simm.s32 $_size__tile_overlayer_lowered;
	s10 =	simm.s32 $_tile_overlayer_lowered  }
0x9f: {  	s23 =	simm.s32 $0x1BFF;
	s22 =	sshll.u32 s10, $0x1;
	s7 =	sadd.s32 s8, s20  }
0xa0: {  	s11 =	simm.s32 $0x0;
	s21 =	sshll.u32 s9, $0x1;
	s9 =	sadd.s32 s22, s7  }
0xa1: {  	[timem:s11], [sflag:s23] =	dma.local [hbm:s9], s21  }
0xa2: {  	_ =	swait.ge [sflag:s23], s21  }
0xa3: {  	s8 =	ssub.s32 $0x0, s21;
	[sflag:s23] =	ssyncset.done $0x0  }
0xa4: {  	[sflag:s23] =	ssyncadd.s32 s8;
	_ =	sdelay $0x1  }
0xa5: {  	s24 =	simm.s32 $0x1B8B  }
0xa6: {  	_ =	swait.ge [sflag:s24], $0x1  }
0xa7: {  	[sflag:s24] =	ssyncset.done $0x0  }
0xa8: {  	s25 =	simm.s32 $0x1B8E;
	[sflag:s24] =	ssyncadd.s32 $0xFFFFFFFF  }
0xa9: {  	s26 =	simm.s32 $execute0_lowered;
	[smem:$0x3FD2] =	sst s25  }
0xaa: {  	s8 =	sshll.u32 s26, $0x1;
	_ =	strace $0x80000046;
	[dreg:$0x1] =	wrdreg $0xFFFFFFFF  }
0xab: {  	s28 =	simm.s32 $_size_execute0_lowered;
	s7 =	sadd.s32 s7, s8;
	[dreg:$0x0] =	wrdreg $0x0  }
0xac: {  	s8 =	sshll.u32 s28, $0x1;
	[dreg:$0x2] =	wrdreg s7  }
0xad: {  	[dreg:$0x3] =	wrdreg s8  }
0xae: {  	[dreg:$0x4] =	wrdreg $0xC0  }
0xaf: {  	_ =	task [dreg:s11], $0x5FFFF  }
0xb0: {  	[dreg:$0x1] =	wrdreg $0xFFFFFFFF  }
0xb1: {  	[dreg:$0x0] =	wrdreg $0x60  }
0xb2: {  	[dreg:$0x2] =	wrdreg s2  }
0xb3: {  	[dreg:$0x3] =	wrdreg s19  }
0xb4: {  	[dreg:$0x4] =	wrdreg s4  }
0xb5: {  	[dreg:$0x5] =	wrdreg s5  }
0xb6: {  	[dreg:$0x6] =	wrdreg s6  }
0xb7: {  	[dreg:$0x7] =	wrdreg $0x0  }
0xb8: {  	[dreg:$0x8] =	wrdreg $0x9  }
0xb9: {  	_ =	task.clear_ibuf [dreg:s11], $0x9FFFF;
	_ =	strace $0x90000046  }
0xba: {  	s29 =	simm.s32 $0x9;
	_ =	strace $0x80000048  }
0xbb: {  	_ =	swait.ge [sflag:s29], $0x1  }
0xbc: {  	[sflag:s29] =	ssyncadd.s32 $0xFFFFFFFF  }
0xbd: {  	_ =	strace $0x90000048  }
0xbe: {  	_ =	sfence  }
0xbf: {  	s30 =	sld [smem:$0x0];
	_ =	sdelay $0x2  }
0xc0: {  	s31 =	sshll.u32 s1, $0xD;
	s1 =	sshrl.u32 s1, $0x2  }
0xc1: {  	s3 =	sand.u32 $0x4000, s31;
	s1 =	sadd.s32 s1, s30  }
0xc2: {  	s0 =	sor.u32 s3, s0;
	s1 =	sshll.u32 s1, $0x11  }
0xc3: {  	s0 =	sor.u32 s1, s0  }
0xc4: {  	s0 =	sadd.s32 $0x8F2B, s0  }
0xc5: {  	[sflag:s0] =	ssyncadd.remote.s32 $0x1  }
0xc6: {  	_ =	sfence.sel $0xFFFF  }
0xc7: {  	[dreg:$0x0] =	wrdreg $0xFFFFFFFF;
	(pc) =	sbr.abs _section_cstart, $3  }
0xc8: {  	[dreg:$0x1] =	wrdreg $0xFFFFFFFF  }
0xc9: {  	_ =	task.clear_ibuf [dreg:s11], $0x2FFFF;
	_ =	strace $0x9FFFFFFF  }
0xca: {  	(tm) =	ssettm $0x7FFFFFFF  }
0xcb: {  	_ =	shalt  }
tec
execute0_lowered:
.L_overlay_start_1:
0x0: {  	(tag) =	ssettag $0x1  }
0x1: {  	s0 =	rddreg [dreg:$0x0]  }
0x2: {  	s30 =	rddreg [dreg:$0x1]  }
0x3: {  	s3 =	rddreg [dreg:$0x2]  }
0x4: {  	s12 =	rddreg [dreg:$0x3]  }
0x5: {  	s1 =	srdreg.scid;
	s2 =	rddreg [dreg:$0x4]  }
0x6: {  	s6 =	rddreg [dreg:$0x5];
	s13 =	stileid.u32;
	s7 =	simm.s32 $0x0  }
0x7: {  	s28 =	simm.s32 $0x2;
	s29 =	simm.s32 $0xA;
	s11 =	smul.u32 $0x50000, s13  }
0x8: {  	s1 =	sand.u32 $0x1, s1;
	[smem:$0x7FF] =	sst s7;
	s15 =	smul.u32 $0x14000, s13  }
0x9: {  	p0 =	seq.s32 s13, $0xF;
	s4 =	sshll.u32 s1, $0x4;
	s5 =	ssub.s32 $0x2, s1  }
0xa: {  	_ =	strace $0x80000047;
	s1 =	smul.u32 $0x138800, s1;
	s4 =	sor.u32 s13, s4  }
0xb: {  	s9 =	sshrl.u32 s5, $0x1;
	s24 =	sshrl.u32 s11, $0x2;
	s8 =	smul.u32 $0x2710, s4  }
0xc: {  	s5 =	ssub.s32 s5, s9;
	s4 =	smul.u32 $0x27100, s4;
	s11 =	sadd.s32 s24, s6  }
0xd: {  	s17 =	sadd.s32 s15, s1;
	s1 =	sshrl.u32 s1, $0x3;
	s15 =	simm.s32 $0x3  }
0xe: {  	s26 =	sadd.s32 $0x2800, s11;
	s1 =	sadd.s32 s2, s1;
	[dreg:$0xd] =	wrdreg s11  }
0xf: {  	s24 =	sadd.s32 $0xA000, s11;
	s19 =	sshrl.u32 s8, $0x3;
	[dreg:$0xe] =	wrdreg s26  }
0x10: {  	s20 =	sadd.s32 $0x50, s8;
	s4 =	sadd.s32 s30, s4;
	[dreg:$0x1a] =	wrdreg s24  }
0x11: {  	s31 =	sadd.s32 $0xA0, s8;
	s18 =	sadd.s32 $0xF0, s8;
	[dreg:$0x9] =	wrdreg s4  }
0x12: {  	s1 =	sadd.s32 $0x25800, s1;
	s26 =	sadd.s32 $0xF000, s11;
	[dreg:$0x13] =	wrdreg s18  }
0x13: {  	s24 =	simm.s32 $0x9;
	s10 =	sadd.s32 s12, s19;
	[dreg:$0x16] =	wrdreg s1  }
0x14: {  	s9 =	sadd.s32 s3, s19;
	s21 =	sshrl.u32 s20, $0x3;
	[dreg:$0x1c] =	wrdreg s26  }
0x15: {  	s23 =	sshll.u32 s20, $0x4;
	s14 =	sshrl.u32 s31, $0x3;
	[dreg:$0x7] =	wrdreg s10  }
0x16: {  	s20 =	smov.u32 s3;
	s19 =	sadd.s32 $0x140, s8;
	[dreg:$0x8] =	wrdreg s9  }
0x17: {  	s1 =	sadd.s32 $0x12C000, s6;
	s22 =	sadd.s32 s12, s21;
	[dreg:$0x14] =	wrdreg s19  }
0x18: {  	s18 =	simm.s32 $0x1BA00;
	s4 =	sadd.s32 s3, s21;
	[dreg:$0xa] =	wrdreg s22  }
0x19: {  	s26 =	simm.s32 $0x6;
	s25 =	sadd.s32 s30, s23;
	[dreg:$0xb] =	wrdreg s4  }
0x1a: {  	s10 =	sadd.s32 $0x5000, s11;
	s21 =	smov.u32 s12;
	[dreg:$0xc] =	wrdreg s25  }
0x1b: {  	s12 =	sadd.s32 s12, s14;
	s3 =	sadd.s32 s3, s14;
	[dreg:$0xf] =	wrdreg s10  }
0x1c: {  	s1 =	sshrl.u32 @p0 s1, $0x3;
	s23 =	sadd.s32 $0x7800, s11;
	[dreg:$0x10] =	wrdreg s12  }
0x1d: {  	s9 =	simm.s32 $0x14180;
	s19 =	simm.s32 $0x7;
	[dreg:$0x11] =	wrdreg s3  }
0x1e: {  	s4 =	sshll.u32 s31, $0x4;
	s22 =	smax.u32 s5, $0x1;
	[dreg:$0x18] =	wrdreg s1  }
0x1f: {  	[dreg:$0x19] =	wrdreg s23;
	s25 =	sadd.s32 $0xC800, s11;
	s31 =	sadd.s32 $0x11800, s11  }
0x20: {  	s5 =	simm.s32 $0x14000;
	s10 =	simm.s32 $0x14080;
	s12 =	simm.s32 $0x19200  }
0x21: {  	s23 =	simm.s32 $0x1;
	s3 =	simm.s32 $0x0;
	[dreg:$0x17] =	wrdreg s22  }
0x22: {  	s16 =	sadd.s32 s30, s4;
	s4 =	sshrl.u32 s17, $0x3;
	[dreg:$0x1b] =	wrdreg s25  }
0x23: {  	[dreg:$0x1d] =	wrdreg s31;
	s17 =	simm.s32 $0x4;
	s22 =	simm.s32 $0x5  }
0x24: {  	s25 =	simm.s32 $0x8;
	[dreg:$0x12] =	wrdreg s16;
	s2 =	sadd.s32 s2, s4  }
0x25: {  	v0 =	vimm.f32 $0.0e+00;
	s4 =	simm.s32 $0x14100;
	s16 =	simm.s32 $0x50;
	[dreg:$0x15] =	wrdreg s2  }
.LBB2_1:
0x26: {  	s1 =	rddreg [dreg:$0x7]  }
0x27: {  	[tilespmem:s4], [sflag:$0x3] =	stream.linear.gather [hbm4b:s1+s7], $0x50, $0x38;
	[tilespmem:$0x1E200] =	vst v63  }
0x28: {  	s14 =	rddreg [dreg:$0x8]  }
0x29: {  	[tilespmem:s5], [sflag:$0x1] =	stream.linear.gather [hbm4b:s14+s7], $0x50, $0x38;
	[tilespmem:$0x1E200] =	vst v63  }
0x2a: {  	s31 =	rddreg [dreg:$0x9];
	s2 =	simm.s32 $0x14200  }
0x2b: {  	[tilespmem:s2], [sflag:$0x5] =	stream.linear.gather [hbm4b:s31+s7], $0x2800, $0x38;
	[tilespmem:$0x1E200] =	vst v63  }
0x2c: {  	s8 =	rddreg [dreg:$0xa]  }
0x2d: {  	[tilespmem:s9], [sflag:$0x4] =	stream.linear.gather [hbm4b:s8+s7], $0x50, $0x38;
	[tilespmem:$0x1E200] =	vst v63  }
0x2e: {  	s13 =	rddreg [dreg:$0xb];
	s1 =	simm.s32 $0x0  }
0x2f: {  	[tilespmem:s10], [sflag:$0x2] =	stream.linear.gather [hbm4b:s13+s7], $0x50, $0x38;
	[tilespmem:$0x1E200] =	vst v63  }
0x30: {  	s14 =	rddreg [dreg:$0xc];
	s31 =	simm.s32 $0x16A00;
	s2 =	simm.s32 $0x200  }
0x31: {  	[tilespmem:s31], [sflag:$0x6] =	stream.linear.gather [hbm4b:s14+s7], $0x2800, $0x38;
	[tilespmem:$0x1E200] =	vst v63  }
.LBB2_2:
0x32: {  	p1 =	sne.s32 s2, $0x9E00;
	[tilespmem:s1+$0x19270] =	vst v0  }
0x33: {  	[tilespmem:s1+$0x19200] =	vst v0  }
0x34: {  	[tilespmem:s1+$0x19210] =	vst v0  }
.Ltmp0:
0x35: {  	[tilespmem:s1+$0x19220] =	vst v0;
	(pc) =	sbr.rel @p1 .LBB2_2-.Ltmp0, $4  }
0x36: {  	[tilespmem:s1+$0x19230] =	vst v0  }
0x37: {  	[tilespmem:s1+$0x19240] =	vst v0  }
0x38: {  	[tilespmem:s1+$0x19250] =	vst v0  }
0x39: {  	[tilespmem:s1+$0x19260] =	vst v0;
	s1 =	sshra.s32 s2, $0x2;
	s2 =	sadd.s32 $0x200, s2  }
0x3a: {  	[tilespmem:s1+$0x19270] =	vst v0  }
0x3b: {  	[tilespmem:s1+$0x19200] =	vst v0  }
0x3c: {  	[tilespmem:s1+$0x19210] =	vst v0  }
0x3d: {  	[tilespmem:s1+$0x19220] =	vst v0  }
0x3e: {  	[tilespmem:s1+$0x19230] =	vst v0  }
0x3f: {  	[tilespmem:s1+$0x19240] =	vst v0  }
0x40: {  	[tilespmem:s1+$0x19250] =	vst v0  }
0x41: {  	[dreg:$0x1e] =	wrdreg s3;
	[tilespmem:s1+$0x19260] =	vst v0;
	s2 =	simm.s32 $0xB  }
0x42: {  	[spmem:s11] =	stream.linear.scatter [tilespmem:s12], [sflag:$0xB], $0x2800, $0x38;
	[tilespmem:$0x1E200] =	vst v63  }
0x43: {  	_ =	swait.ge [sflag:s2], $0x2800  }
0x44: {  	[sflag:s2] =	ssyncset.done $0x0  }
0x45: {  	s14 =	rddreg [dreg:$0xe];
	[sflag:s2] =	ssyncadd.s32 $0xFFFFD800  }
0x46: {  	[spmem:s14] =	stream.linear.scatter [tilespmem:s12], [sflag:$0xB], $0x2800, $0x38;
	[tilespmem:$0x1E200] =	vst v63  }
0x47: {  	_ =	swait.ge [sflag:s2], $0x2800  }
0x48: {  	[sflag:s2] =	ssyncset.done $0x0  }
0x49: {  	s31 =	rddreg [dreg:$0xf];
	[sflag:s2] =	ssyncadd.s32 $0xFFFFD800  }
0x4a: {  	[spmem:s31] =	stream.linear.scatter [tilespmem:s12], [sflag:$0xB], $0x2800, $0x38;
	[tilespmem:$0x1E200] =	vst v63  }
0x4b: {  	_ =	swait.ge [sflag:s2], $0x2800  }
0x4c: {  	[sflag:s2] =	ssyncset.done $0x0  }
0x4d: {  	s3 =	rddreg [dreg:$0x19];
	[sflag:s2] =	ssyncadd.s32 $0xFFFFD800  }
0x4e: {  	[spmem:s3] =	stream.linear.scatter [tilespmem:s12], [sflag:$0xB], $0x2800, $0x38;
	[tilespmem:$0x1E200] =	vst v63  }
0x4f: {  	_ =	swait.ge [sflag:s2], $0x2800  }
0x50: {  	[sflag:s2] =	ssyncset.done $0x0  }
0x51: {  	s8 =	rddreg [dreg:$0x1a];
	[sflag:s2] =	ssyncadd.s32 $0xFFFFD800  }
0x52: {  	[spmem:s8] =	stream.linear.scatter [tilespmem:s12], [sflag:$0xB], $0x2800, $0x38;
	[tilespmem:$0x1E200] =	vst v63  }
0x53: {  	_ =	swait.ge [sflag:s2], $0x2800  }
0x54: {  	[sflag:s2] =	ssyncset.done $0x0  }
0x55: {  	s11 =	rddreg [dreg:$0x1b];
	[sflag:s2] =	ssyncadd.s32 $0xFFFFD800  }
0x56: {  	[spmem:s11] =	stream.linear.scatter [tilespmem:s12], [sflag:$0xB], $0x2800, $0x38;
	[tilespmem:$0x1E200] =	vst v63  }
0x57: {  	_ =	swait.ge [sflag:s2], $0x2800  }
0x58: {  	[sflag:s2] =	ssyncset.done $0x0  }
0x59: {  	s13 =	rddreg [dreg:$0x1c];
	[sflag:s2] =	ssyncadd.s32 $0xFFFFD800  }
0x5a: {  	[spmem:s13] =	stream.linear.scatter [tilespmem:s12], [sflag:$0xB], $0x2800, $0x38;
	[tilespmem:$0x1E200] =	vst v63  }
0x5b: {  	_ =	swait.ge [sflag:s2], $0x2800  }
0x5c: {  	[sflag:s2] =	ssyncset.done $0x0  }
0x5d: {  	s14 =	rddreg [dreg:$0x1d];
	[sflag:s2] =	ssyncadd.s32 $0xFFFFD800  }
0x5e: {  	[spmem:s14] =	stream.linear.scatter [tilespmem:s12], [sflag:$0xB], $0x2800, $0x38;
	[tilespmem:$0x1E200] =	vst v63  }
0x5f: {  	_ =	swait.ge [sflag:s2], $0x2800  }
0x60: {  	[sflag:s2] =	ssyncset.done $0x0  }
0x61: {  	[sflag:s2] =	ssyncadd.s32 $0xFFFFD800  }
0x62: {  	_ =	swait.ge [sflag:s15], $0x50  }
0x63: {  	[sflag:s15] =	ssyncset.done $0x0  }
0x64: {  	[sflag:s15] =	ssyncadd.s32 $0xFFFFFFB0  }
0x65: {  	[tilespmem:s12], [sflag:$0x7] =	stream.indirect.gather [hbm4b:s0+s16], $0x80, s4, s16, $0xb8;
	[tilespmem:$0x1E200] =	vst v63  }
0x66: {  	[bflag:$0x0] =	sbarrier.arrive $0xFFFF  }
0x67: {  	_ =	swait.ge [sflag:s17], $0x50  }
0x68: {  	[sflag:s17] =	ssyncset.done $0x0  }
0x69: {  	[sflag:s17] =	ssyncadd.s32 $0xFFFFFFB0  }
0x6a: {  	[tilespmem:s18], [sflag:$0x8] =	stream.indirect.gather [hbm4b:s0+s16], $0x80, s9, s16, $0xb8;
	[tilespmem:$0x1E200] =	vst v63  }
0x6b: {  	_ =	swait.ge [sflag:s19], $0x2800  }
0x6c: {  	[sflag:s19] =	ssyncset.done $0x0  }
0x6d: {  	s31 =	rddreg [dreg:$0x10];
	[sflag:s19] =	ssyncadd.s32 $0xFFFFD800  }
0x6e: {  	[tilespmem:s4], [sflag:$0x3] =	stream.linear.gather [hbm4b:s31+s7], $0x50, $0x38;
	[tilespmem:$0x1E200] =	vst v63  }
0x6f: {  	_ =	swait.ge [sflag:s22], $0x2800  }
0x70: {  	[sflag:s22] =	ssyncset.done $0x0  }
0x71: {  	s13 =	simm.s32 $0x19300;
	[sflag:s22] =	ssyncadd.s32 $0xFFFFD800  }
0x72: {  	s11 =	simm.s32 $0x14300;
	v1 =	vld [tilespmem:s13+$0x80]  }
0x73: {  	v2 =	vld [tilespmem:s11+$0x80]  }
0x74: {  	v3 =	vld [tilespmem:s13+$0xFFFFFF80]  }
0x75: {  	v4 =	vld [tilespmem:s11+$0xFFFFFF80]  }
0x76: {  	v5 =	vld [tilespmem:s13+$0x0]  }
0x77: {  	v6 =	vld [tilespmem:s11+$0x0]  }
0x78: {  	v7 =	vld [tilespmem:s13+$0xFFFFFF00];
	v1 =	vmul.f32 v2, v1  }
0x79: {  	v2 =	vld [tilespmem:s11+$0xFFFFFF00]  }
0x7a: {  	[tilespmem:s13+$0x80] =	vst v1;
	v1 =	vld [tilespmem:s13+$0x90]  }
0x7b: {  	v3 =	vmul.f32 v4, v3;
	v4 =	vld [tilespmem:s11+$0x90]  }
0x7c: {  	v8 =	vld [tilespmem:s13+$0xFFFFFF10]  }
0x7d: {  	[tilespmem:s13+$0xFFFFFF80] =	vst v3;
	v3 =	vmul.f32 v6, v5;
	v5 =	vld [tilespmem:s13+$0xFFFFFF90]  }
0x7e: {  	v6 =	vld [tilespmem:s11+$0xFFFFFF90];
	v2 =	vmul.f32 v2, v7  }
0x7f: {  	[tilespmem:s13+$0x0] =	vst v3;
	v3 =	vld [tilespmem:s13+$0x10]  }
0x80: {  	v7 =	vld [tilespmem:s11+$0x10];
	[tilespmem:s13+$0xFFFFFF00] =	vst v2;
	v1 =	vmul.f32 v4, v1  }
0x81: {  	v2 =	vld [tilespmem:s11+$0xFFFFFF10]  }
0x82: {  	[tilespmem:s13+$0x90] =	vst v1;
	v1 =	vld [tilespmem:s13+$0xA0]  }
0x83: {  	v4 =	vmul.f32 v6, v5;
	v5 =	vld [tilespmem:s11+$0xA0]  }
0x84: {  	v6 =	vld [tilespmem:s13+$0xFFFFFF20]  }
0x85: {  	[tilespmem:s13+$0xFFFFFF90] =	vst v4;
	v3 =	vmul.f32 v7, v3;
	v4 =	vld [tilespmem:s13+$0xFFFFFFA0]  }
0x86: {  	v7 =	vld [tilespmem:s11+$0xFFFFFFA0];
	v2 =	vmul.f32 v2, v8  }
0x87: {  	[tilespmem:s13+$0x10] =	vst v3;
	v3 =	vld [tilespmem:s13+$0x20]  }
0x88: {  	v8 =	vld [tilespmem:s11+$0x20];
	[tilespmem:s13+$0xFFFFFF10] =	vst v2;
	v1 =	vmul.f32 v5, v1  }
0x89: {  	v2 =	vld [tilespmem:s11+$0xFFFFFF20]  }
0x8a: {  	[tilespmem:s13+$0xA0] =	vst v1;
	v1 =	vld [tilespmem:s13+$0xB0]  }
0x8b: {  	v4 =	vmul.f32 v7, v4;
	v5 =	vld [tilespmem:s11+$0xB0]  }
0x8c: {  	v7 =	vld [tilespmem:s13+$0xFFFFFF30]  }
0x8d: {  	[tilespmem:s13+$0xFFFFFFA0] =	vst v4;
	v3 =	vmul.f32 v8, v3;
	v4 =	vld [tilespmem:s13+$0xFFFFFFB0]  }
0x8e: {  	v8 =	vld [tilespmem:s11+$0xFFFFFFB0];
	v2 =	vmul.f32 v2, v6  }
0x8f: {  	[tilespmem:s13+$0x20] =	vst v3;
	v3 =	vld [tilespmem:s13+$0x30]  }
0x90: {  	v6 =	vld [tilespmem:s11+$0x30];
	[tilespmem:s13+$0xFFFFFF20] =	vst v2;
	v1 =	vmul.f32 v5, v1  }
0x91: {  	v2 =	vld [tilespmem:s11+$0xFFFFFF30]  }
0x92: {  	[tilespmem:s13+$0xB0] =	vst v1;
	v1 =	vld [tilespmem:s13+$0xC0]  }
0x93: {  	v4 =	vmul.f32 v8, v4;
	v5 =	vld [tilespmem:s11+$0xC0]  }
0x94: {  	v8 =	vld [tilespmem:s13+$0xFFFFFF40]  }
0x95: {  	[tilespmem:s13+$0xFFFFFFB0] =	vst v4;
	v3 =	vmul.f32 v6, v3;
	v4 =	vld [tilespmem:s13+$0xFFFFFFC0]  }
0x96: {  	v6 =	vld [tilespmem:s11+$0xFFFFFFC0];
	v2 =	vmul.f32 v2, v7  }
0x97: {  	[tilespmem:s13+$0x30] =	vst v3;
	v3 =	vld [tilespmem:s13+$0x40]  }
0x98: {  	v7 =	vld [tilespmem:s11+$0x40];
	[tilespmem:s13+$0xFFFFFF30] =	vst v2;
	v1 =	vmul.f32 v5, v1  }
0x99: {  	v2 =	vld [tilespmem:s11+$0xFFFFFF40]  }
0x9a: {  	[tilespmem:s13+$0xC0] =	vst v1;
	v1 =	vld [tilespmem:s13+$0xD0]  }
0x9b: {  	v4 =	vmul.f32 v6, v4;
	v5 =	vld [tilespmem:s11+$0xD0]  }
0x9c: {  	v6 =	vld [tilespmem:s13+$0xFFFFFF50]  }
0x9d: {  	[tilespmem:s13+$0xFFFFFFC0] =	vst v4;
	v3 =	vmul.f32 v7, v3;
	v4 =	vld [tilespmem:s13+$0xFFFFFFD0]  }
0x9e: {  	v7 =	vld [tilespmem:s11+$0xFFFFFFD0];
	v2 =	vmul.f32 v2, v8  }
0x9f: {  	[tilespmem:s13+$0x40] =	vst v3;
	v3 =	vld [tilespmem:s13+$0x50]  }
0xa0: {  	v8 =	vld [tilespmem:s11+$0x50];
	[tilespmem:s13+$0xFFFFFF40] =	vst v2;
	v1 =	vmul.f32 v5, v1  }
0xa1: {  	v2 =	vld [tilespmem:s11+$0xFFFFFF50]  }
0xa2: {  	[tilespmem:s13+$0xD0] =	vst v1;
	v1 =	vld [tilespmem:s13+$0xE0]  }
0xa3: {  	v4 =	vmul.f32 v7, v4;
	v5 =	vld [tilespmem:s11+$0xE0]  }
0xa4: {  	v7 =	vld [tilespmem:s13+$0xFFFFFF60]  }
0xa5: {  	[tilespmem:s13+$0xFFFFFFD0] =	vst v4;
	v3 =	vmul.f32 v8, v3;
	v4 =	vld [tilespmem:s13+$0xFFFFFFE0]  }
0xa6: {  	v8 =	vld [tilespmem:s11+$0xFFFFFFE0];
	v2 =	vmul.f32 v2, v6  }
0xa7: {  	[tilespmem:s13+$0x50] =	vst v3;
	v3 =	vld [tilespmem:s13+$0x60]  }
0xa8: {  	v6 =	vld [tilespmem:s11+$0x60];
	[tilespmem:s13+$0xFFFFFF50] =	vst v2;
	v1 =	vmul.f32 v5, v1  }
0xa9: {  	v5 =	vld [tilespmem:s11+$0xFFFFFF60]  }
0xaa: {  	v9 =	vld [tilespmem:s13+$0xF0];
	[tilespmem:s13+$0xE0] =	vst v1  }
0xab: {  	v2 =	vmul.f32 v8, v4;
	v8 =	vld [tilespmem:s11+$0xF0]  }
0xac: {  	v1 =	vld [tilespmem:s13+$0xFFFFFF70]  }
0xad: {  	[tilespmem:s13+$0xFFFFFFE0] =	vst v2;
	v3 =	vmul.f32 v6, v3;
	v2 =	vld [tilespmem:s13+$0xFFFFFFF0]  }
0xae: {  	v4 =	vld [tilespmem:s11+$0xFFFFFFF0];
	v5 =	vmul.f32 v5, v7  }
0xaf: {  	[tilespmem:s13+$0x60] =	vst v3;
	v3 =	vld [tilespmem:s13+$0x70]  }
0xb0: {  	[tilespmem:s13+$0xFFFFFF60] =	vst v5;
	v5 =	vld [tilespmem:s11+$0x70];
	v7 =	vmul.f32 v8, v9  }
0xb1: {  	s1 =	simm.s32 $0x19500;
	s8 =	simm.s32 $0x0;
	v6 =	vld [tilespmem:s11+$0xFFFFFF70]  }
.LBB2_4:
0xb2: {  	v8 =	vld [tilespmem:s1+$0x80];
	[tilespmem:s13+$0xF0] =	vst v7;
	s11 =	sadd.s32 $0x200, s11  }
0xb3: {  	s8 =	sadd.s32 $0x4, s8;
	v7 =	vld [tilespmem:s11+$0x80];
	v2 =	vmul.f32 v4, v2  }
0xb4: {  	p1 =	slt.u32 s8, $0x4C;
	v4 =	vld [tilespmem:s11+$0xFFFFFF00]  }
0xb5: {  	v9 =	vld [tilespmem:s1+$0xFFFFFF80];
	[tilespmem:s13+$0xFFFFFFF0] =	vst v2;
	v2 =	vmul.f32 v5, v3  }
0xb6: {  	v3 =	vld [tilespmem:s11+$0xFFFFFF80];
	v1 =	vmul.f32 v6, v1  }
0xb7: {  	v5 =	vld [tilespmem:s1+$0x0];
	[tilespmem:s13+$0x70] =	vst v2  }
0xb8: {  	v2 =	vld [tilespmem:s11+$0x0];
	v6 =	vmul.f32 v7, v8;
	[tilespmem:s13+$0xFFFFFF70] =	vst v1;
	s13 =	smov.u32 s1  }
0xb9: {  	v1 =	vld [tilespmem:s1+$0xFFFFFF00]  }
0xba: {  	[tilespmem:s1+$0x80] =	vst v6;
	v6 =	vld [tilespmem:s1+$0x90]  }
0xbb: {  	v3 =	vmul.f32 v3, v9;
	v7 =	vld [tilespmem:s11+$0x90]  }
0xbc: {  	v8 =	vld [tilespmem:s1+$0xFFFFFF10]  }
0xbd: {  	[tilespmem:s1+$0xFFFFFF80] =	vst v3;
	v3 =	vld [tilespmem:s1+$0xFFFFFF90];
	v2 =	vmul.f32 v2, v5  }
0xbe: {  	v1 =	vmul.f32 v4, v1;
	v4 =	vld [tilespmem:s11+$0xFFFFFF90]  }
0xbf: {  	[tilespmem:s1+$0x0] =	vst v2;
	v2 =	vld [tilespmem:s1+$0x10]  }
0xc0: {  	[tilespmem:s1+$0xFFFFFF00] =	vst v1;
	v1 =	vld [tilespmem:s11+$0x10];
	v5 =	vmul.f32 v7, v6  }
0xc1: {  	v6 =	vld [tilespmem:s11+$0xFFFFFF10]  }
0xc2: {  	[tilespmem:s1+$0x90] =	vst v5;
	v5 =	vld [tilespmem:s1+$0xA0]  }
0xc3: {  	v3 =	vmul.f32 v4, v3;
	v4 =	vld [tilespmem:s11+$0xA0]  }
0xc4: {  	v7 =	vld [tilespmem:s1+$0xFFFFFF20]  }
0xc5: {  	[tilespmem:s1+$0xFFFFFF90] =	vst v3;
	v3 =	vld [tilespmem:s1+$0xFFFFFFA0];
	v1 =	vmul.f32 v1, v2  }
0xc6: {  	v2 =	vmul.f32 v6, v8;
	v6 =	vld [tilespmem:s11+$0xFFFFFFA0]  }
0xc7: {  	[tilespmem:s1+$0x10] =	vst v1;
	v1 =	vld [tilespmem:s1+$0x20]  }
0xc8: {  	[tilespmem:s1+$0xFFFFFF10] =	vst v2;
	v2 =	vld [tilespmem:s11+$0x20];
	v4 =	vmul.f32 v4, v5  }
0xc9: {  	v5 =	vld [tilespmem:s11+$0xFFFFFF20]  }
0xca: {  	[tilespmem:s1+$0xA0] =	vst v4;
	v4 =	vld [tilespmem:s1+$0xB0]  }
0xcb: {  	v3 =	vmul.f32 v6, v3;
	v6 =	vld [tilespmem:s11+$0xB0]  }
0xcc: {  	v8 =	vld [tilespmem:s1+$0xFFFFFF30]  }
0xcd: {  	[tilespmem:s1+$0xFFFFFFA0] =	vst v3;
	v3 =	vld [tilespmem:s1+$0xFFFFFFB0];
	v1 =	vmul.f32 v2, v1  }
0xce: {  	v2 =	vmul.f32 v5, v7;
	v5 =	vld [tilespmem:s11+$0xFFFFFFB0]  }
0xcf: {  	[tilespmem:s1+$0x20] =	vst v1;
	v1 =	vld [tilespmem:s1+$0x30]  }
0xd0: {  	[tilespmem:s1+$0xFFFFFF20] =	vst v2;
	v2 =	vld [tilespmem:s11+$0x30];
	v4 =	vmul.f32 v6, v4  }
0xd1: {  	v6 =	vld [tilespmem:s11+$0xFFFFFF30]  }
0xd2: {  	[tilespmem:s1+$0xB0] =	vst v4;
	v4 =	vld [tilespmem:s1+$0xC0]  }
0xd3: {  	v3 =	vmul.f32 v5, v3;
	v5 =	vld [tilespmem:s11+$0xC0]  }
0xd4: {  	v7 =	vld [tilespmem:s1+$0xFFFFFF40]  }
0xd5: {  	[tilespmem:s1+$0xFFFFFFB0] =	vst v3;
	v3 =	vld [tilespmem:s1+$0xFFFFFFC0];
	v1 =	vmul.f32 v2, v1  }
0xd6: {  	v2 =	vmul.f32 v6, v8;
	v6 =	vld [tilespmem:s11+$0xFFFFFFC0]  }
0xd7: {  	[tilespmem:s1+$0x30] =	vst v1;
	v1 =	vld [tilespmem:s1+$0x40]  }
0xd8: {  	[tilespmem:s1+$0xFFFFFF30] =	vst v2;
	v2 =	vld [tilespmem:s11+$0x40];
	v4 =	vmul.f32 v5, v4  }
0xd9: {  	v5 =	vld [tilespmem:s11+$0xFFFFFF40]  }
0xda: {  	[tilespmem:s1+$0xC0] =	vst v4;
	v4 =	vld [tilespmem:s1+$0xD0]  }
0xdb: {  	v3 =	vmul.f32 v6, v3;
	v6 =	vld [tilespmem:s11+$0xD0]  }
0xdc: {  	v8 =	vld [tilespmem:s1+$0xFFFFFF50]  }
0xdd: {  	[tilespmem:s1+$0xFFFFFFC0] =	vst v3;
	v3 =	vld [tilespmem:s1+$0xFFFFFFD0];
	v1 =	vmul.f32 v2, v1  }
0xde: {  	v2 =	vmul.f32 v5, v7;
	v5 =	vld [tilespmem:s11+$0xFFFFFFD0]  }
0xdf: {  	[tilespmem:s1+$0x40] =	vst v1;
	v1 =	vld [tilespmem:s1+$0x50]  }
0xe0: {  	[tilespmem:s1+$0xFFFFFF40] =	vst v2;
	v2 =	vld [tilespmem:s11+$0x50];
	v4 =	vmul.f32 v6, v4  }
0xe1: {  	v6 =	vld [tilespmem:s11+$0xFFFFFF50]  }
0xe2: {  	[tilespmem:s1+$0xD0] =	vst v4;
	v4 =	vld [tilespmem:s1+$0xE0]  }
0xe3: {  	v3 =	vmul.f32 v5, v3;
	v5 =	vld [tilespmem:s11+$0xE0]  }
0xe4: {  	v7 =	vld [tilespmem:s1+$0xFFFFFF60]  }
0xe5: {  	[tilespmem:s1+$0xFFFFFFD0] =	vst v3;
	v3 =	vld [tilespmem:s1+$0xFFFFFFE0];
	v1 =	vmul.f32 v2, v1  }
0xe6: {  	v2 =	vmul.f32 v6, v8;
	v6 =	vld [tilespmem:s11+$0xFFFFFFE0]  }
0xe7: {  	[tilespmem:s1+$0x50] =	vst v1;
	v8 =	vld [tilespmem:s1+$0x60]  }
0xe8: {  	[tilespmem:s1+$0xFFFFFF50] =	vst v2;
	v9 =	vld [tilespmem:s11+$0x60];
	v1 =	vmul.f32 v5, v4  }
0xe9: {  	v4 =	vld [tilespmem:s11+$0xFFFFFF60]  }
0xea: {  	[tilespmem:s1+$0xE0] =	vst v1;
	v10 =	vld [tilespmem:s1+$0xF0]  }
0xeb: {  	v2 =	vmul.f32 v6, v3;
	v6 =	vld [tilespmem:s11+$0xF0]  }
0xec: {  	v1 =	vld [tilespmem:s1+$0xFFFFFF70]  }
.Ltmp1:
0xed: {  	[tilespmem:s1+$0xFFFFFFE0] =	vst v2;
	v2 =	vld [tilespmem:s1+$0xFFFFFFF0];
	v3 =	vmul.f32 v9, v8;
	(pc) =	sbr.rel @p1 .LBB2_4-.Ltmp1, $4  }
0xee: {  	v5 =	vmul.f32 v4, v7;
	v4 =	vld [tilespmem:s11+$0xFFFFFFF0]  }
0xef: {  	[tilespmem:s1+$0x60] =	vst v3;
	v3 =	vld [tilespmem:s1+$0x70]  }
0xf0: {  	[tilespmem:s1+$0xFFFFFF60] =	vst v5;
	v5 =	vld [tilespmem:s11+$0x70];
	v7 =	vmul.f32 v6, v10  }
0xf1: {  	s1 =	sadd.s32 $0x200, s1;
	v6 =	vld [tilespmem:s11+$0xFFFFFF70]  }
0xf2: {  	_ =	sdelay $0x1  }
0xf3: {  	v2 =	vmul.f32 v4, v2  }
0xf4: {  	[tilespmem:s13+$0xF0] =	vst v7;
	v3 =	vmul.f32 v5, v3  }
0xf5: {  	[tilespmem:s13+$0xFFFFFFF0] =	vst v2;
	v1 =	vmul.f32 v6, v1  }
0xf6: {  	[tilespmem:s13+$0x70] =	vst v3  }
0xf7: {  	[tilespmem:s13+$0xFFFFFF70] =	vst v1  }
0xf8: {  	_ =	swait.ge [sflag:s23], $0x50  }
0xf9: {  	[sflag:s23] =	ssyncset.done $0x0  }
0xfa: {  	[sflag:s23] =	ssyncadd.s32 $0xFFFFFFB0  }
0xfb: {  	[spmem:s6] =	stream.indirect.scatter.add.f32 [tilespmem:s12], [sflag:$0x9], $0x80, s5, s16, $0xb8;
	[tilespmem:$0x1E200] =	vst v63  }
0xfc: {  	s31 =	simm.s32 $0x0;
	s1 =	rddreg [dreg:$0x11]  }
0xfd: {  	[tilespmem:s5], [sflag:$0x1] =	stream.linear.gather [hbm4b:s1+s31], $0x50, $0x38;
	[tilespmem:$0x1E200] =	vst v63  }
0xfe: {  	s2 =	simm.s32 $0x14200;
	s14 =	rddreg [dreg:$0x12]  }
0xff: {  	[tilespmem:s2], [sflag:$0x5] =	stream.linear.gather [hbm4b:s14+s31], $0x2800, $0x38;
	[tilespmem:$0x1E200] =	vst v63  }
.LBB2_6:
0x100: {  	_ =	swait.ge [sflag:s15], $0x50  }
0x101: {  	[sflag:s15] =	ssyncset.done $0x0  }
0x102: {  	[sflag:s15] =	ssyncadd.s32 $0xFFFFFFB0  }
0x103: {  	_ =	swait.ge [sflag:s24], $0x2800  }
0x104: {  	[sflag:s24] =	ssyncset.done $0x0  }
0x105: {  	[sflag:s24] =	ssyncadd.s32 $0xFFFFD800  }
0x106: {  	[tilespmem:s12], [sflag:$0x7] =	stream.indirect.gather [hbm4b:s0+s16], $0x80, s4, s16, $0xb8;
	[tilespmem:$0x1E200] =	vst v63  }
0x107: {  	s14 =	smul.u32 $0xA0, s31;
	_ =	swait.ge [sflag:s25], $0x2800  }
0x108: {  	s1 =	rddreg [dreg:$0x13]  }
0x109: {  	s3 =	smov.u32 s30;
	s30 =	sadd.s32 s14, s1  }
0x10a: {  	[sflag:s25] =	ssyncset.done $0x0;
	s13 =	sshrl.u32 s30, $0x3  }
0x10b: {  	[sflag:s25] =	ssyncadd.s32 $0xFFFFD800;
	s11 =	sadd.s32 s21, s13  }
0x10c: {  	[tilespmem:s9], [sflag:$0x4] =	stream.linear.gather [hbm4b:s11+s7], $0x50, $0x38;
	[tilespmem:$0x1E200] =	vst v63  }
0x10d: {  	_ =	swait.ge [sflag:s26], $0x2800  }
0x10e: {  	[sflag:s26] =	ssyncset.done $0x0  }
0x10f: {  	s11 =	simm.s32 $0x1BB00;
	[sflag:s26] =	ssyncadd.s32 $0xFFFFD800  }
0x110: {  	s8 =	simm.s32 $0x16B00;
	v1 =	vld [tilespmem:s11+$0x80]  }
0x111: {  	v2 =	vld [tilespmem:s8+$0x80]  }
0x112: {  	v3 =	vld [tilespmem:s11+$0xFFFFFF80]  }
0x113: {  	v4 =	vld [tilespmem:s8+$0xFFFFFF80]  }
0x114: {  	v5 =	vld [tilespmem:s11+$0x0]  }
0x115: {  	v6 =	vld [tilespmem:s8+$0x0]  }
0x116: {  	v7 =	vld [tilespmem:s11+$0xFFFFFF00];
	v1 =	vmul.f32 v2, v1  }
0x117: {  	v2 =	vld [tilespmem:s8+$0xFFFFFF00]  }
0x118: {  	[tilespmem:s11+$0x80] =	vst v1;
	v1 =	vld [tilespmem:s11+$0x90]  }
0x119: {  	v3 =	vmul.f32 v4, v3;
	v4 =	vld [tilespmem:s8+$0x90]  }
0x11a: {  	v8 =	vld [tilespmem:s11+$0xFFFFFF10]  }
0x11b: {  	[tilespmem:s11+$0xFFFFFF80] =	vst v3;
	v3 =	vmul.f32 v6, v5;
	v5 =	vld [tilespmem:s11+$0xFFFFFF90]  }
0x11c: {  	v6 =	vld [tilespmem:s8+$0xFFFFFF90];
	v2 =	vmul.f32 v2, v7  }
0x11d: {  	[tilespmem:s11+$0x0] =	vst v3;
	v3 =	vld [tilespmem:s11+$0x10]  }
0x11e: {  	v7 =	vld [tilespmem:s8+$0x10];
	[tilespmem:s11+$0xFFFFFF00] =	vst v2;
	v1 =	vmul.f32 v4, v1  }
0x11f: {  	v2 =	vld [tilespmem:s8+$0xFFFFFF10]  }
0x120: {  	[tilespmem:s11+$0x90] =	vst v1;
	v1 =	vld [tilespmem:s11+$0xA0]  }
0x121: {  	v4 =	vmul.f32 v6, v5;
	v5 =	vld [tilespmem:s8+$0xA0]  }
0x122: {  	v6 =	vld [tilespmem:s11+$0xFFFFFF20]  }
0x123: {  	[tilespmem:s11+$0xFFFFFF90] =	vst v4;
	v3 =	vmul.f32 v7, v3;
	v4 =	vld [tilespmem:s11+$0xFFFFFFA0]  }
0x124: {  	v7 =	vld [tilespmem:s8+$0xFFFFFFA0];
	v2 =	vmul.f32 v2, v8  }
0x125: {  	[tilespmem:s11+$0x10] =	vst v3;
	v3 =	vld [tilespmem:s11+$0x20]  }
0x126: {  	v8 =	vld [tilespmem:s8+$0x20];
	[tilespmem:s11+$0xFFFFFF10] =	vst v2;
	v1 =	vmul.f32 v5, v1  }
0x127: {  	v2 =	vld [tilespmem:s8+$0xFFFFFF20]  }
0x128: {  	[tilespmem:s11+$0xA0] =	vst v1;
	v1 =	vld [tilespmem:s11+$0xB0]  }
0x129: {  	v4 =	vmul.f32 v7, v4;
	v5 =	vld [tilespmem:s8+$0xB0]  }
0x12a: {  	v7 =	vld [tilespmem:s11+$0xFFFFFF30]  }
0x12b: {  	[tilespmem:s11+$0xFFFFFFA0] =	vst v4;
	v3 =	vmul.f32 v8, v3;
	v4 =	vld [tilespmem:s11+$0xFFFFFFB0]  }
0x12c: {  	v8 =	vld [tilespmem:s8+$0xFFFFFFB0];
	v2 =	vmul.f32 v2, v6  }
0x12d: {  	[tilespmem:s11+$0x20] =	vst v3;
	v3 =	vld [tilespmem:s11+$0x30]  }
0x12e: {  	v6 =	vld [tilespmem:s8+$0x30];
	[tilespmem:s11+$0xFFFFFF20] =	vst v2;
	v1 =	vmul.f32 v5, v1  }
0x12f: {  	v2 =	vld [tilespmem:s8+$0xFFFFFF30]  }
0x130: {  	[tilespmem:s11+$0xB0] =	vst v1;
	v1 =	vld [tilespmem:s11+$0xC0]  }
0x131: {  	v4 =	vmul.f32 v8, v4;
	v5 =	vld [tilespmem:s8+$0xC0]  }
0x132: {  	v8 =	vld [tilespmem:s11+$0xFFFFFF40]  }
0x133: {  	[tilespmem:s11+$0xFFFFFFB0] =	vst v4;
	v3 =	vmul.f32 v6, v3;
	v4 =	vld [tilespmem:s11+$0xFFFFFFC0]  }
0x134: {  	v6 =	vld [tilespmem:s8+$0xFFFFFFC0];
	v2 =	vmul.f32 v2, v7  }
0x135: {  	[tilespmem:s11+$0x30] =	vst v3;
	v3 =	vld [tilespmem:s11+$0x40]  }
0x136: {  	v7 =	vld [tilespmem:s8+$0x40];
	[tilespmem:s11+$0xFFFFFF30] =	vst v2;
	v1 =	vmul.f32 v5, v1  }
0x137: {  	v2 =	vld [tilespmem:s8+$0xFFFFFF40]  }
0x138: {  	[tilespmem:s11+$0xC0] =	vst v1;
	v1 =	vld [tilespmem:s11+$0xD0]  }
0x139: {  	v4 =	vmul.f32 v6, v4;
	v5 =	vld [tilespmem:s8+$0xD0]  }
0x13a: {  	v6 =	vld [tilespmem:s11+$0xFFFFFF50]  }
0x13b: {  	[tilespmem:s11+$0xFFFFFFC0] =	vst v4;
	v3 =	vmul.f32 v7, v3;
	v4 =	vld [tilespmem:s11+$0xFFFFFFD0]  }
0x13c: {  	v7 =	vld [tilespmem:s8+$0xFFFFFFD0];
	v2 =	vmul.f32 v2, v8  }
0x13d: {  	[tilespmem:s11+$0x40] =	vst v3;
	v3 =	vld [tilespmem:s11+$0x50]  }
0x13e: {  	v8 =	vld [tilespmem:s8+$0x50];
	[tilespmem:s11+$0xFFFFFF40] =	vst v2;
	v1 =	vmul.f32 v5, v1  }
0x13f: {  	v2 =	vld [tilespmem:s8+$0xFFFFFF50]  }
0x140: {  	[tilespmem:s11+$0xD0] =	vst v1;
	v1 =	vld [tilespmem:s11+$0xE0]  }
0x141: {  	v4 =	vmul.f32 v7, v4;
	v5 =	vld [tilespmem:s8+$0xE0]  }
0x142: {  	v7 =	vld [tilespmem:s11+$0xFFFFFF60]  }
0x143: {  	[tilespmem:s11+$0xFFFFFFD0] =	vst v4;
	v3 =	vmul.f32 v8, v3;
	v4 =	vld [tilespmem:s11+$0xFFFFFFE0]  }
0x144: {  	v8 =	vld [tilespmem:s8+$0xFFFFFFE0];
	v2 =	vmul.f32 v2, v6  }
0x145: {  	[tilespmem:s11+$0x50] =	vst v3;
	v3 =	vld [tilespmem:s11+$0x60]  }
0x146: {  	v6 =	vld [tilespmem:s8+$0x60];
	[tilespmem:s11+$0xFFFFFF50] =	vst v2;
	v1 =	vmul.f32 v5, v1  }
0x147: {  	v5 =	vld [tilespmem:s8+$0xFFFFFF60]  }
0x148: {  	v9 =	vld [tilespmem:s11+$0xF0];
	[tilespmem:s11+$0xE0] =	vst v1  }
0x149: {  	v2 =	vmul.f32 v8, v4;
	v8 =	vld [tilespmem:s8+$0xF0]  }
0x14a: {  	v1 =	vld [tilespmem:s11+$0xFFFFFF70]  }
0x14b: {  	[tilespmem:s11+$0xFFFFFFE0] =	vst v2;
	v3 =	vmul.f32 v6, v3;
	v2 =	vld [tilespmem:s11+$0xFFFFFFF0]  }
0x14c: {  	v4 =	vld [tilespmem:s8+$0xFFFFFFF0];
	v5 =	vmul.f32 v5, v7  }
0x14d: {  	[tilespmem:s11+$0x60] =	vst v3;
	v3 =	vld [tilespmem:s11+$0x70]  }
0x14e: {  	[tilespmem:s11+$0xFFFFFF60] =	vst v5;
	v5 =	vld [tilespmem:s8+$0x70];
	v7 =	vmul.f32 v8, v9  }
0x14f: {  	s2 =	simm.s32 $0x1BD00;
	s1 =	simm.s32 $0x0;
	v6 =	vld [tilespmem:s8+$0xFFFFFF70]  }
.LBB2_7:
0x150: {  	v8 =	vld [tilespmem:s2+$0x80];
	[tilespmem:s11+$0xF0] =	vst v7;
	s8 =	sadd.s32 $0x200, s8  }
0x151: {  	s1 =	sadd.s32 $0x4, s1;
	v7 =	vld [tilespmem:s8+$0x80];
	v2 =	vmul.f32 v4, v2  }
0x152: {  	p1 =	slt.u32 s1, $0x4C;
	v4 =	vld [tilespmem:s8+$0xFFFFFF00]  }
0x153: {  	v9 =	vld [tilespmem:s2+$0xFFFFFF80];
	[tilespmem:s11+$0xFFFFFFF0] =	vst v2;
	v2 =	vmul.f32 v5, v3  }
0x154: {  	v3 =	vld [tilespmem:s8+$0xFFFFFF80];
	v1 =	vmul.f32 v6, v1  }
0x155: {  	v5 =	vld [tilespmem:s2+$0x0];
	[tilespmem:s11+$0x70] =	vst v2  }
0x156: {  	v2 =	vld [tilespmem:s8+$0x0];
	v6 =	vmul.f32 v7, v8;
	[tilespmem:s11+$0xFFFFFF70] =	vst v1;
	s11 =	smov.u32 s2  }
0x157: {  	v1 =	vld [tilespmem:s2+$0xFFFFFF00]  }
0x158: {  	[tilespmem:s2+$0x80] =	vst v6;
	v6 =	vld [tilespmem:s2+$0x90]  }
0x159: {  	v3 =	vmul.f32 v3, v9;
	v7 =	vld [tilespmem:s8+$0x90]  }
0x15a: {  	v8 =	vld [tilespmem:s2+$0xFFFFFF10]  }
0x15b: {  	[tilespmem:s2+$0xFFFFFF80] =	vst v3;
	v3 =	vld [tilespmem:s2+$0xFFFFFF90];
	v2 =	vmul.f32 v2, v5  }
0x15c: {  	v1 =	vmul.f32 v4, v1;
	v4 =	vld [tilespmem:s8+$0xFFFFFF90]  }
0x15d: {  	[tilespmem:s2+$0x0] =	vst v2;
	v2 =	vld [tilespmem:s2+$0x10]  }
0x15e: {  	[tilespmem:s2+$0xFFFFFF00] =	vst v1;
	v1 =	vld [tilespmem:s8+$0x10];
	v5 =	vmul.f32 v7, v6  }
0x15f: {  	v6 =	vld [tilespmem:s8+$0xFFFFFF10]  }
0x160: {  	[tilespmem:s2+$0x90] =	vst v5;
	v5 =	vld [tilespmem:s2+$0xA0]  }
0x161: {  	v3 =	vmul.f32 v4, v3;
	v4 =	vld [tilespmem:s8+$0xA0]  }
0x162: {  	v7 =	vld [tilespmem:s2+$0xFFFFFF20]  }
0x163: {  	[tilespmem:s2+$0xFFFFFF90] =	vst v3;
	v3 =	vld [tilespmem:s2+$0xFFFFFFA0];
	v1 =	vmul.f32 v1, v2  }
0x164: {  	v2 =	vmul.f32 v6, v8;
	v6 =	vld [tilespmem:s8+$0xFFFFFFA0]  }
0x165: {  	[tilespmem:s2+$0x10] =	vst v1;
	v1 =	vld [tilespmem:s2+$0x20]  }
0x166: {  	[tilespmem:s2+$0xFFFFFF10] =	vst v2;
	v2 =	vld [tilespmem:s8+$0x20];
	v4 =	vmul.f32 v4, v5  }
0x167: {  	v5 =	vld [tilespmem:s8+$0xFFFFFF20]  }
0x168: {  	[tilespmem:s2+$0xA0] =	vst v4;
	v4 =	vld [tilespmem:s2+$0xB0]  }
0x169: {  	v3 =	vmul.f32 v6, v3;
	v6 =	vld [tilespmem:s8+$0xB0]  }
0x16a: {  	v8 =	vld [tilespmem:s2+$0xFFFFFF30]  }
0x16b: {  	[tilespmem:s2+$0xFFFFFFA0] =	vst v3;
	v3 =	vld [tilespmem:s2+$0xFFFFFFB0];
	v1 =	vmul.f32 v2, v1  }
0x16c: {  	v2 =	vmul.f32 v5, v7;
	v5 =	vld [tilespmem:s8+$0xFFFFFFB0]  }
0x16d: {  	[tilespmem:s2+$0x20] =	vst v1;
	v1 =	vld [tilespmem:s2+$0x30]  }
0x16e: {  	[tilespmem:s2+$0xFFFFFF20] =	vst v2;
	v2 =	vld [tilespmem:s8+$0x30];
	v4 =	vmul.f32 v6, v4  }
0x16f: {  	v6 =	vld [tilespmem:s8+$0xFFFFFF30]  }
0x170: {  	[tilespmem:s2+$0xB0] =	vst v4;
	v4 =	vld [tilespmem:s2+$0xC0]  }
0x171: {  	v3 =	vmul.f32 v5, v3;
	v5 =	vld [tilespmem:s8+$0xC0]  }
0x172: {  	v7 =	vld [tilespmem:s2+$0xFFFFFF40]  }
0x173: {  	[tilespmem:s2+$0xFFFFFFB0] =	vst v3;
	v3 =	vld [tilespmem:s2+$0xFFFFFFC0];
	v1 =	vmul.f32 v2, v1  }
0x174: {  	v2 =	vmul.f32 v6, v8;
	v6 =	vld [tilespmem:s8+$0xFFFFFFC0]  }
0x175: {  	[tilespmem:s2+$0x30] =	vst v1;
	v1 =	vld [tilespmem:s2+$0x40]  }
0x176: {  	[tilespmem:s2+$0xFFFFFF30] =	vst v2;
	v2 =	vld [tilespmem:s8+$0x40];
	v4 =	vmul.f32 v5, v4  }
0x177: {  	v5 =	vld [tilespmem:s8+$0xFFFFFF40]  }
0x178: {  	[tilespmem:s2+$0xC0] =	vst v4;
	v4 =	vld [tilespmem:s2+$0xD0]  }
0x179: {  	v3 =	vmul.f32 v6, v3;
	v6 =	vld [tilespmem:s8+$0xD0]  }
0x17a: {  	v8 =	vld [tilespmem:s2+$0xFFFFFF50]  }
0x17b: {  	[tilespmem:s2+$0xFFFFFFC0] =	vst v3;
	v3 =	vld [tilespmem:s2+$0xFFFFFFD0];
	v1 =	vmul.f32 v2, v1  }
0x17c: {  	v2 =	vmul.f32 v5, v7;
	v5 =	vld [tilespmem:s8+$0xFFFFFFD0]  }
0x17d: {  	[tilespmem:s2+$0x40] =	vst v1;
	v1 =	vld [tilespmem:s2+$0x50]  }
0x17e: {  	[tilespmem:s2+$0xFFFFFF40] =	vst v2;
	v2 =	vld [tilespmem:s8+$0x50];
	v4 =	vmul.f32 v6, v4  }
0x17f: {  	v6 =	vld [tilespmem:s8+$0xFFFFFF50]  }
0x180: {  	[tilespmem:s2+$0xD0] =	vst v4;
	v4 =	vld [tilespmem:s2+$0xE0]  }
0x181: {  	v3 =	vmul.f32 v5, v3;
	v5 =	vld [tilespmem:s8+$0xE0]  }
0x182: {  	v7 =	vld [tilespmem:s2+$0xFFFFFF60]  }
0x183: {  	[tilespmem:s2+$0xFFFFFFD0] =	vst v3;
	v3 =	vld [tilespmem:s2+$0xFFFFFFE0];
	v1 =	vmul.f32 v2, v1  }
0x184: {  	v2 =	vmul.f32 v6, v8;
	v6 =	vld [tilespmem:s8+$0xFFFFFFE0]  }
0x185: {  	[tilespmem:s2+$0x50] =	vst v1;
	v8 =	vld [tilespmem:s2+$0x60]  }
0x186: {  	[tilespmem:s2+$0xFFFFFF50] =	vst v2;
	v9 =	vld [tilespmem:s8+$0x60];
	v1 =	vmul.f32 v5, v4  }
0x187: {  	v4 =	vld [tilespmem:s8+$0xFFFFFF60]  }
0x188: {  	[tilespmem:s2+$0xE0] =	vst v1;
	v10 =	vld [tilespmem:s2+$0xF0]  }
0x189: {  	v2 =	vmul.f32 v6, v3;
	v6 =	vld [tilespmem:s8+$0xF0]  }
0x18a: {  	v1 =	vld [tilespmem:s2+$0xFFFFFF70]  }
.Ltmp2:
0x18b: {  	[tilespmem:s2+$0xFFFFFFE0] =	vst v2;
	v2 =	vld [tilespmem:s2+$0xFFFFFFF0];
	v3 =	vmul.f32 v9, v8;
	(pc) =	sbr.rel @p1 .LBB2_7-.Ltmp2, $4  }
0x18c: {  	v5 =	vmul.f32 v4, v7;
	v4 =	vld [tilespmem:s8+$0xFFFFFFF0]  }
0x18d: {  	[tilespmem:s2+$0x60] =	vst v3;
	v3 =	vld [tilespmem:s2+$0x70]  }
0x18e: {  	[tilespmem:s2+$0xFFFFFF60] =	vst v5;
	v5 =	vld [tilespmem:s8+$0x70];
	v7 =	vmul.f32 v6, v10  }
0x18f: {  	s2 =	sadd.s32 $0x200, s2;
	v6 =	vld [tilespmem:s8+$0xFFFFFF70]  }
0x190: {  	_ =	sdelay $0x1  }
0x191: {  	v2 =	vmul.f32 v4, v2  }
0x192: {  	[tilespmem:s11+$0xF0] =	vst v7;
	v3 =	vmul.f32 v5, v3  }
0x193: {  	[tilespmem:s11+$0xFFFFFFF0] =	vst v2;
	v1 =	vmul.f32 v6, v1  }
0x194: {  	[tilespmem:s11+$0x70] =	vst v3  }
0x195: {  	[tilespmem:s11+$0xFFFFFF70] =	vst v1  }
0x196: {  	_ =	swait.ge [sflag:s28], $0x50  }
0x197: {  	[sflag:s28] =	ssyncset.done $0x0  }
0x198: {  	[sflag:s28] =	ssyncadd.s32 $0xFFFFFFB0  }
0x199: {  	[spmem:s6] =	stream.indirect.scatter.add.f32 [tilespmem:s18], [sflag:$0xA], $0x80, s10, s16, $0xb8;
	[tilespmem:$0x1E200] =	vst v63  }
0x19a: {  	s1 =	sadd.s32 s20, s13;
	s2 =	sshll.u32 s30, $0x4  }
0x19b: {  	[tilespmem:s10], [sflag:$0x2] =	stream.linear.gather [hbm4b:s1+s7], $0x50, $0x38;
	[tilespmem:$0x1E200] =	vst v63  }
0x19c: {  	s1 =	sadd.s32 s3, s2;
	s2 =	simm.s32 $0x16A00  }
0x19d: {  	[tilespmem:s2], [sflag:$0x6] =	stream.linear.gather [hbm4b:s1+s7], $0x2800, $0x38;
	[tilespmem:$0x1E200] =	vst v63  }
0x19e: {  	_ =	swait.ge [sflag:s17], $0x50  }
0x19f: {  	[sflag:s17] =	ssyncset.done $0x0  }
0x1a0: {  	[sflag:s17] =	ssyncadd.s32 $0xFFFFFFB0  }
0x1a1: {  	_ =	swait.ge [sflag:s29], $0x2800  }
0x1a2: {  	[sflag:s29] =	ssyncset.done $0x0  }
0x1a3: {  	[sflag:s29] =	ssyncadd.s32 $0xFFFFD800  }
0x1a4: {  	[tilespmem:s18], [sflag:$0x8] =	stream.indirect.gather [hbm4b:s0+s16], $0x80, s9, s16, $0xb8;
	[tilespmem:$0x1E200] =	vst v63  }
0x1a5: {  	_ =	swait.ge [sflag:s19], $0x2800  }
0x1a6: {  	s8 =	rddreg [dreg:$0x14]  }
0x1a7: {  	s14 =	sadd.s32 s14, s8  }
0x1a8: {  	[sflag:s19] =	ssyncset.done $0x0;
	s13 =	sshrl.u32 s14, $0x3  }
0x1a9: {  	[sflag:s19] =	ssyncadd.s32 $0xFFFFD800;
	s11 =	sadd.s32 s21, s13  }
0x1aa: {  	[tilespmem:s4], [sflag:$0x3] =	stream.linear.gather [hbm4b:s11+s7], $0x50, $0x38;
	[tilespmem:$0x1E200] =	vst v63  }
0x1ab: {  	_ =	swait.ge [sflag:s22], $0x2800  }
0x1ac: {  	[sflag:s22] =	ssyncset.done $0x0  }
0x1ad: {  	s11 =	simm.s32 $0x19300;
	[sflag:s22] =	ssyncadd.s32 $0xFFFFD800  }
0x1ae: {  	s8 =	simm.s32 $0x14300;
	v1 =	vld [tilespmem:s11+$0x80]  }
0x1af: {  	v2 =	vld [tilespmem:s8+$0x80]  }
0x1b0: {  	v3 =	vld [tilespmem:s11+$0xFFFFFF80]  }
0x1b1: {  	v4 =	vld [tilespmem:s8+$0xFFFFFF80]  }
0x1b2: {  	v5 =	vld [tilespmem:s11+$0x0]  }
0x1b3: {  	v6 =	vld [tilespmem:s8+$0x0]  }
0x1b4: {  	v7 =	vld [tilespmem:s11+$0xFFFFFF00];
	v1 =	vmul.f32 v2, v1  }
0x1b5: {  	v2 =	vld [tilespmem:s8+$0xFFFFFF00]  }
0x1b6: {  	[tilespmem:s11+$0x80] =	vst v1;
	v1 =	vld [tilespmem:s11+$0x90]  }
0x1b7: {  	v3 =	vmul.f32 v4, v3;
	v4 =	vld [tilespmem:s8+$0x90]  }
0x1b8: {  	v8 =	vld [tilespmem:s11+$0xFFFFFF10]  }
0x1b9: {  	[tilespmem:s11+$0xFFFFFF80] =	vst v3;
	v3 =	vmul.f32 v6, v5;
	v5 =	vld [tilespmem:s11+$0xFFFFFF90]  }
0x1ba: {  	v6 =	vld [tilespmem:s8+$0xFFFFFF90];
	v2 =	vmul.f32 v2, v7  }
0x1bb: {  	[tilespmem:s11+$0x0] =	vst v3;
	v3 =	vld [tilespmem:s11+$0x10]  }
0x1bc: {  	v7 =	vld [tilespmem:s8+$0x10];
	[tilespmem:s11+$0xFFFFFF00] =	vst v2;
	v1 =	vmul.f32 v4, v1  }
0x1bd: {  	v2 =	vld [tilespmem:s8+$0xFFFFFF10]  }
0x1be: {  	[tilespmem:s11+$0x90] =	vst v1;
	v1 =	vld [tilespmem:s11+$0xA0]  }
0x1bf: {  	v4 =	vmul.f32 v6, v5;
	v5 =	vld [tilespmem:s8+$0xA0]  }
0x1c0: {  	v6 =	vld [tilespmem:s11+$0xFFFFFF20]  }
0x1c1: {  	[tilespmem:s11+$0xFFFFFF90] =	vst v4;
	v3 =	vmul.f32 v7, v3;
	v4 =	vld [tilespmem:s11+$0xFFFFFFA0]  }
0x1c2: {  	v7 =	vld [tilespmem:s8+$0xFFFFFFA0];
	v2 =	vmul.f32 v2, v8  }
0x1c3: {  	[tilespmem:s11+$0x10] =	vst v3;
	v3 =	vld [tilespmem:s11+$0x20]  }
0x1c4: {  	v8 =	vld [tilespmem:s8+$0x20];
	[tilespmem:s11+$0xFFFFFF10] =	vst v2;
	v1 =	vmul.f32 v5, v1  }
0x1c5: {  	v2 =	vld [tilespmem:s8+$0xFFFFFF20]  }
0x1c6: {  	[tilespmem:s11+$0xA0] =	vst v1;
	v1 =	vld [tilespmem:s11+$0xB0]  }
0x1c7: {  	v4 =	vmul.f32 v7, v4;
	v5 =	vld [tilespmem:s8+$0xB0]  }
0x1c8: {  	v7 =	vld [tilespmem:s11+$0xFFFFFF30]  }
0x1c9: {  	[tilespmem:s11+$0xFFFFFFA0] =	vst v4;
	v3 =	vmul.f32 v8, v3;
	v4 =	vld [tilespmem:s11+$0xFFFFFFB0]  }
0x1ca: {  	v8 =	vld [tilespmem:s8+$0xFFFFFFB0];
	v2 =	vmul.f32 v2, v6  }
0x1cb: {  	[tilespmem:s11+$0x20] =	vst v3;
	v3 =	vld [tilespmem:s11+$0x30]  }
0x1cc: {  	v6 =	vld [tilespmem:s8+$0x30];
	[tilespmem:s11+$0xFFFFFF20] =	vst v2;
	v1 =	vmul.f32 v5, v1  }
0x1cd: {  	v2 =	vld [tilespmem:s8+$0xFFFFFF30]  }
0x1ce: {  	[tilespmem:s11+$0xB0] =	vst v1;
	v1 =	vld [tilespmem:s11+$0xC0]  }
0x1cf: {  	v4 =	vmul.f32 v8, v4;
	v5 =	vld [tilespmem:s8+$0xC0]  }
0x1d0: {  	v8 =	vld [tilespmem:s11+$0xFFFFFF40]  }
0x1d1: {  	[tilespmem:s11+$0xFFFFFFB0] =	vst v4;
	v3 =	vmul.f32 v6, v3;
	v4 =	vld [tilespmem:s11+$0xFFFFFFC0]  }
0x1d2: {  	v6 =	vld [tilespmem:s8+$0xFFFFFFC0];
	v2 =	vmul.f32 v2, v7  }
0x1d3: {  	[tilespmem:s11+$0x30] =	vst v3;
	v3 =	vld [tilespmem:s11+$0x40]  }
0x1d4: {  	v7 =	vld [tilespmem:s8+$0x40];
	[tilespmem:s11+$0xFFFFFF30] =	vst v2;
	v1 =	vmul.f32 v5, v1  }
0x1d5: {  	v2 =	vld [tilespmem:s8+$0xFFFFFF40]  }
0x1d6: {  	[tilespmem:s11+$0xC0] =	vst v1;
	v1 =	vld [tilespmem:s11+$0xD0]  }
0x1d7: {  	v4 =	vmul.f32 v6, v4;
	v5 =	vld [tilespmem:s8+$0xD0]  }
0x1d8: {  	v6 =	vld [tilespmem:s11+$0xFFFFFF50]  }
0x1d9: {  	[tilespmem:s11+$0xFFFFFFC0] =	vst v4;
	v3 =	vmul.f32 v7, v3;
	v4 =	vld [tilespmem:s11+$0xFFFFFFD0]  }
0x1da: {  	v7 =	vld [tilespmem:s8+$0xFFFFFFD0];
	v2 =	vmul.f32 v2, v8  }
0x1db: {  	[tilespmem:s11+$0x40] =	vst v3;
	v3 =	vld [tilespmem:s11+$0x50]  }
0x1dc: {  	v8 =	vld [tilespmem:s8+$0x50];
	[tilespmem:s11+$0xFFFFFF40] =	vst v2;
	v1 =	vmul.f32 v5, v1  }
0x1dd: {  	v2 =	vld [tilespmem:s8+$0xFFFFFF50]  }
0x1de: {  	[tilespmem:s11+$0xD0] =	vst v1;
	v1 =	vld [tilespmem:s11+$0xE0]  }
0x1df: {  	v4 =	vmul.f32 v7, v4;
	v5 =	vld [tilespmem:s8+$0xE0]  }
0x1e0: {  	v7 =	vld [tilespmem:s11+$0xFFFFFF60]  }
0x1e1: {  	[tilespmem:s11+$0xFFFFFFD0] =	vst v4;
	v3 =	vmul.f32 v8, v3;
	v4 =	vld [tilespmem:s11+$0xFFFFFFE0]  }
0x1e2: {  	v8 =	vld [tilespmem:s8+$0xFFFFFFE0];
	v2 =	vmul.f32 v2, v6  }
0x1e3: {  	[tilespmem:s11+$0x50] =	vst v3;
	v3 =	vld [tilespmem:s11+$0x60]  }
0x1e4: {  	v6 =	vld [tilespmem:s8+$0x60];
	[tilespmem:s11+$0xFFFFFF50] =	vst v2;
	v1 =	vmul.f32 v5, v1  }
0x1e5: {  	v5 =	vld [tilespmem:s8+$0xFFFFFF60]  }
0x1e6: {  	v9 =	vld [tilespmem:s11+$0xF0];
	[tilespmem:s11+$0xE0] =	vst v1  }
0x1e7: {  	v2 =	vmul.f32 v8, v4;
	v8 =	vld [tilespmem:s8+$0xF0]  }
0x1e8: {  	v1 =	vld [tilespmem:s11+$0xFFFFFF70]  }
0x1e9: {  	[tilespmem:s11+$0xFFFFFFE0] =	vst v2;
	v3 =	vmul.f32 v6, v3;
	v2 =	vld [tilespmem:s11+$0xFFFFFFF0]  }
0x1ea: {  	v4 =	vld [tilespmem:s8+$0xFFFFFFF0];
	v5 =	vmul.f32 v5, v7  }
0x1eb: {  	[tilespmem:s11+$0x60] =	vst v3;
	v3 =	vld [tilespmem:s11+$0x70]  }
0x1ec: {  	[tilespmem:s11+$0xFFFFFF60] =	vst v5;
	v5 =	vld [tilespmem:s8+$0x70];
	v7 =	vmul.f32 v8, v9  }
0x1ed: {  	s30 =	smov.u32 s3;
	s1 =	simm.s32 $0x0;
	s2 =	simm.s32 $0x19500;
	v6 =	vld [tilespmem:s8+$0xFFFFFF70]  }
.LBB2_9:
0x1ee: {  	v8 =	vld [tilespmem:s2+$0x80];
	[tilespmem:s11+$0xF0] =	vst v7;
	s8 =	sadd.s32 $0x200, s8  }
0x1ef: {  	s1 =	sadd.s32 $0x4, s1;
	v7 =	vld [tilespmem:s8+$0x80];
	v2 =	vmul.f32 v4, v2  }
0x1f0: {  	p1 =	slt.u32 s1, $0x4C;
	v4 =	vld [tilespmem:s8+$0xFFFFFF00]  }
0x1f1: {  	v9 =	vld [tilespmem:s2+$0xFFFFFF80];
	[tilespmem:s11+$0xFFFFFFF0] =	vst v2;
	v2 =	vmul.f32 v5, v3  }
0x1f2: {  	v3 =	vld [tilespmem:s8+$0xFFFFFF80];
	v1 =	vmul.f32 v6, v1  }
0x1f3: {  	v5 =	vld [tilespmem:s2+$0x0];
	[tilespmem:s11+$0x70] =	vst v2  }
0x1f4: {  	v2 =	vld [tilespmem:s8+$0x0];
	v6 =	vmul.f32 v7, v8;
	[tilespmem:s11+$0xFFFFFF70] =	vst v1;
	s11 =	smov.u32 s2  }
0x1f5: {  	v1 =	vld [tilespmem:s2+$0xFFFFFF00]  }
0x1f6: {  	[tilespmem:s2+$0x80] =	vst v6;
	v6 =	vld [tilespmem:s2+$0x90]  }
0x1f7: {  	v3 =	vmul.f32 v3, v9;
	v7 =	vld [tilespmem:s8+$0x90]  }
0x1f8: {  	v8 =	vld [tilespmem:s2+$0xFFFFFF10]  }
0x1f9: {  	[tilespmem:s2+$0xFFFFFF80] =	vst v3;
	v3 =	vld [tilespmem:s2+$0xFFFFFF90];
	v2 =	vmul.f32 v2, v5  }
0x1fa: {  	v1 =	vmul.f32 v4, v1;
	v4 =	vld [tilespmem:s8+$0xFFFFFF90]  }
0x1fb: {  	[tilespmem:s2+$0x0] =	vst v2;
	v2 =	vld [tilespmem:s2+$0x10]  }
0x1fc: {  	[tilespmem:s2+$0xFFFFFF00] =	vst v1;
	v1 =	vld [tilespmem:s8+$0x10];
	v5 =	vmul.f32 v7, v6  }
0x1fd: {  	v6 =	vld [tilespmem:s8+$0xFFFFFF10]  }
0x1fe: {  	[tilespmem:s2+$0x90] =	vst v5;
	v5 =	vld [tilespmem:s2+$0xA0]  }
0x1ff: {  	v3 =	vmul.f32 v4, v3;
	v4 =	vld [tilespmem:s8+$0xA0]  }
0x200: {  	v7 =	vld [tilespmem:s2+$0xFFFFFF20]  }
0x201: {  	[tilespmem:s2+$0xFFFFFF90] =	vst v3;
	v3 =	vld [tilespmem:s2+$0xFFFFFFA0];
	v1 =	vmul.f32 v1, v2  }
0x202: {  	v2 =	vmul.f32 v6, v8;
	v6 =	vld [tilespmem:s8+$0xFFFFFFA0]  }
0x203: {  	[tilespmem:s2+$0x10] =	vst v1;
	v1 =	vld [tilespmem:s2+$0x20]  }
0x204: {  	[tilespmem:s2+$0xFFFFFF10] =	vst v2;
	v2 =	vld [tilespmem:s8+$0x20];
	v4 =	vmul.f32 v4, v5  }
0x205: {  	v5 =	vld [tilespmem:s8+$0xFFFFFF20]  }
0x206: {  	[tilespmem:s2+$0xA0] =	vst v4;
	v4 =	vld [tilespmem:s2+$0xB0]  }
0x207: {  	v3 =	vmul.f32 v6, v3;
	v6 =	vld [tilespmem:s8+$0xB0]  }
0x208: {  	v8 =	vld [tilespmem:s2+$0xFFFFFF30]  }
0x209: {  	[tilespmem:s2+$0xFFFFFFA0] =	vst v3;
	v3 =	vld [tilespmem:s2+$0xFFFFFFB0];
	v1 =	vmul.f32 v2, v1  }
0x20a: {  	v2 =	vmul.f32 v5, v7;
	v5 =	vld [tilespmem:s8+$0xFFFFFFB0]  }
0x20b: {  	[tilespmem:s2+$0x20] =	vst v1;
	v1 =	vld [tilespmem:s2+$0x30]  }
0x20c: {  	[tilespmem:s2+$0xFFFFFF20] =	vst v2;
	v2 =	vld [tilespmem:s8+$0x30];
	v4 =	vmul.f32 v6, v4  }
0x20d: {  	v6 =	vld [tilespmem:s8+$0xFFFFFF30]  }
0x20e: {  	[tilespmem:s2+$0xB0] =	vst v4;
	v4 =	vld [tilespmem:s2+$0xC0]  }
0x20f: {  	v3 =	vmul.f32 v5, v3;
	v5 =	vld [tilespmem:s8+$0xC0]  }
0x210: {  	v7 =	vld [tilespmem:s2+$0xFFFFFF40]  }
0x211: {  	[tilespmem:s2+$0xFFFFFFB0] =	vst v3;
	v3 =	vld [tilespmem:s2+$0xFFFFFFC0];
	v1 =	vmul.f32 v2, v1  }
0x212: {  	v2 =	vmul.f32 v6, v8;
	v6 =	vld [tilespmem:s8+$0xFFFFFFC0]  }
0x213: {  	[tilespmem:s2+$0x30] =	vst v1;
	v1 =	vld [tilespmem:s2+$0x40]  }
0x214: {  	[tilespmem:s2+$0xFFFFFF30] =	vst v2;
	v2 =	vld [tilespmem:s8+$0x40];
	v4 =	vmul.f32 v5, v4  }
0x215: {  	v5 =	vld [tilespmem:s8+$0xFFFFFF40]  }
0x216: {  	[tilespmem:s2+$0xC0] =	vst v4;
	v4 =	vld [tilespmem:s2+$0xD0]  }
0x217: {  	v3 =	vmul.f32 v6, v3;
	v6 =	vld [tilespmem:s8+$0xD0]  }
0x218: {  	v8 =	vld [tilespmem:s2+$0xFFFFFF50]  }
0x219: {  	[tilespmem:s2+$0xFFFFFFC0] =	vst v3;
	v3 =	vld [tilespmem:s2+$0xFFFFFFD0];
	v1 =	vmul.f32 v2, v1  }
0x21a: {  	v2 =	vmul.f32 v5, v7;
	v5 =	vld [tilespmem:s8+$0xFFFFFFD0]  }
0x21b: {  	[tilespmem:s2+$0x40] =	vst v1;
	v1 =	vld [tilespmem:s2+$0x50]  }
0x21c: {  	[tilespmem:s2+$0xFFFFFF40] =	vst v2;
	v2 =	vld [tilespmem:s8+$0x50];
	v4 =	vmul.f32 v6, v4  }
0x21d: {  	v6 =	vld [tilespmem:s8+$0xFFFFFF50]  }
0x21e: {  	[tilespmem:s2+$0xD0] =	vst v4;
	v4 =	vld [tilespmem:s2+$0xE0]  }
0x21f: {  	v3 =	vmul.f32 v5, v3;
	v5 =	vld [tilespmem:s8+$0xE0]  }
0x220: {  	v7 =	vld [tilespmem:s2+$0xFFFFFF60]  }
0x221: {  	[tilespmem:s2+$0xFFFFFFD0] =	vst v3;
	v3 =	vld [tilespmem:s2+$0xFFFFFFE0];
	v1 =	vmul.f32 v2, v1  }
0x222: {  	v2 =	vmul.f32 v6, v8;
	v6 =	vld [tilespmem:s8+$0xFFFFFFE0]  }
0x223: {  	[tilespmem:s2+$0x50] =	vst v1;
	v8 =	vld [tilespmem:s2+$0x60]  }
0x224: {  	[tilespmem:s2+$0xFFFFFF50] =	vst v2;
	v9 =	vld [tilespmem:s8+$0x60];
	v1 =	vmul.f32 v5, v4  }
0x225: {  	v4 =	vld [tilespmem:s8+$0xFFFFFF60]  }
0x226: {  	[tilespmem:s2+$0xE0] =	vst v1;
	v10 =	vld [tilespmem:s2+$0xF0]  }
0x227: {  	v2 =	vmul.f32 v6, v3;
	v6 =	vld [tilespmem:s8+$0xF0]  }
0x228: {  	v1 =	vld [tilespmem:s2+$0xFFFFFF70]  }
.Ltmp3:
0x229: {  	[tilespmem:s2+$0xFFFFFFE0] =	vst v2;
	v2 =	vld [tilespmem:s2+$0xFFFFFFF0];
	v3 =	vmul.f32 v9, v8;
	(pc) =	sbr.rel @p1 .LBB2_9-.Ltmp3, $4  }
0x22a: {  	v5 =	vmul.f32 v4, v7;
	v4 =	vld [tilespmem:s8+$0xFFFFFFF0]  }
0x22b: {  	[tilespmem:s2+$0x60] =	vst v3;
	v3 =	vld [tilespmem:s2+$0x70]  }
0x22c: {  	[tilespmem:s2+$0xFFFFFF60] =	vst v5;
	v5 =	vld [tilespmem:s8+$0x70];
	v7 =	vmul.f32 v6, v10  }
0x22d: {  	s2 =	sadd.s32 $0x200, s2;
	v6 =	vld [tilespmem:s8+$0xFFFFFF70]  }
0x22e: {  	_ =	sdelay $0x1  }
0x22f: {  	v2 =	vmul.f32 v4, v2  }
0x230: {  	[tilespmem:s11+$0xF0] =	vst v7;
	v3 =	vmul.f32 v5, v3  }
0x231: {  	[tilespmem:s11+$0xFFFFFFF0] =	vst v2;
	v1 =	vmul.f32 v6, v1  }
0x232: {  	[tilespmem:s11+$0x70] =	vst v3  }
0x233: {  	[tilespmem:s11+$0xFFFFFF70] =	vst v1  }
0x234: {  	_ =	swait.ge [sflag:s23], $0x50  }
0x235: {  	s31 =	sadd.s32 $0x1, s31;
	[sflag:s23] =	ssyncset.done $0x0  }
0x236: {  	p1 =	sne.s32 s31, $0x3D;
	[sflag:s23] =	ssyncadd.s32 $0xFFFFFFB0  }
0x237: {  	[spmem:s6] =	stream.indirect.scatter.add.f32 [tilespmem:s12], [sflag:$0x9], $0x80, s5, s16, $0xb8;
	[tilespmem:$0x1E200] =	vst v63  }
.Ltmp4:
0x238: {  	_ = 	snop;
	(pc) =	sbr.rel @p1 .LBB2_6-.Ltmp4, $4  }
0x239: {  	s1 =	sadd.s32 s20, s13;
	s14 =	sshll.u32 s14, $0x4  }
0x23a: {  	[tilespmem:s5], [sflag:$0x1] =	stream.linear.gather [hbm4b:s1+s7], $0x50, $0x38;
	[tilespmem:$0x1E200] =	vst v63  }
0x23b: {  	s2 =	simm.s32 $0x14200;
	s1 =	sadd.s32 s30, s14  }
0x23c: {  	[tilespmem:s2], [sflag:$0x5] =	stream.linear.gather [hbm4b:s1+s7], $0x2800, $0x38;
	[tilespmem:$0x1E200] =	vst v63  }
0x23d: {  	_ =	swait.ge [sflag:s15], $0x50  }
0x23e: {  	[sflag:s15] =	ssyncset.done $0x0  }
0x23f: {  	[sflag:s15] =	ssyncadd.s32 $0xFFFFFFB0  }
0x240: {  	_ =	swait.ge [sflag:s24], $0x2800  }
0x241: {  	[sflag:s24] =	ssyncset.done $0x0  }
0x242: {  	[sflag:s24] =	ssyncadd.s32 $0xFFFFD800  }
0x243: {  	[tilespmem:s12], [sflag:$0x7] =	stream.indirect.gather [hbm4b:s0+s16], $0x80, s4, s16, $0xb8;
	[tilespmem:$0x1E200] =	vst v63  }
0x244: {  	_ =	swait.ge [sflag:s25], $0x2800  }
0x245: {  	[sflag:s25] =	ssyncset.done $0x0  }
0x246: {  	[sflag:s25] =	ssyncadd.s32 $0xFFFFD800  }
0x247: {  	_ =	swait.ge [sflag:s26], $0x2800  }
0x248: {  	[sflag:s26] =	ssyncset.done $0x0  }
0x249: {  	s11 =	simm.s32 $0x1BB00;
	[sflag:s26] =	ssyncadd.s32 $0xFFFFD800  }
0x24a: {  	s8 =	simm.s32 $0x16B00;
	v1 =	vld [tilespmem:s11+$0x80]  }
0x24b: {  	v2 =	vld [tilespmem:s8+$0x80]  }
0x24c: {  	v3 =	vld [tilespmem:s11+$0xFFFFFF80]  }
0x24d: {  	v4 =	vld [tilespmem:s8+$0xFFFFFF80]  }
0x24e: {  	v5 =	vld [tilespmem:s11+$0x0]  }
0x24f: {  	v6 =	vld [tilespmem:s8+$0x0]  }
0x250: {  	v7 =	vld [tilespmem:s11+$0xFFFFFF00];
	v1 =	vmul.f32 v2, v1  }
0x251: {  	v2 =	vld [tilespmem:s8+$0xFFFFFF00]  }
0x252: {  	[tilespmem:s11+$0x80] =	vst v1;
	v1 =	vld [tilespmem:s11+$0x90]  }
0x253: {  	v3 =	vmul.f32 v4, v3;
	v4 =	vld [tilespmem:s8+$0x90]  }
0x254: {  	v8 =	vld [tilespmem:s11+$0xFFFFFF10]  }
0x255: {  	[tilespmem:s11+$0xFFFFFF80] =	vst v3;
	v3 =	vmul.f32 v6, v5;
	v5 =	vld [tilespmem:s11+$0xFFFFFF90]  }
0x256: {  	v6 =	vld [tilespmem:s8+$0xFFFFFF90];
	v2 =	vmul.f32 v2, v7  }
0x257: {  	[tilespmem:s11+$0x0] =	vst v3;
	v3 =	vld [tilespmem:s11+$0x10]  }
0x258: {  	v7 =	vld [tilespmem:s8+$0x10];
	[tilespmem:s11+$0xFFFFFF00] =	vst v2;
	v1 =	vmul.f32 v4, v1  }
0x259: {  	v2 =	vld [tilespmem:s8+$0xFFFFFF10]  }
0x25a: {  	[tilespmem:s11+$0x90] =	vst v1;
	v1 =	vld [tilespmem:s11+$0xA0]  }
0x25b: {  	v4 =	vmul.f32 v6, v5;
	v5 =	vld [tilespmem:s8+$0xA0]  }
0x25c: {  	v6 =	vld [tilespmem:s11+$0xFFFFFF20]  }
0x25d: {  	[tilespmem:s11+$0xFFFFFF90] =	vst v4;
	v3 =	vmul.f32 v7, v3;
	v4 =	vld [tilespmem:s11+$0xFFFFFFA0]  }
0x25e: {  	v7 =	vld [tilespmem:s8+$0xFFFFFFA0];
	v2 =	vmul.f32 v2, v8  }
0x25f: {  	[tilespmem:s11+$0x10] =	vst v3;
	v3 =	vld [tilespmem:s11+$0x20]  }
0x260: {  	v8 =	vld [tilespmem:s8+$0x20];
	[tilespmem:s11+$0xFFFFFF10] =	vst v2;
	v1 =	vmul.f32 v5, v1  }
0x261: {  	v2 =	vld [tilespmem:s8+$0xFFFFFF20]  }
0x262: {  	[tilespmem:s11+$0xA0] =	vst v1;
	v1 =	vld [tilespmem:s11+$0xB0]  }
0x263: {  	v4 =	vmul.f32 v7, v4;
	v5 =	vld [tilespmem:s8+$0xB0]  }
0x264: {  	v7 =	vld [tilespmem:s11+$0xFFFFFF30]  }
0x265: {  	[tilespmem:s11+$0xFFFFFFA0] =	vst v4;
	v3 =	vmul.f32 v8, v3;
	v4 =	vld [tilespmem:s11+$0xFFFFFFB0]  }
0x266: {  	v8 =	vld [tilespmem:s8+$0xFFFFFFB0];
	v2 =	vmul.f32 v2, v6  }
0x267: {  	[tilespmem:s11+$0x20] =	vst v3;
	v3 =	vld [tilespmem:s11+$0x30]  }
0x268: {  	v6 =	vld [tilespmem:s8+$0x30];
	[tilespmem:s11+$0xFFFFFF20] =	vst v2;
	v1 =	vmul.f32 v5, v1  }
0x269: {  	v2 =	vld [tilespmem:s8+$0xFFFFFF30]  }
0x26a: {  	[tilespmem:s11+$0xB0] =	vst v1;
	v1 =	vld [tilespmem:s11+$0xC0]  }
0x26b: {  	v4 =	vmul.f32 v8, v4;
	v5 =	vld [tilespmem:s8+$0xC0]  }
0x26c: {  	v8 =	vld [tilespmem:s11+$0xFFFFFF40]  }
0x26d: {  	[tilespmem:s11+$0xFFFFFFB0] =	vst v4;
	v3 =	vmul.f32 v6, v3;
	v4 =	vld [tilespmem:s11+$0xFFFFFFC0]  }
0x26e: {  	v6 =	vld [tilespmem:s8+$0xFFFFFFC0];
	v2 =	vmul.f32 v2, v7  }
0x26f: {  	[tilespmem:s11+$0x30] =	vst v3;
	v3 =	vld [tilespmem:s11+$0x40]  }
0x270: {  	v7 =	vld [tilespmem:s8+$0x40];
	[tilespmem:s11+$0xFFFFFF30] =	vst v2;
	v1 =	vmul.f32 v5, v1  }
0x271: {  	v2 =	vld [tilespmem:s8+$0xFFFFFF40]  }
0x272: {  	[tilespmem:s11+$0xC0] =	vst v1;
	v1 =	vld [tilespmem:s11+$0xD0]  }
0x273: {  	v4 =	vmul.f32 v6, v4;
	v5 =	vld [tilespmem:s8+$0xD0]  }
0x274: {  	v6 =	vld [tilespmem:s11+$0xFFFFFF50]  }
0x275: {  	[tilespmem:s11+$0xFFFFFFC0] =	vst v4;
	v3 =	vmul.f32 v7, v3;
	v4 =	vld [tilespmem:s11+$0xFFFFFFD0]  }
0x276: {  	v7 =	vld [tilespmem:s8+$0xFFFFFFD0];
	v2 =	vmul.f32 v2, v8  }
0x277: {  	[tilespmem:s11+$0x40] =	vst v3;
	v3 =	vld [tilespmem:s11+$0x50]  }
0x278: {  	v8 =	vld [tilespmem:s8+$0x50];
	[tilespmem:s11+$0xFFFFFF40] =	vst v2;
	v1 =	vmul.f32 v5, v1  }
0x279: {  	v2 =	vld [tilespmem:s8+$0xFFFFFF50]  }
0x27a: {  	[tilespmem:s11+$0xD0] =	vst v1;
	v1 =	vld [tilespmem:s11+$0xE0]  }
0x27b: {  	v4 =	vmul.f32 v7, v4;
	v5 =	vld [tilespmem:s8+$0xE0]  }
0x27c: {  	v7 =	vld [tilespmem:s11+$0xFFFFFF60]  }
0x27d: {  	[tilespmem:s11+$0xFFFFFFD0] =	vst v4;
	v3 =	vmul.f32 v8, v3;
	v4 =	vld [tilespmem:s11+$0xFFFFFFE0]  }
0x27e: {  	v8 =	vld [tilespmem:s8+$0xFFFFFFE0];
	v2 =	vmul.f32 v2, v6  }
0x27f: {  	[tilespmem:s11+$0x50] =	vst v3;
	v3 =	vld [tilespmem:s11+$0x60]  }
0x280: {  	v6 =	vld [tilespmem:s8+$0x60];
	[tilespmem:s11+$0xFFFFFF50] =	vst v2;
	v1 =	vmul.f32 v5, v1  }
0x281: {  	v5 =	vld [tilespmem:s8+$0xFFFFFF60]  }
0x282: {  	v9 =	vld [tilespmem:s11+$0xF0];
	[tilespmem:s11+$0xE0] =	vst v1  }
0x283: {  	v2 =	vmul.f32 v8, v4;
	v8 =	vld [tilespmem:s8+$0xF0]  }
0x284: {  	v1 =	vld [tilespmem:s11+$0xFFFFFF70]  }
0x285: {  	[tilespmem:s11+$0xFFFFFFE0] =	vst v2;
	v3 =	vmul.f32 v6, v3;
	v2 =	vld [tilespmem:s11+$0xFFFFFFF0]  }
0x286: {  	v4 =	vld [tilespmem:s8+$0xFFFFFFF0];
	v5 =	vmul.f32 v5, v7  }
0x287: {  	[tilespmem:s11+$0x60] =	vst v3;
	v3 =	vld [tilespmem:s11+$0x70]  }
0x288: {  	[tilespmem:s11+$0xFFFFFF60] =	vst v5;
	v5 =	vld [tilespmem:s8+$0x70];
	v7 =	vmul.f32 v8, v9  }
0x289: {  	s1 =	simm.s32 $0x0;
	s2 =	simm.s32 $0x1BD00;
	v6 =	vld [tilespmem:s8+$0xFFFFFF70]  }
.LBB2_12:
0x28a: {  	v8 =	vld [tilespmem:s2+$0x80];
	[tilespmem:s11+$0xF0] =	vst v7;
	s8 =	sadd.s32 $0x200, s8  }
0x28b: {  	s1 =	sadd.s32 $0x4, s1;
	v7 =	vld [tilespmem:s8+$0x80];
	v2 =	vmul.f32 v4, v2  }
0x28c: {  	p1 =	slt.u32 s1, $0x4C;
	v4 =	vld [tilespmem:s8+$0xFFFFFF00]  }
0x28d: {  	v9 =	vld [tilespmem:s2+$0xFFFFFF80];
	[tilespmem:s11+$0xFFFFFFF0] =	vst v2;
	v2 =	vmul.f32 v5, v3  }
0x28e: {  	v3 =	vld [tilespmem:s8+$0xFFFFFF80];
	v1 =	vmul.f32 v6, v1  }
0x28f: {  	v5 =	vld [tilespmem:s2+$0x0];
	[tilespmem:s11+$0x70] =	vst v2  }
0x290: {  	v2 =	vld [tilespmem:s8+$0x0];
	v6 =	vmul.f32 v7, v8;
	[tilespmem:s11+$0xFFFFFF70] =	vst v1;
	s11 =	smov.u32 s2  }
0x291: {  	v1 =	vld [tilespmem:s2+$0xFFFFFF00]  }
0x292: {  	[tilespmem:s2+$0x80] =	vst v6;
	v6 =	vld [tilespmem:s2+$0x90]  }
0x293: {  	v3 =	vmul.f32 v3, v9;
	v7 =	vld [tilespmem:s8+$0x90]  }
0x294: {  	v8 =	vld [tilespmem:s2+$0xFFFFFF10]  }
0x295: {  	[tilespmem:s2+$0xFFFFFF80] =	vst v3;
	v3 =	vld [tilespmem:s2+$0xFFFFFF90];
	v2 =	vmul.f32 v2, v5  }
0x296: {  	v1 =	vmul.f32 v4, v1;
	v4 =	vld [tilespmem:s8+$0xFFFFFF90]  }
0x297: {  	[tilespmem:s2+$0x0] =	vst v2;
	v2 =	vld [tilespmem:s2+$0x10]  }
0x298: {  	[tilespmem:s2+$0xFFFFFF00] =	vst v1;
	v1 =	vld [tilespmem:s8+$0x10];
	v5 =	vmul.f32 v7, v6  }
0x299: {  	v6 =	vld [tilespmem:s8+$0xFFFFFF10]  }
0x29a: {  	[tilespmem:s2+$0x90] =	vst v5;
	v5 =	vld [tilespmem:s2+$0xA0]  }
0x29b: {  	v3 =	vmul.f32 v4, v3;
	v4 =	vld [tilespmem:s8+$0xA0]  }
0x29c: {  	v7 =	vld [tilespmem:s2+$0xFFFFFF20]  }
0x29d: {  	[tilespmem:s2+$0xFFFFFF90] =	vst v3;
	v3 =	vld [tilespmem:s2+$0xFFFFFFA0];
	v1 =	vmul.f32 v1, v2  }
0x29e: {  	v2 =	vmul.f32 v6, v8;
	v6 =	vld [tilespmem:s8+$0xFFFFFFA0]  }
0x29f: {  	[tilespmem:s2+$0x10] =	vst v1;
	v1 =	vld [tilespmem:s2+$0x20]  }
0x2a0: {  	[tilespmem:s2+$0xFFFFFF10] =	vst v2;
	v2 =	vld [tilespmem:s8+$0x20];
	v4 =	vmul.f32 v4, v5  }
0x2a1: {  	v5 =	vld [tilespmem:s8+$0xFFFFFF20]  }
0x2a2: {  	[tilespmem:s2+$0xA0] =	vst v4;
	v4 =	vld [tilespmem:s2+$0xB0]  }
0x2a3: {  	v3 =	vmul.f32 v6, v3;
	v6 =	vld [tilespmem:s8+$0xB0]  }
0x2a4: {  	v8 =	vld [tilespmem:s2+$0xFFFFFF30]  }
0x2a5: {  	[tilespmem:s2+$0xFFFFFFA0] =	vst v3;
	v3 =	vld [tilespmem:s2+$0xFFFFFFB0];
	v1 =	vmul.f32 v2, v1  }
0x2a6: {  	v2 =	vmul.f32 v5, v7;
	v5 =	vld [tilespmem:s8+$0xFFFFFFB0]  }
0x2a7: {  	[tilespmem:s2+$0x20] =	vst v1;
	v1 =	vld [tilespmem:s2+$0x30]  }
0x2a8: {  	[tilespmem:s2+$0xFFFFFF20] =	vst v2;
	v2 =	vld [tilespmem:s8+$0x30];
	v4 =	vmul.f32 v6, v4  }
0x2a9: {  	v6 =	vld [tilespmem:s8+$0xFFFFFF30]  }
0x2aa: {  	[tilespmem:s2+$0xB0] =	vst v4;
	v4 =	vld [tilespmem:s2+$0xC0]  }
0x2ab: {  	v3 =	vmul.f32 v5, v3;
	v5 =	vld [tilespmem:s8+$0xC0]  }
0x2ac: {  	v7 =	vld [tilespmem:s2+$0xFFFFFF40]  }
0x2ad: {  	[tilespmem:s2+$0xFFFFFFB0] =	vst v3;
	v3 =	vld [tilespmem:s2+$0xFFFFFFC0];
	v1 =	vmul.f32 v2, v1  }
0x2ae: {  	v2 =	vmul.f32 v6, v8;
	v6 =	vld [tilespmem:s8+$0xFFFFFFC0]  }
0x2af: {  	[tilespmem:s2+$0x30] =	vst v1;
	v1 =	vld [tilespmem:s2+$0x40]  }
0x2b0: {  	[tilespmem:s2+$0xFFFFFF30] =	vst v2;
	v2 =	vld [tilespmem:s8+$0x40];
	v4 =	vmul.f32 v5, v4  }
0x2b1: {  	v5 =	vld [tilespmem:s8+$0xFFFFFF40]  }
0x2b2: {  	[tilespmem:s2+$0xC0] =	vst v4;
	v4 =	vld [tilespmem:s2+$0xD0]  }
0x2b3: {  	v3 =	vmul.f32 v6, v3;
	v6 =	vld [tilespmem:s8+$0xD0]  }
0x2b4: {  	v8 =	vld [tilespmem:s2+$0xFFFFFF50]  }
0x2b5: {  	[tilespmem:s2+$0xFFFFFFC0] =	vst v3;
	v3 =	vld [tilespmem:s2+$0xFFFFFFD0];
	v1 =	vmul.f32 v2, v1  }
0x2b6: {  	v2 =	vmul.f32 v5, v7;
	v5 =	vld [tilespmem:s8+$0xFFFFFFD0]  }
0x2b7: {  	[tilespmem:s2+$0x40] =	vst v1;
	v1 =	vld [tilespmem:s2+$0x50]  }
0x2b8: {  	[tilespmem:s2+$0xFFFFFF40] =	vst v2;
	v2 =	vld [tilespmem:s8+$0x50];
	v4 =	vmul.f32 v6, v4  }
0x2b9: {  	v6 =	vld [tilespmem:s8+$0xFFFFFF50]  }
0x2ba: {  	[tilespmem:s2+$0xD0] =	vst v4;
	v4 =	vld [tilespmem:s2+$0xE0]  }
0x2bb: {  	v3 =	vmul.f32 v5, v3;
	v5 =	vld [tilespmem:s8+$0xE0]  }
0x2bc: {  	v7 =	vld [tilespmem:s2+$0xFFFFFF60]  }
0x2bd: {  	[tilespmem:s2+$0xFFFFFFD0] =	vst v3;
	v3 =	vld [tilespmem:s2+$0xFFFFFFE0];
	v1 =	vmul.f32 v2, v1  }
0x2be: {  	v2 =	vmul.f32 v6, v8;
	v6 =	vld [tilespmem:s8+$0xFFFFFFE0]  }
0x2bf: {  	[tilespmem:s2+$0x50] =	vst v1;
	v8 =	vld [tilespmem:s2+$0x60]  }
0x2c0: {  	[tilespmem:s2+$0xFFFFFF50] =	vst v2;
	v9 =	vld [tilespmem:s8+$0x60];
	v1 =	vmul.f32 v5, v4  }
0x2c1: {  	v4 =	vld [tilespmem:s8+$0xFFFFFF60]  }
0x2c2: {  	[tilespmem:s2+$0xE0] =	vst v1;
	v10 =	vld [tilespmem:s2+$0xF0]  }
0x2c3: {  	v2 =	vmul.f32 v6, v3;
	v6 =	vld [tilespmem:s8+$0xF0]  }
0x2c4: {  	v1 =	vld [tilespmem:s2+$0xFFFFFF70]  }
.Ltmp5:
0x2c5: {  	[tilespmem:s2+$0xFFFFFFE0] =	vst v2;
	v2 =	vld [tilespmem:s2+$0xFFFFFFF0];
	v3 =	vmul.f32 v9, v8;
	(pc) =	sbr.rel @p1 .LBB2_12-.Ltmp5, $4  }
0x2c6: {  	v5 =	vmul.f32 v4, v7;
	v4 =	vld [tilespmem:s8+$0xFFFFFFF0]  }
0x2c7: {  	[tilespmem:s2+$0x60] =	vst v3;
	v3 =	vld [tilespmem:s2+$0x70]  }
0x2c8: {  	[tilespmem:s2+$0xFFFFFF60] =	vst v5;
	v5 =	vld [tilespmem:s8+$0x70];
	v7 =	vmul.f32 v6, v10  }
0x2c9: {  	s2 =	sadd.s32 $0x200, s2;
	v6 =	vld [tilespmem:s8+$0xFFFFFF70]  }
0x2ca: {  	_ =	sdelay $0x1  }
0x2cb: {  	v2 =	vmul.f32 v4, v2  }
0x2cc: {  	[tilespmem:s11+$0xF0] =	vst v7;
	v3 =	vmul.f32 v5, v3  }
0x2cd: {  	[tilespmem:s11+$0xFFFFFFF0] =	vst v2;
	v1 =	vmul.f32 v6, v1  }
0x2ce: {  	[tilespmem:s11+$0x70] =	vst v3  }
0x2cf: {  	[tilespmem:s11+$0xFFFFFF70] =	vst v1  }
0x2d0: {  	_ =	swait.ge [sflag:s28], $0x50  }
0x2d1: {  	[sflag:s28] =	ssyncset.done $0x0  }
0x2d2: {  	[sflag:s28] =	ssyncadd.s32 $0xFFFFFFB0  }
0x2d3: {  	[spmem:s6] =	stream.indirect.scatter.add.f32 [tilespmem:s18], [sflag:$0xA], $0x80, s10, s16, $0xb8;
	[tilespmem:$0x1E200] =	vst v63  }
0x2d4: {  	_ =	swait.ge [sflag:s19], $0x2800  }
0x2d5: {  	[sflag:s19] =	ssyncset.done $0x0  }
0x2d6: {  	[sflag:s19] =	ssyncadd.s32 $0xFFFFD800  }
0x2d7: {  	_ =	swait.ge [sflag:s22], $0x2800  }
0x2d8: {  	[sflag:s22] =	ssyncset.done $0x0  }
0x2d9: {  	s11 =	simm.s32 $0x19300;
	[sflag:s22] =	ssyncadd.s32 $0xFFFFD800  }
0x2da: {  	s8 =	simm.s32 $0x14300;
	v1 =	vld [tilespmem:s11+$0x80]  }
0x2db: {  	v2 =	vld [tilespmem:s8+$0x80]  }
0x2dc: {  	v3 =	vld [tilespmem:s11+$0xFFFFFF80]  }
0x2dd: {  	v4 =	vld [tilespmem:s8+$0xFFFFFF80]  }
0x2de: {  	v5 =	vld [tilespmem:s11+$0x0]  }
0x2df: {  	v6 =	vld [tilespmem:s8+$0x0]  }
0x2e0: {  	v7 =	vld [tilespmem:s11+$0xFFFFFF00];
	v1 =	vmul.f32 v2, v1  }
0x2e1: {  	v2 =	vld [tilespmem:s8+$0xFFFFFF00]  }
0x2e2: {  	[tilespmem:s11+$0x80] =	vst v1;
	v1 =	vld [tilespmem:s11+$0x90]  }
0x2e3: {  	v3 =	vmul.f32 v4, v3;
	v4 =	vld [tilespmem:s8+$0x90]  }
0x2e4: {  	v8 =	vld [tilespmem:s11+$0xFFFFFF10]  }
0x2e5: {  	[tilespmem:s11+$0xFFFFFF80] =	vst v3;
	v3 =	vmul.f32 v6, v5;
	v5 =	vld [tilespmem:s11+$0xFFFFFF90]  }
0x2e6: {  	v6 =	vld [tilespmem:s8+$0xFFFFFF90];
	v2 =	vmul.f32 v2, v7  }
0x2e7: {  	[tilespmem:s11+$0x0] =	vst v3;
	v3 =	vld [tilespmem:s11+$0x10]  }
0x2e8: {  	v7 =	vld [tilespmem:s8+$0x10];
	[tilespmem:s11+$0xFFFFFF00] =	vst v2;
	v1 =	vmul.f32 v4, v1  }
0x2e9: {  	v2 =	vld [tilespmem:s8+$0xFFFFFF10]  }
0x2ea: {  	[tilespmem:s11+$0x90] =	vst v1;
	v1 =	vld [tilespmem:s11+$0xA0]  }
0x2eb: {  	v4 =	vmul.f32 v6, v5;
	v5 =	vld [tilespmem:s8+$0xA0]  }
0x2ec: {  	v6 =	vld [tilespmem:s11+$0xFFFFFF20]  }
0x2ed: {  	[tilespmem:s11+$0xFFFFFF90] =	vst v4;
	v3 =	vmul.f32 v7, v3;
	v4 =	vld [tilespmem:s11+$0xFFFFFFA0]  }
0x2ee: {  	v7 =	vld [tilespmem:s8+$0xFFFFFFA0];
	v2 =	vmul.f32 v2, v8  }
0x2ef: {  	[tilespmem:s11+$0x10] =	vst v3;
	v3 =	vld [tilespmem:s11+$0x20]  }
0x2f0: {  	v8 =	vld [tilespmem:s8+$0x20];
	[tilespmem:s11+$0xFFFFFF10] =	vst v2;
	v1 =	vmul.f32 v5, v1  }
0x2f1: {  	v2 =	vld [tilespmem:s8+$0xFFFFFF20]  }
0x2f2: {  	[tilespmem:s11+$0xA0] =	vst v1;
	v1 =	vld [tilespmem:s11+$0xB0]  }
0x2f3: {  	v4 =	vmul.f32 v7, v4;
	v5 =	vld [tilespmem:s8+$0xB0]  }
0x2f4: {  	v7 =	vld [tilespmem:s11+$0xFFFFFF30]  }
0x2f5: {  	[tilespmem:s11+$0xFFFFFFA0] =	vst v4;
	v3 =	vmul.f32 v8, v3;
	v4 =	vld [tilespmem:s11+$0xFFFFFFB0]  }
0x2f6: {  	v8 =	vld [tilespmem:s8+$0xFFFFFFB0];
	v2 =	vmul.f32 v2, v6  }
0x2f7: {  	[tilespmem:s11+$0x20] =	vst v3;
	v3 =	vld [tilespmem:s11+$0x30]  }
0x2f8: {  	v6 =	vld [tilespmem:s8+$0x30];
	[tilespmem:s11+$0xFFFFFF20] =	vst v2;
	v1 =	vmul.f32 v5, v1  }
0x2f9: {  	v2 =	vld [tilespmem:s8+$0xFFFFFF30]  }
0x2fa: {  	[tilespmem:s11+$0xB0] =	vst v1;
	v1 =	vld [tilespmem:s11+$0xC0]  }
0x2fb: {  	v4 =	vmul.f32 v8, v4;
	v5 =	vld [tilespmem:s8+$0xC0]  }
0x2fc: {  	v8 =	vld [tilespmem:s11+$0xFFFFFF40]  }
0x2fd: {  	[tilespmem:s11+$0xFFFFFFB0] =	vst v4;
	v3 =	vmul.f32 v6, v3;
	v4 =	vld [tilespmem:s11+$0xFFFFFFC0]  }
0x2fe: {  	v6 =	vld [tilespmem:s8+$0xFFFFFFC0];
	v2 =	vmul.f32 v2, v7  }
0x2ff: {  	[tilespmem:s11+$0x30] =	vst v3;
	v3 =	vld [tilespmem:s11+$0x40]  }
0x300: {  	v7 =	vld [tilespmem:s8+$0x40];
	[tilespmem:s11+$0xFFFFFF30] =	vst v2;
	v1 =	vmul.f32 v5, v1  }
0x301: {  	v2 =	vld [tilespmem:s8+$0xFFFFFF40]  }
0x302: {  	[tilespmem:s11+$0xC0] =	vst v1;
	v1 =	vld [tilespmem:s11+$0xD0]  }
0x303: {  	v4 =	vmul.f32 v6, v4;
	v5 =	vld [tilespmem:s8+$0xD0]  }
0x304: {  	v6 =	vld [tilespmem:s11+$0xFFFFFF50]  }
0x305: {  	[tilespmem:s11+$0xFFFFFFC0] =	vst v4;
	v3 =	vmul.f32 v7, v3;
	v4 =	vld [tilespmem:s11+$0xFFFFFFD0]  }
0x306: {  	v7 =	vld [tilespmem:s8+$0xFFFFFFD0];
	v2 =	vmul.f32 v2, v8  }
0x307: {  	[tilespmem:s11+$0x40] =	vst v3;
	v3 =	vld [tilespmem:s11+$0x50]  }
0x308: {  	v8 =	vld [tilespmem:s8+$0x50];
	[tilespmem:s11+$0xFFFFFF40] =	vst v2;
	v1 =	vmul.f32 v5, v1  }
0x309: {  	v2 =	vld [tilespmem:s8+$0xFFFFFF50]  }
0x30a: {  	[tilespmem:s11+$0xD0] =	vst v1;
	v1 =	vld [tilespmem:s11+$0xE0]  }
0x30b: {  	v4 =	vmul.f32 v7, v4;
	v5 =	vld [tilespmem:s8+$0xE0]  }
0x30c: {  	v7 =	vld [tilespmem:s11+$0xFFFFFF60]  }
0x30d: {  	[tilespmem:s11+$0xFFFFFFD0] =	vst v4;
	v3 =	vmul.f32 v8, v3;
	v4 =	vld [tilespmem:s11+$0xFFFFFFE0]  }
0x30e: {  	v8 =	vld [tilespmem:s8+$0xFFFFFFE0];
	v2 =	vmul.f32 v2, v6  }
0x30f: {  	[tilespmem:s11+$0x50] =	vst v3;
	v3 =	vld [tilespmem:s11+$0x60]  }
0x310: {  	v6 =	vld [tilespmem:s8+$0x60];
	[tilespmem:s11+$0xFFFFFF50] =	vst v2;
	v1 =	vmul.f32 v5, v1  }
0x311: {  	v5 =	vld [tilespmem:s8+$0xFFFFFF60]  }
0x312: {  	v9 =	vld [tilespmem:s11+$0xF0];
	[tilespmem:s11+$0xE0] =	vst v1  }
0x313: {  	v2 =	vmul.f32 v8, v4;
	v8 =	vld [tilespmem:s8+$0xF0]  }
0x314: {  	v1 =	vld [tilespmem:s11+$0xFFFFFF70]  }
0x315: {  	[tilespmem:s11+$0xFFFFFFE0] =	vst v2;
	v3 =	vmul.f32 v6, v3;
	v2 =	vld [tilespmem:s11+$0xFFFFFFF0]  }
0x316: {  	v4 =	vld [tilespmem:s8+$0xFFFFFFF0];
	v5 =	vmul.f32 v5, v7  }
0x317: {  	[tilespmem:s11+$0x60] =	vst v3;
	v3 =	vld [tilespmem:s11+$0x70]  }
0x318: {  	[tilespmem:s11+$0xFFFFFF60] =	vst v5;
	v5 =	vld [tilespmem:s8+$0x70];
	v7 =	vmul.f32 v8, v9  }
0x319: {  	s1 =	simm.s32 $0x0;
	s2 =	simm.s32 $0x19500;
	v6 =	vld [tilespmem:s8+$0xFFFFFF70]  }
.LBB2_14:
0x31a: {  	v8 =	vld [tilespmem:s2+$0x80];
	[tilespmem:s11+$0xF0] =	vst v7;
	s8 =	sadd.s32 $0x200, s8  }
0x31b: {  	s1 =	sadd.s32 $0x4, s1;
	v7 =	vld [tilespmem:s8+$0x80];
	v2 =	vmul.f32 v4, v2  }
0x31c: {  	p1 =	slt.u32 s1, $0x4C;
	v4 =	vld [tilespmem:s8+$0xFFFFFF00]  }
0x31d: {  	v9 =	vld [tilespmem:s2+$0xFFFFFF80];
	[tilespmem:s11+$0xFFFFFFF0] =	vst v2;
	v2 =	vmul.f32 v5, v3  }
0x31e: {  	v3 =	vld [tilespmem:s8+$0xFFFFFF80];
	v1 =	vmul.f32 v6, v1  }
0x31f: {  	v5 =	vld [tilespmem:s2+$0x0];
	[tilespmem:s11+$0x70] =	vst v2  }
0x320: {  	v2 =	vld [tilespmem:s8+$0x0];
	v6 =	vmul.f32 v7, v8;
	[tilespmem:s11+$0xFFFFFF70] =	vst v1;
	s11 =	smov.u32 s2  }
0x321: {  	v1 =	vld [tilespmem:s2+$0xFFFFFF00]  }
0x322: {  	[tilespmem:s2+$0x80] =	vst v6;
	v6 =	vld [tilespmem:s2+$0x90]  }
0x323: {  	v3 =	vmul.f32 v3, v9;
	v7 =	vld [tilespmem:s8+$0x90]  }
0x324: {  	v8 =	vld [tilespmem:s2+$0xFFFFFF10]  }
0x325: {  	[tilespmem:s2+$0xFFFFFF80] =	vst v3;
	v3 =	vld [tilespmem:s2+$0xFFFFFF90];
	v2 =	vmul.f32 v2, v5  }
0x326: {  	v1 =	vmul.f32 v4, v1;
	v4 =	vld [tilespmem:s8+$0xFFFFFF90]  }
0x327: {  	[tilespmem:s2+$0x0] =	vst v2;
	v2 =	vld [tilespmem:s2+$0x10]  }
0x328: {  	[tilespmem:s2+$0xFFFFFF00] =	vst v1;
	v1 =	vld [tilespmem:s8+$0x10];
	v5 =	vmul.f32 v7, v6  }
0x329: {  	v6 =	vld [tilespmem:s8+$0xFFFFFF10]  }
0x32a: {  	[tilespmem:s2+$0x90] =	vst v5;
	v5 =	vld [tilespmem:s2+$0xA0]  }
0x32b: {  	v3 =	vmul.f32 v4, v3;
	v4 =	vld [tilespmem:s8+$0xA0]  }
0x32c: {  	v7 =	vld [tilespmem:s2+$0xFFFFFF20]  }
0x32d: {  	[tilespmem:s2+$0xFFFFFF90] =	vst v3;
	v3 =	vld [tilespmem:s2+$0xFFFFFFA0];
	v1 =	vmul.f32 v1, v2  }
0x32e: {  	v2 =	vmul.f32 v6, v8;
	v6 =	vld [tilespmem:s8+$0xFFFFFFA0]  }
0x32f: {  	[tilespmem:s2+$0x10] =	vst v1;
	v1 =	vld [tilespmem:s2+$0x20]  }
0x330: {  	[tilespmem:s2+$0xFFFFFF10] =	vst v2;
	v2 =	vld [tilespmem:s8+$0x20];
	v4 =	vmul.f32 v4, v5  }
0x331: {  	v5 =	vld [tilespmem:s8+$0xFFFFFF20]  }
0x332: {  	[tilespmem:s2+$0xA0] =	vst v4;
	v4 =	vld [tilespmem:s2+$0xB0]  }
0x333: {  	v3 =	vmul.f32 v6, v3;
	v6 =	vld [tilespmem:s8+$0xB0]  }
0x334: {  	v8 =	vld [tilespmem:s2+$0xFFFFFF30]  }
0x335: {  	[tilespmem:s2+$0xFFFFFFA0] =	vst v3;
	v3 =	vld [tilespmem:s2+$0xFFFFFFB0];
	v1 =	vmul.f32 v2, v1  }
0x336: {  	v2 =	vmul.f32 v5, v7;
	v5 =	vld [tilespmem:s8+$0xFFFFFFB0]  }
0x337: {  	[tilespmem:s2+$0x20] =	vst v1;
	v1 =	vld [tilespmem:s2+$0x30]  }
0x338: {  	[tilespmem:s2+$0xFFFFFF20] =	vst v2;
	v2 =	vld [tilespmem:s8+$0x30];
	v4 =	vmul.f32 v6, v4  }
0x339: {  	v6 =	vld [tilespmem:s8+$0xFFFFFF30]  }
0x33a: {  	[tilespmem:s2+$0xB0] =	vst v4;
	v4 =	vld [tilespmem:s2+$0xC0]  }
0x33b: {  	v3 =	vmul.f32 v5, v3;
	v5 =	vld [tilespmem:s8+$0xC0]  }
0x33c: {  	v7 =	vld [tilespmem:s2+$0xFFFFFF40]  }
0x33d: {  	[tilespmem:s2+$0xFFFFFFB0] =	vst v3;
	v3 =	vld [tilespmem:s2+$0xFFFFFFC0];
	v1 =	vmul.f32 v2, v1  }
0x33e: {  	v2 =	vmul.f32 v6, v8;
	v6 =	vld [tilespmem:s8+$0xFFFFFFC0]  }
0x33f: {  	[tilespmem:s2+$0x30] =	vst v1;
	v1 =	vld [tilespmem:s2+$0x40]  }
0x340: {  	[tilespmem:s2+$0xFFFFFF30] =	vst v2;
	v2 =	vld [tilespmem:s8+$0x40];
	v4 =	vmul.f32 v5, v4  }
0x341: {  	v5 =	vld [tilespmem:s8+$0xFFFFFF40]  }
0x342: {  	[tilespmem:s2+$0xC0] =	vst v4;
	v4 =	vld [tilespmem:s2+$0xD0]  }
0x343: {  	v3 =	vmul.f32 v6, v3;
	v6 =	vld [tilespmem:s8+$0xD0]  }
0x344: {  	v8 =	vld [tilespmem:s2+$0xFFFFFF50]  }
0x345: {  	[tilespmem:s2+$0xFFFFFFC0] =	vst v3;
	v3 =	vld [tilespmem:s2+$0xFFFFFFD0];
	v1 =	vmul.f32 v2, v1  }
0x346: {  	v2 =	vmul.f32 v5, v7;
	v5 =	vld [tilespmem:s8+$0xFFFFFFD0]  }
0x347: {  	[tilespmem:s2+$0x40] =	vst v1;
	v1 =	vld [tilespmem:s2+$0x50]  }
0x348: {  	[tilespmem:s2+$0xFFFFFF40] =	vst v2;
	v2 =	vld [tilespmem:s8+$0x50];
	v4 =	vmul.f32 v6, v4  }
0x349: {  	v6 =	vld [tilespmem:s8+$0xFFFFFF50]  }
0x34a: {  	[tilespmem:s2+$0xD0] =	vst v4;
	v4 =	vld [tilespmem:s2+$0xE0]  }
0x34b: {  	v3 =	vmul.f32 v5, v3;
	v5 =	vld [tilespmem:s8+$0xE0]  }
0x34c: {  	v7 =	vld [tilespmem:s2+$0xFFFFFF60]  }
0x34d: {  	[tilespmem:s2+$0xFFFFFFD0] =	vst v3;
	v3 =	vld [tilespmem:s2+$0xFFFFFFE0];
	v1 =	vmul.f32 v2, v1  }
0x34e: {  	v2 =	vmul.f32 v6, v8;
	v6 =	vld [tilespmem:s8+$0xFFFFFFE0]  }
0x34f: {  	[tilespmem:s2+$0x50] =	vst v1;
	v8 =	vld [tilespmem:s2+$0x60]  }
0x350: {  	[tilespmem:s2+$0xFFFFFF50] =	vst v2;
	v9 =	vld [tilespmem:s8+$0x60];
	v1 =	vmul.f32 v5, v4  }
0x351: {  	v4 =	vld [tilespmem:s8+$0xFFFFFF60]  }
0x352: {  	[tilespmem:s2+$0xE0] =	vst v1;
	v10 =	vld [tilespmem:s2+$0xF0]  }
0x353: {  	v2 =	vmul.f32 v6, v3;
	v6 =	vld [tilespmem:s8+$0xF0]  }
0x354: {  	v1 =	vld [tilespmem:s2+$0xFFFFFF70]  }
.Ltmp6:
0x355: {  	[tilespmem:s2+$0xFFFFFFE0] =	vst v2;
	v2 =	vld [tilespmem:s2+$0xFFFFFFF0];
	v3 =	vmul.f32 v9, v8;
	(pc) =	sbr.rel @p1 .LBB2_14-.Ltmp6, $4  }
0x356: {  	v5 =	vmul.f32 v4, v7;
	v4 =	vld [tilespmem:s8+$0xFFFFFFF0]  }
0x357: {  	[tilespmem:s2+$0x60] =	vst v3;
	v3 =	vld [tilespmem:s2+$0x70]  }
0x358: {  	[tilespmem:s2+$0xFFFFFF60] =	vst v5;
	v5 =	vld [tilespmem:s8+$0x70];
	v7 =	vmul.f32 v6, v10  }
0x359: {  	s2 =	sadd.s32 $0x200, s2;
	v6 =	vld [tilespmem:s8+$0xFFFFFF70]  }
0x35a: {  	_ =	sdelay $0x1  }
0x35b: {  	v2 =	vmul.f32 v4, v2  }
0x35c: {  	[tilespmem:s11+$0xF0] =	vst v7;
	v3 =	vmul.f32 v5, v3  }
0x35d: {  	[tilespmem:s11+$0xFFFFFFF0] =	vst v2;
	v1 =	vmul.f32 v6, v1  }
0x35e: {  	[tilespmem:s11+$0x70] =	vst v3  }
0x35f: {  	[tilespmem:s11+$0xFFFFFF70] =	vst v1  }
0x360: {  	_ =	swait.ge [sflag:s23], $0x50  }
0x361: {  	[sflag:s23] =	ssyncset.done $0x0  }
0x362: {  	[sflag:s23] =	ssyncadd.s32 $0xFFFFFFB0  }
0x363: {  	[spmem:s6] =	stream.indirect.scatter.add.f32 [tilespmem:s12], [sflag:$0x9], $0x80, s5, s16, $0xb8;
	[tilespmem:$0x1E200] =	vst v63  }
0x364: {  	_ =	swait.ge [sflag:s29], $0x2800  }
0x365: {  	[sflag:s29] =	ssyncset.done $0x0  }
0x366: {  	[sflag:s29] =	ssyncadd.s32 $0xFFFFD800  }
0x367: {  	_ =	swait.ge [sflag:s24], $0x2800  }
0x368: {  	[sflag:s24] =	ssyncset.done $0x0  }
0x369: {  	[sflag:s24] =	ssyncadd.s32 $0xFFFFD800  }
0x36a: {  	[bflag:$0x0] =	sbarrier.arrive $0xFFFF  }
0x36b: {  	s2 =	rddreg [dreg:$0x16]  }
0x36c: {  	s1 =	simm.s32 @p0 $0x1FCB;
	s3 =	rddreg [dreg:$0x18]  }
0x36d: {  	[hbm:s2], [sflag:s1] =	dma.local @p0 [spmem:s3], $0x1900  }
0x36e: {  	s1 =	simm.s32 @p0 $0xB  }
0x36f: {  	_ =	swait.ge @p0 [sflag:s1], $0x1900  }
0x370: {  	s2 =	stileid.u32;
	s11 =	rddreg [dreg:$0xd]  }
0x371: {  	s2 =	sshll.u32 @!p0 s2, $0x6;
	[sflag:s1] =	ssyncset.done @p0 $0x0;
	s3 =	rddreg [dreg:$0x15]  }
0x372: {  	[sflag:s1] =	ssyncadd.s32 @p0 $0xFFFFE700;
	s1 =	sor.u32 @!p0 $0x1C0B, s2;
	s2 =	sshrl.u32 @!p0 s11, $0x3  }
0x373: {  	[hbm:s3], [sflag:s1] =	dma.local @!p0 [spmem:s2], $0x2800  }
0x374: {  	s1 =	simm.s32 @!p0 $0xB  }
0x375: {  	_ =	swait.ge @!p0 [sflag:s1], $0x2800  }
0x376: {  	s14 =	rddreg [dreg:$0x1e]  }
0x377: {  	s31 =	rddreg [dreg:$0x17];
	s3 =	sadd.s32 $0x1, s14  }
0x378: {  	p1 =	sne.s32 s3, s31  }
.Ltmp7:
0x379: {  	_ = 	snop;
	(pc) =	sbr.rel @p1 .LBB2_1-.Ltmp7, $3  }
0x37a: {  	_ =	sdelay $0x1  }
0x37b: {  	[sflag:s1] =	ssyncset.done @!p0 $0x0  }
0x37c: {  	[sflag:s1] =	ssyncadd.s32 @!p0 $0xFFFFD800  }
0x37d: {  	_ =	sfence.sel $0x180000  }
0x37e: {  	[bflag:$0x0] =	sbarrier.arrive $0xFFFF  }
0x37f: {  	_ =	strace $0x90000047  }
0x380: {  	s0 =	stileid.u32;
	[bflag:$0x2] =	sbarrier.arrive $0xFFFF  }
0x381: {  	p0 =	sne.s32 s0, $0x0;
	s0 =	rddreg [dreg:$0x6]  }
0x382: {  	s0 =	sadd.s32 @!p0 $0x100000, s0  }
0x383: {  	[sflag:s0] =	ssyncadd.tile.s32 @!p0 $0x1;
	_ =	shalt  }
.Lfunc_end2:
_tile_overlayer_lowered:
.L_overlay_start_2:
0x384: {  	(tag) =	ssettag $0x2  }
0x385: {  	s0 =	rddreg [dreg:$0x0];
	s2 =	stileid.u32  }
0x386: {  	s1 =	rddreg [dreg:$0x1];
	p0 =	sne.s32 s2, $0x0  }
0x387: {  	s3 =	rddreg [dreg:$0x2];
	[bflag:$0x3] =	sbarrier.arrive $0xFFFF;
	s2 =	simm.s32 @!p0 $0x1C0B  }
0x388: {  	[timem:s3], [sflag:s2] =	dma.local @!p0 [hbm:s0], s1  }
0x389: {  	s0 =	simm.s32 @!p0 $0xB  }
0x38a: {  	_ =	swait.ge @!p0 [sflag:s0], s1  }
0x38b: {  	s1 =	ssub.s32 @!p0 $0x0, s1;
	[sflag:s0] =	ssyncset.done @!p0 $0x0  }
0x38c: {  	[sflag:s0] =	ssyncadd.s32 @!p0 s1  }
0x38d: {  	[bflag:$0x3] =	sbarrier.arrive $0xFFFF  }
0x38e: {  	_ =	shalt  }

</sc_bundles>
